<compile_context>
chip_gen: v7x
topology: tpu7x:2x2x1
jax: 0.10.2.dev20260603
libtpu: 0.0.44.dev20260713+nightly
codegen_flags: <defaults>
</compile_context>

<pallas_src>
import functools

import jax
import jax.numpy as jnp
from jax import lax
from jax.experimental import pallas as pl
from jax.experimental.pallas import tpu as pltpu
from jax.experimental.pallas import tpu_sc as plsc

_OFF = 3
_DOT = ord('.') + _OFF
_OB = ord('[') + _OFF
_CB = ord(']') + _OFF
_X = ord('x') + _OFF
_GAP = tuple(ord(c) + _OFF for c in '<gap>')
_NEG = -(1 << 30)
_PAD = 128

ROLE_PAD, ROLE_ALPHA, ROLE_PUNCT, ROLE_BOUND, ROLE_DAMAGE, ROLE_NUM = 0, 1, 2, 3, 4, 5


def _prep_kernel(B, S, V, D, R,
                 tids_ref, e_ref, r_ref, w_ref, b_ref,
                 tbl_ref, idx_ref, cm_ref, sh_ref):
    t = tids_ref[...]
    i32 = jnp.int32

    def shifted(x, fill, ks):
        sh_ref[:, 0:_PAD] = jnp.full((B, _PAD), fill, i32)
        sh_ref[:, _PAD:_PAD + S] = x
        sh_ref[:, _PAD + S:] = jnp.full((B, _PAD), fill, i32)
        return [sh_ref[:, _PAD + k:_PAD + k + S] for k in ks]

    def cummax(x):
        cm_ref[:, 0:S] = jnp.full((B, S), _NEG, i32)
        cur = x
        sh = 1
        while sh < S:
            cm_ref[:, S:] = cur
            cur = jnp.maximum(cur, cm_ref[:, S - sh:2 * S - sh])
            sh *= 2
        return cur

    pad = (t < 3) | (t >= 259)
    punct = ((t == ord('-') + _OFF) | (t == ord('.') + _OFF)
             | (t == ord(':') + _OFF) | (t == ord('=') + _OFF)
             | (t == ord(' ') + _OFF))
    bound = ((t == ord('{') + _OFF) | (t == ord('}') + _OFF)
             | (t == ord('(') + _OFF) | (t == ord(')') + _OFF)
             | (t == _OB) | (t == _CB))
    num = (t >= ord('0') + _OFF) & (t <= ord('9') + _OFF)
    base = jnp.where(pad, ROLE_PAD,
                     jnp.where(punct, ROLE_PUNCT,
                               jnp.where(bound, ROLE_BOUND,
                                         jnp.where(num, ROLE_NUM, ROLE_ALPHA))))

    iota = lax.broadcasted_iota(i32, (B, S), 1)

    tf = shifted(t, -1, list(range(0, 5)))
    m5 = (tf[0] == _GAP[0])
    for k in range(1, 5):
        m5 = m5 & (tf[k] == _GAP[k])
    mb = shifted(m5.astype(i32), 0, list(range(-4, 1)))
    dgap = (mb[4] | mb[3] | mb[2] | mb[1] | mb[0]) != 0

    is_dot = t == _DOT
    df = shifted(is_dot.astype(i32), 0, [1, 2])
    m3 = is_dot & (df[0] != 0) & (df[1] != 0)
    lnd = cummax(jnp.where(is_dot, -1, iota))
    sel3 = m3 & ((iota - lnd - 1) % 3 == 0)
    sb = shifted(sel3.astype(i32), 0, [-2, -1, 0])
    ddot = (sb[0] | sb[1] | sb[2]) != 0

    enc = jnp.where(t == _OB, 2 * iota + 1,
                    jnp.where(t == _CB, 2 * iota, -1))
    c = cummax(enc)
    markx = (t == _X) & (c >= 0) & ((c & 1) == 1)

    damage = dgap | ddot | markx
    role = jnp.where(damage, ROLE_DAMAGE, base)
    idx_ref[...] = role * V + t

    e = e_ref[...]
    p = lax.dot_general(e, w_ref[:, 0:D], (((1,), (1,)), ((), ())),
                        preferred_element_type=jnp.float32)
    q = lax.dot_general(r_ref[...], w_ref[:, D:2 * D], (((1,), (1,)), ((), ())),
                        preferred_element_type=jnp.float32)
    bvec = b_ref[...]
    for r in range(R):
        gate = jax.nn.sigmoid(p + q[r:r + 1, :] + bvec)
        tbl_ref[r * V:(r + 1) * V, :] = e + gate * r_ref[r:r + 1, :]


def _build_prep(B, S, V, D, R):
    return pl.pallas_call(
        functools.partial(_prep_kernel, B, S, V, D, R),
        out_shape=(
            jax.ShapeDtypeStruct((R * V, D), jnp.float32),
            jax.ShapeDtypeStruct((B, S), jnp.int32),
        ),
        scratch_shapes=[
            pltpu.VMEM((B, 2 * S), jnp.int32),
            pltpu.VMEM((B, S + 2 * _PAD), jnp.int32),
        ],
    )


def _build_gather(N, D, table_rows):
    NC, NS = 2, 16
    NW = NC * NS
    assert N % NW == 0
    b_per_w = N // NW
    chunk = 16
    nbuf = 6
    assert b_per_w % chunk == 0
    n_chunks = b_per_w // chunk
    mesh = plsc.VectorSubcoreMesh(core_axis_name="c", subcore_axis_name="s")

    scratch = ([pltpu.VMEM((b_per_w,), jnp.int32)]
               + [pltpu.VMEM((chunk, D), jnp.float32)] * nbuf
               + [pltpu.SemaphoreType.DMA] * (2 * nbuf))

    @functools.partial(
        pl.kernel,
        out_type=jax.ShapeDtypeStruct((N, D), jnp.float32),
        mesh=mesh,
        scratch_types=scratch,
    )
    def gather(tbl_hbm, idx_hbm, out_hbm, idx_all, *bufs):
        rowb = bufs[0:nbuf]
        gsem = bufs[nbuf:2 * nbuf]
        ssem = bufs[2 * nbuf:3 * nbuf]
        wid = lax.axis_index("s") * NC + lax.axis_index("c")
        base = wid * b_per_w
        pltpu.sync_copy(idx_hbm.at[pl.ds(base, b_per_w)], idx_all)
        pend_g = [None] * nbuf
        pend_s = [None] * nbuf
        ahead = nbuf - 1
        for ci in range(min(ahead, n_chunks)):
            pend_g[ci % nbuf] = pltpu.async_copy(
                tbl_hbm.at[idx_all.at[pl.ds(ci * chunk, chunk)]],
                rowb[ci % nbuf], gsem[ci % nbuf])
        for ci in range(n_chunks):
            b = ci % nbuf
            pend_g[b].wait()
            pend_s[b] = pltpu.async_copy(rowb[b],
                                         out_hbm.at[pl.ds(base + ci * chunk, chunk)],
                                         ssem[b])
            nxt = ci + ahead
            if nxt < n_chunks:
                nb = nxt % nbuf
                if pend_s[nb] is not None:
                    pend_s[nb].wait()
                    pend_s[nb] = None
                pend_g[nb] = pltpu.async_copy(
                    tbl_hbm.at[idx_all.at[pl.ds(nxt * chunk, chunk)]],
                    rowb[nb], gsem[nb])
        for p in pend_s:
            if p is not None:
                p.wait()

    return gather


def kernel(input_ids, embed_table, role_table, gate_W, gate_b):
    B, S = input_ids.shape
    V, D = embed_table.shape
    R = role_table.shape[0]
    tids = input_ids.astype(jnp.int32)
    b2 = gate_b.reshape(1, D)
    tbl, fidx = _build_prep(B, S, V, D, R)(tids, embed_table, role_table, gate_W, b2)
    out = _build_gather(B * S, D, R * V)(tbl, fidx.reshape(B * S))
    return out.reshape(B, S, D)

# --- scband reference (transcript-rebuilt; emitter-appended) ---
"""Pipeline reference for scband-boundary-aware-embedding-wrapper-56143812494008 (READ-ONLY COPY).

The authoritative reference and input builder live on the scoring server;
editing this copy changes nothing except your own understanding.
"""

import jax, jax.numpy as jnp
import numpy as np

ROLE_PAD, ROLE_ALPHA, ROLE_PUNCT, ROLE_BOUND, ROLE_DAMAGE, ROLE_NUM = 0, 1, 2, 3, 4, 5
OFF = 3

def _build_lut():
    lut = np.full(384, ROLE_ALPHA, dtype=np.int64)
    lut[0] = ROLE_PAD; lut[1] = ROLE_PAD; lut[2] = ROLE_PAD
    lut[259:384] = ROLE_PAD
    for b in range(128):
        tid = b + OFF
        ch = chr(b)
        if ch in '-=.:':
            lut[tid] = ROLE_PUNCT
        elif ch in '{}()[]':
            lut[tid] = ROLE_BOUND
        elif ch.isdigit():
            lut[tid] = ROLE_NUM
        elif ch == ' ':
            lut[tid] = ROLE_PUNCT
    return lut

_LUT = _build_lut()
_GAP = np.array([ord(c) + OFF for c in '<gap>'], dtype=np.int64)
_DOT = ord('.') + OFF
_OB = ord('[') + OFF
_CB = ord(']') + OFF
_X = ord('x') + OFF

_LUT_J = jnp.asarray(_LUT)
_GAP_J = jnp.asarray(_GAP)
_DOT_J = jnp.asarray(np.array([_DOT, _DOT, _DOT], dtype=np.int64))

def _pattern_match(tids, pat):
    n = tids.shape[0]
    L = pat.shape[0]
    m = tids[0:n - L + 1] == pat[0]
    for k in range(1, L):
        m = m & (tids[k:n - L + 1 + k] == pat[k])
    return jnp.concatenate([m, jnp.zeros((L - 1,), dtype=bool)])

def _greedy_select(match, L):
    def step(cool, m):
        sel = m & (cool == 0)
        cool = jnp.where(sel, L - 1, jnp.maximum(cool - 1, 0))
        return cool, sel
    _, sel = jax.lax.scan(step, jnp.int32(0), match)
    return sel

def _expand_span(sel, L):
    n = sel.shape[0]
    out = sel
    for k in range(1, L):
        out = out | jnp.concatenate([jnp.zeros((k,), dtype=bool), sel[:n - k]])
    return out

def _roles_1d(tids):
    base = jnp.take(_LUT_J, jnp.clip(tids, 0, 383))
    gap_sel = _greedy_select(_pattern_match(tids, _GAP_J), 5)
    dot_sel = _greedy_select(_pattern_match(tids, _DOT_J), 3)

    def bracket_step(state, t):
        mark = state & (t == _X)
        state = jnp.where(t == _OB, True, jnp.where(t == _CB, False, state))
        return state, mark
    _, markx = jax.lax.scan(bracket_step, jnp.bool_(False), tids)

    damage = _expand_span(gap_sel, 5) | _expand_span(dot_sel, 3) | markx
    return jnp.where(damage, ROLE_DAMAGE, base)

def compute_role_ids(input_ids):
    return jax.vmap(_roles_1d)(input_ids)

def setup_inputs(seed: int = 0) -> dict:
    key = jax.random.key(seed)
    k1, k2, k3, k4 = jax.random.split(key, 4)
    B, S, D, V, R = 4, 4096, 1024, 384, 6
    input_ids = jax.random.randint(k1, (B, S), 0, V, dtype=jnp.int64)
    embed_table = jax.random.normal(k2, (V, D), dtype=jnp.float32) * 0.02
    role_table = jax.random.normal(k3, (R, D), dtype=jnp.float32) * 0.01
    role_table = role_table.at[ROLE_PAD].set(0.0)
    gate_W = jax.random.normal(k4, (D, 2 * D), dtype=jnp.float32) * 0.01
    gate_b = jnp.full((D,), -2.0, dtype=jnp.float32)
    return {'input_ids': input_ids, 'embed_table': embed_table, 'role_table': role_table, 'gate_W': gate_W, 'gate_b': gate_b}

def reference(input_ids, embed_table, role_table, gate_W, gate_b):
    # byte embedding lookup (original_embed)
    byte_embeds = jnp.take(embed_table, input_ids, axis=0)
    # role id computation (mirroring _token_ids_to_role_tensor)
    role_ids = compute_role_ids(input_ids)
    # side embedding lookup
    role_embeds = jnp.take(role_table, role_ids, axis=0)
    # combine_mode == 'gate'
    gate_input = jnp.concatenate([byte_embeds, role_embeds], axis=-1)
    gate = jax.nn.sigmoid(jnp.einsum('bsk,dk->bsd', gate_input, gate_W) + gate_b)
    return byte_embeds + gate * role_embeds

if __name__ == "__main__":
    import jax
    _d = setup_inputs()
    print(jax.jit(kernel)(*tuple(_d.values())))

</pallas_src>

<mosaic_0001>
#map = affine_map<(d0, d1) -> (0, 0)>
#map1 = affine_map<(d0, d1) -> (0)>
module attributes {stable_mosaic.version = 14 : i64} {
  func.func @gather(%arg0: i32, %arg1: i32, %arg2: memref<2304x1024xf32, #tpu.memory_space<hbm>>, %arg3: memref<16384xi32, #tpu.memory_space<hbm>>, %arg4: memref<16384x1024xf32, #tpu.memory_space<hbm>>, %arg5: memref<512xi32, #tpu.memory_space<vmem>>, %arg6: memref<16x1024xf32, #tpu.memory_space<vmem>>, %arg7: memref<16x1024xf32, #tpu.memory_space<vmem>>, %arg8: memref<16x1024xf32, #tpu.memory_space<vmem>>, %arg9: memref<16x1024xf32, #tpu.memory_space<vmem>>, %arg10: memref<16x1024xf32, #tpu.memory_space<vmem>>, %arg11: memref<16x1024xf32, #tpu.memory_space<vmem>>, %arg12: memref<!tpu.dma_semaphore, #tpu.memory_space<semaphore_mem>>, %arg13: memref<!tpu.dma_semaphore, #tpu.memory_space<semaphore_mem>>, %arg14: memref<!tpu.dma_semaphore, #tpu.memory_space<semaphore_mem>>, %arg15: memref<!tpu.dma_semaphore, #tpu.memory_space<semaphore_mem>>, %arg16: memref<!tpu.dma_semaphore, #tpu.memory_space<semaphore_mem>>, %arg17: memref<!tpu.dma_semaphore, #tpu.memory_space<semaphore_mem>>, %arg18: memref<!tpu.dma_semaphore, #tpu.memory_space<semaphore_mem>>, %arg19: memref<!tpu.dma_semaphore, #tpu.memory_space<semaphore_mem>>, %arg20: memref<!tpu.dma_semaphore, #tpu.memory_space<semaphore_mem>>, %arg21: memref<!tpu.dma_semaphore, #tpu.memory_space<semaphore_mem>>, %arg22: memref<!tpu.dma_semaphore, #tpu.memory_space<semaphore_mem>>, %arg23: memref<!tpu.dma_semaphore, #tpu.memory_space<semaphore_mem>>) attributes {dimension_semantics = [#tpu.dimension_semantics<core_parallel>, #tpu.dimension_semantics<subcore_parallel>], iteration_bounds = array<i64: 2, 16>, scalar_prefetch = 0 : i64, scratch_operands = 19 : i64, tpu.core_type = #tpu.core_type<sc_vector_subcore>, window_params = [{transform_indices = #map}, {transform_indices = #map1}, {transform_indices = #map}]} {
    %mul3A = arith.constant 2 : i32
    %mul3A_0 = arith.muli %arg1, %mul3A : i32
    %add3A = arith.addi %mul3A_0, %arg0 : i32
    %mul3A_1 = arith.constant 512 : i32
    %mul3A_2 = arith.muli %add3A, %mul3A_1 : i32
    "tpu.region"() ({
      %run_scoped3A = tpu.sem_alloc : memref<!tpu.dma_semaphore, #tpu.memory_space<semaphore_mem>>
      %dma_start3A_641 = tpu.memref_slice %arg3[%mul3A_2] : memref<16384xi32, #tpu.memory_space<hbm>> -> memref<512xi32, #tpu.memory_space<hbm>>
      %dma_start3A_642 = tpu.memref_slice %arg3[%mul3A_2] : memref<16384xi32, #tpu.memory_space<hbm>> -> memref<512xi32, #tpu.memory_space<hbm>>
      tpu.enqueue_dma source(%dma_start3A_642 : memref<512xi32, #tpu.memory_space<hbm>>) target(%arg5 : memref<512xi32, #tpu.memory_space<vmem>>) target_semaphore(%run_scoped3A : memref<!tpu.dma_semaphore, #tpu.memory_space<semaphore_mem>>)
      %dma_wait3A_643 = tpu.memref_slice %arg3[%mul3A_2] : memref<16384xi32, #tpu.memory_space<hbm>> -> memref<512xi32, #tpu.memory_space<hbm>>
      %dma_wait3A_644 = tpu.memref_slice %arg3[%mul3A_2] : memref<16384xi32, #tpu.memory_space<hbm>> -> memref<512xi32, #tpu.memory_space<hbm>>
      tpu.wait_dma2 semaphore(%run_scoped3A : memref<!tpu.dma_semaphore, #tpu.memory_space<semaphore_mem>>) src(%dma_wait3A_644 : memref<512xi32, #tpu.memory_space<hbm>>) dst(%arg5 : memref<512xi32, #tpu.memory_space<vmem>>)
      tpu.yield
    }) : () -> ()
    %dma_start3A = arith.constant 0 : i32
    %dma_start3A_3 = tpu.memref_slice %arg5[%dma_start3A] : memref<512xi32, #tpu.memory_space<vmem>> -> memref<16xi32, #tpu.memory_space<vmem>>
    %dma_start3A_4 = arith.constant 0 : i32
    %dma_start3A_5 = arith.constant 0 : i32
    %dma_start3A_6 = tpu.memref_slice %arg2[%dma_start3A_4, %dma_start3A_5] : memref<2304x1024xf32, #tpu.memory_space<hbm>> -> memref<2304x1024xf32, #tpu.memory_space<hbm>>
    tpu.enqueue_indirect_dma source(%dma_start3A_6 : memref<2304x1024xf32, #tpu.memory_space<hbm>>) target(%arg6 : memref<16x1024xf32, #tpu.memory_space<vmem>>) offsets(%dma_start3A_3 : memref<16xi32, #tpu.memory_space<vmem>>) semaphore(%arg12 : memref<!tpu.dma_semaphore, #tpu.memory_space<semaphore_mem>>)
    %dma_start3A_7 = arith.constant 16 : i32
    %dma_start3A_8 = tpu.memref_slice %arg5[%dma_start3A_7] : memref<512xi32, #tpu.memory_space<vmem>> -> memref<16xi32, #tpu.memory_space<vmem>>
    %dma_start3A_9 = arith.constant 0 : i32
    %dma_start3A_10 = arith.constant 0 : i32
    %dma_start3A_11 = tpu.memref_slice %arg2[%dma_start3A_9, %dma_start3A_10] : memref<2304x1024xf32, #tpu.memory_space<hbm>> -> memref<2304x1024xf32, #tpu.memory_space<hbm>>
    tpu.enqueue_indirect_dma source(%dma_start3A_11 : memref<2304x1024xf32, #tpu.memory_space<hbm>>) target(%arg7 : memref<16x1024xf32, #tpu.memory_space<vmem>>) offsets(%dma_start3A_8 : memref<16xi32, #tpu.memory_space<vmem>>) semaphore(%arg13 : memref<!tpu.dma_semaphore, #tpu.memory_space<semaphore_mem>>)
    %dma_start3A_12 = arith.constant 32 : i32
    %dma_start3A_13 = tpu.memref_slice %arg5[%dma_start3A_12] : memref<512xi32, #tpu.memory_space<vmem>> -> memref<16xi32, #tpu.memory_space<vmem>>
    %dma_start3A_14 = arith.constant 0 : i32
    %dma_start3A_15 = arith.constant 0 : i32
    %dma_start3A_16 = tpu.memref_slice %arg2[%dma_start3A_14, %dma_start3A_15] : memref<2304x1024xf32, #tpu.memory_space<hbm>> -> memref<2304x1024xf32, #tpu.memory_space<hbm>>
    tpu.enqueue_indirect_dma source(%dma_start3A_16 : memref<2304x1024xf32, #tpu.memory_space<hbm>>) target(%arg8 : memref<16x1024xf32, #tpu.memory_space<vmem>>) offsets(%dma_start3A_13 : memref<16xi32, #tpu.memory_space<vmem>>) semaphore(%arg14 : memref<!tpu.dma_semaphore, #tpu.memory_space<semaphore_mem>>)
    %dma_start3A_17 = arith.constant 48 : i32
    %dma_start3A_18 = tpu.memref_slice %arg5[%dma_start3A_17] : memref<512xi32, #tpu.memory_space<vmem>> -> memref<16xi32, #tpu.memory_space<vmem>>
    %dma_start3A_19 = arith.constant 0 : i32
    %dma_start3A_20 = arith.constant 0 : i32
    %dma_start3A_21 = tpu.memref_slice %arg2[%dma_start3A_19, %dma_start3A_20] : memref<2304x1024xf32, #tpu.memory_space<hbm>> -> memref<2304x1024xf32, #tpu.memory_space<hbm>>
    tpu.enqueue_indirect_dma source(%dma_start3A_21 : memref<2304x1024xf32, #tpu.memory_space<hbm>>) target(%arg9 : memref<16x1024xf32, #tpu.memory_space<vmem>>) offsets(%dma_start3A_18 : memref<16xi32, #tpu.memory_space<vmem>>) semaphore(%arg15 : memref<!tpu.dma_semaphore, #tpu.memory_space<semaphore_mem>>)
    %dma_start3A_22 = arith.constant 64 : i32
    %dma_start3A_23 = tpu.memref_slice %arg5[%dma_start3A_22] : memref<512xi32, #tpu.memory_space<vmem>> -> memref<16xi32, #tpu.memory_space<vmem>>
    %dma_start3A_24 = arith.constant 0 : i32
    %dma_start3A_25 = arith.constant 0 : i32
    %dma_start3A_26 = tpu.memref_slice %arg2[%dma_start3A_24, %dma_start3A_25] : memref<2304x1024xf32, #tpu.memory_space<hbm>> -> memref<2304x1024xf32, #tpu.memory_space<hbm>>
    tpu.enqueue_indirect_dma source(%dma_start3A_26 : memref<2304x1024xf32, #tpu.memory_space<hbm>>) target(%arg10 : memref<16x1024xf32, #tpu.memory_space<vmem>>) offsets(%dma_start3A_23 : memref<16xi32, #tpu.memory_space<vmem>>) semaphore(%arg16 : memref<!tpu.dma_semaphore, #tpu.memory_space<semaphore_mem>>)
    %dma_wait3A = arith.constant 0 : i32
    %dma_wait3A_27 = tpu.memref_slice %arg5[%dma_wait3A] : memref<512xi32, #tpu.memory_space<vmem>> -> memref<16xi32, #tpu.memory_space<vmem>>
    %dma_wait3A_28 = arith.constant 0 : i32
    %dma_wait3A_29 = arith.constant 0 : i32
    %dma_wait3A_30 = tpu.memref_slice %arg2[%dma_wait3A_28, %dma_wait3A_29] : memref<2304x1024xf32, #tpu.memory_space<hbm>> -> memref<2304x1024xf32, #tpu.memory_space<hbm>>
    tpu.wait_indirect_dma semaphore(%arg12 : memref<!tpu.dma_semaphore, #tpu.memory_space<semaphore_mem>>) src(%dma_wait3A_30 : memref<2304x1024xf32, #tpu.memory_space<hbm>>) dst(%arg6 : memref<16x1024xf32, #tpu.memory_space<vmem>>)
    %add3A_31 = arith.constant 0 : i32
    %add3A_32 = arith.addi %mul3A_2, %add3A_31 : i32
    %dma_start3A_33 = arith.constant 0 : i32
    %dma_start3A_34 = tpu.memref_slice %arg4[%add3A_32, %dma_start3A_33] : memref<16384x1024xf32, #tpu.memory_space<hbm>> -> memref<16x1024xf32, #tpu.memory_space<hbm>>
    %dma_start3A_35 = arith.constant 0 : i32
    %dma_start3A_36 = tpu.memref_slice %arg4[%add3A_32, %dma_start3A_35] : memref<16384x1024xf32, #tpu.memory_space<hbm>> -> memref<16x1024xf32, #tpu.memory_space<hbm>>
    tpu.enqueue_dma source(%arg6 : memref<16x1024xf32, #tpu.memory_space<vmem>>) target(%dma_start3A_36 : memref<16x1024xf32, #tpu.memory_space<hbm>>) target_semaphore(%arg18 : memref<!tpu.dma_semaphore, #tpu.memory_space<semaphore_mem>>)
    %dma_start3A_37 = arith.constant 80 : i32
    %dma_start3A_38 = tpu.memref_slice %arg5[%dma_start3A_37] : memref<512xi32, #tpu.memory_space<vmem>> -> memref<16xi32, #tpu.memory_space<vmem>>
    %dma_start3A_39 = arith.constant 0 : i32
    %dma_start3A_40 = arith.constant 0 : i32
    %dma_start3A_41 = tpu.memref_slice %arg2[%dma_start3A_39, %dma_start3A_40] : memref<2304x1024xf32, #tpu.memory_space<hbm>> -> memref<2304x1024xf32, #tpu.memory_space<hbm>>
    tpu.enqueue_indirect_dma source(%dma_start3A_41 : memref<2304x1024xf32, #tpu.memory_space<hbm>>) target(%arg11 : memref<16x1024xf32, #tpu.memory_space<vmem>>) offsets(%dma_start3A_38 : memref<16xi32, #tpu.memory_space<vmem>>) semaphore(%arg17 : memref<!tpu.dma_semaphore, #tpu.memory_space<semaphore_mem>>)
    %dma_wait3A_42 = arith.constant 16 : i32
    %dma_wait3A_43 = tpu.memref_slice %arg5[%dma_wait3A_42] : memref<512xi32, #tpu.memory_space<vmem>> -> memref<16xi32, #tpu.memory_space<vmem>>
    %dma_wait3A_44 = arith.constant 0 : i32
    %dma_wait3A_45 = arith.constant 0 : i32
    %dma_wait3A_46 = tpu.memref_slice %arg2[%dma_wait3A_44, %dma_wait3A_45] : memref<2304x1024xf32, #tpu.memory_space<hbm>> -> memref<2304x1024xf32, #tpu.memory_space<hbm>>
    tpu.wait_indirect_dma semaphore(%arg13 : memref<!tpu.dma_semaphore, #tpu.memory_space<semaphore_mem>>) src(%dma_wait3A_46 : memref<2304x1024xf32, #tpu.memory_space<hbm>>) dst(%arg7 : memref<16x1024xf32, #tpu.memory_space<vmem>>)
    %add3A_47 = arith.constant 16 : i32
    %add3A_48 = arith.addi %mul3A_2, %add3A_47 : i32
    %dma_start3A_49 = arith.constant 0 : i32
    %dma_start3A_50 = tpu.memref_slice %arg4[%add3A_48, %dma_start3A_49] : memref<16384x1024xf32, #tpu.memory_space<hbm>> -> memref<16x1024xf32, #tpu.memory_space<hbm>>
    %dma_start3A_51 = arith.constant 0 : i32
    %dma_start3A_52 = tpu.memref_slice %arg4[%add3A_48, %dma_start3A_51] : memref<16384x1024xf32, #tpu.memory_space<hbm>> -> memref<16x1024xf32, #tpu.memory_space<hbm>>
    tpu.enqueue_dma source(%arg7 : memref<16x1024xf32, #tpu.memory_space<vmem>>) target(%dma_start3A_52 : memref<16x1024xf32, #tpu.memory_space<hbm>>) target_semaphore(%arg19 : memref<!tpu.dma_semaphore, #tpu.memory_space<semaphore_mem>>)
    %dma_wait3A_53 = arith.constant 0 : i32
    %dma_wait3A_54 = tpu.memref_slice %arg4[%add3A_32, %dma_wait3A_53] : memref<16384x1024xf32, #tpu.memory_space<hbm>> -> memref<16x1024xf32, #tpu.memory_space<hbm>>
    %dma_wait3A_55 = arith.constant 0 : i32
    %dma_wait3A_56 = tpu.memref_slice %arg4[%add3A_32, %dma_wait3A_55] : memref<16384x1024xf32, #tpu.memory_space<hbm>> -> memref<16x1024xf32, #tpu.memory_space<hbm>>
    tpu.wait_dma2 semaphore(%arg18 : memref<!tpu.dma_semaphore, #tpu.memory_space<semaphore_mem>>) src(%arg6 : memref<16x1024xf32, #tpu.memory_space<vmem>>) dst(%dma_wait3A_56 : memref<16x1024xf32, #tpu.memory_space<hbm>>)
    %dma_start3A_57 = arith.constant 96 : i32
    %dma_start3A_58 = tpu.memref_slice %arg5[%dma_start3A_57] : memref<512xi32, #tpu.memory_space<vmem>> -> memref<16xi32, #tpu.memory_space<vmem>>
    %dma_start3A_59 = arith.constant 0 : i32
    %dma_start3A_60 = arith.constant 0 : i32
    %dma_start3A_61 = tpu.memref_slice %arg2[%dma_start3A_59, %dma_start3A_60] : memref<2304x1024xf32, #tpu.memory_space<hbm>> -> memref<2304x1024xf32, #tpu.memory_space<hbm>>
    tpu.enqueue_indirect_dma source(%dma_start3A_61 : memref<2304x1024xf32, #tpu.memory_space<hbm>>) target(%arg6 : memref<16x1024xf32, #tpu.memory_space<vmem>>) offsets(%dma_start3A_58 : memref<16xi32, #tpu.memory_space<vmem>>) semaphore(%arg12 : memref<!tpu.dma_semaphore, #tpu.memory_space<semaphore_mem>>)
    %dma_wait3A_62 = arith.constant 32 : i32
    %dma_wait3A_63 = tpu.memref_slice %arg5[%dma_wait3A_62] : memref<512xi32, #tpu.memory_space<vmem>> -> memref<16xi32, #tpu.memory_space<vmem>>
    %dma_wait3A_64 = arith.constant 0 : i32
    %dma_wait3A_65 = arith.constant 0 : i32
    %dma_wait3A_66 = tpu.memref_slice %arg2[%dma_wait3A_64, %dma_wait3A_65] : memref<2304x1024xf32, #tpu.memory_space<hbm>> -> memref<2304x1024xf32, #tpu.memory_space<hbm>>
    tpu.wait_indirect_dma semaphore(%arg14 : memref<!tpu.dma_semaphore, #tpu.memory_space<semaphore_mem>>) src(%dma_wait3A_66 : memref<2304x1024xf32, #tpu.memory_space<hbm>>) dst(%arg8 : memref<16x1024xf32, #tpu.memory_space<vmem>>)
    %add3A_67 = arith.constant 32 : i32
    %add3A_68 = arith.addi %mul3A_2, %add3A_67 : i32
    %dma_start3A_69 = arith.constant 0 : i32
    %dma_start3A_70 = tpu.memref_slice %arg4[%add3A_68, %dma_start3A_69] : memref<16384x1024xf32, #tpu.memory_space<hbm>> -> memref<16x1024xf32, #tpu.memory_space<hbm>>
    %dma_start3A_71 = arith.constant 0 : i32
    %dma_start3A_72 = tpu.memref_slice %arg4[%add3A_68, %dma_start3A_71] : memref<16384x1024xf32, #tpu.memory_space<hbm>> -> memref<16x1024xf32, #tpu.memory_space<hbm>>
    tpu.enqueue_dma source(%arg8 : memref<16x1024xf32, #tpu.memory_space<vmem>>) target(%dma_start3A_72 : memref<16x1024xf32, #tpu.memory_space<hbm>>) target_semaphore(%arg20 : memref<!tpu.dma_semaphore, #tpu.memory_space<semaphore_mem>>)
    %dma_wait3A_73 = arith.constant 0 : i32
    %dma_wait3A_74 = tpu.memref_slice %arg4[%add3A_48, %dma_wait3A_73] : memref<16384x1024xf32, #tpu.memory_space<hbm>> -> memref<16x1024xf32, #tpu.memory_space<hbm>>
    %dma_wait3A_75 = arith.constant 0 : i32
    %dma_wait3A_76 = tpu.memref_slice %arg4[%add3A_48, %dma_wait3A_75] : memref<16384x1024xf32, #tpu.memory_space<hbm>> -> memref<16x1024xf32, #tpu.memory_space<hbm>>
    tpu.wait_dma2 semaphore(%arg19 : memref<!tpu.dma_semaphore, #tpu.memory_space<semaphore_mem>>) src(%arg7 : memref<16x1024xf32, #tpu.memory_space<vmem>>) dst(%dma_wait3A_76 : memref<16x1024xf32, #tpu.memory_space<hbm>>)
    %dma_start3A_77 = arith.constant 112 : i32
    %dma_start3A_78 = tpu.memref_slice %arg5[%dma_start3A_77] : memref<512xi32, #tpu.memory_space<vmem>> -> memref<16xi32, #tpu.memory_space<vmem>>
    %dma_start3A_79 = arith.constant 0 : i32
    %dma_start3A_80 = arith.constant 0 : i32
    %dma_start3A_81 = tpu.memref_slice %arg2[%dma_start3A_79, %dma_start3A_80] : memref<2304x1024xf32, #tpu.memory_space<hbm>> -> memref<2304x1024xf32, #tpu.memory_space<hbm>>
    tpu.enqueue_indirect_dma source(%dma_start3A_81 : memref<2304x1024xf32, #tpu.memory_space<hbm>>) target(%arg7 : memref<16x1024xf32, #tpu.memory_space<vmem>>) offsets(%dma_start3A_78 : memref<16xi32, #tpu.memory_space<vmem>>) semaphore(%arg13 : memref<!tpu.dma_semaphore, #tpu.memory_space<semaphore_mem>>)
    %dma_wait3A_82 = arith.constant 48 : i32
    %dma_wait3A_83 = tpu.memref_slice %arg5[%dma_wait3A_82] : memref<512xi32, #tpu.memory_space<vmem>> -> memref<16xi32, #tpu.memory_space<vmem>>
    %dma_wait3A_84 = arith.constant 0 : i32
    %dma_wait3A_85 = arith.constant 0 : i32
    %dma_wait3A_86 = tpu.memref_slice %arg2[%dma_wait3A_84, %dma_wait3A_85] : memref<2304x1024xf32, #tpu.memory_space<hbm>> -> memref<2304x1024xf32, #tpu.memory_space<hbm>>
    tpu.wait_indirect_dma semaphore(%arg15 : memref<!tpu.dma_semaphore, #tpu.memory_space<semaphore_mem>>) src(%dma_wait3A_86 : memref<2304x1024xf32, #tpu.memory_space<hbm>>) dst(%arg9 : memref<16x1024xf32, #tpu.memory_space<vmem>>)
    %add3A_87 = arith.constant 48 : i32
    %add3A_88 = arith.addi %mul3A_2, %add3A_87 : i32
    %dma_start3A_89 = arith.constant 0 : i32
    %dma_start3A_90 = tpu.memref_slice %arg4[%add3A_88, %dma_start3A_89] : memref<16384x1024xf32, #tpu.memory_space<hbm>> -> memref<16x1024xf32, #tpu.memory_space<hbm>>
    %dma_start3A_91 = arith.constant 0 : i32
    %dma_start3A_92 = tpu.memref_slice %arg4[%add3A_88, %dma_start3A_91] : memref<16384x1024xf32, #tpu.memory_space<hbm>> -> memref<16x1024xf32, #tpu.memory_space<hbm>>
    tpu.enqueue_dma source(%arg9 : memref<16x1024xf32, #tpu.memory_space<vmem>>) target(%dma_start3A_92 : memref<16x1024xf32, #tpu.memory_space<hbm>>) target_semaphore(%arg21 : memref<!tpu.dma_semaphore, #tpu.memory_space<semaphore_mem>>)
    %dma_wait3A_93 = arith.constant 0 : i32
    %dma_wait3A_94 = tpu.memref_slice %arg4[%add3A_68, %dma_wait3A_93] : memref<16384x1024xf32, #tpu.memory_space<hbm>> -> memref<16x1024xf32, #tpu.memory_space<hbm>>
    %dma_wait3A_95 = arith.constant 0 : i32
    %dma_wait3A_96 = tpu.memref_slice %arg4[%add3A_68, %dma_wait3A_95] : memref<16384x1024xf32, #tpu.memory_space<hbm>> -> memref<16x1024xf32, #tpu.memory_space<hbm>>
    tpu.wait_dma2 semaphore(%arg20 : memref<!tpu.dma_semaphore, #tpu.memory_space<semaphore_mem>>) src(%arg8 : memref<16x1024xf32, #tpu.memory_space<vmem>>) dst(%dma_wait3A_96 : memref<16x1024xf32, #tpu.memory_space<hbm>>)
    %dma_start3A_97 = arith.constant 128 : i32
    %dma_start3A_98 = tpu.memref_slice %arg5[%dma_start3A_97] : memref<512xi32, #tpu.memory_space<vmem>> -> memref<16xi32, #tpu.memory_space<vmem>>
    %dma_start3A_99 = arith.constant 0 : i32
    %dma_start3A_100 = arith.constant 0 : i32
    %dma_start3A_101 = tpu.memref_slice %arg2[%dma_start3A_99, %dma_start3A_100] : memref<2304x1024xf32, #tpu.memory_space<hbm>> -> memref<2304x1024xf32, #tpu.memory_space<hbm>>
    tpu.enqueue_indirect_dma source(%dma_start3A_101 : memref<2304x1024xf32, #tpu.memory_space<hbm>>) target(%arg8 : memref<16x1024xf32, #tpu.memory_space<vmem>>) offsets(%dma_start3A_98 : memref<16xi32, #tpu.memory_space<vmem>>) semaphore(%arg14 : memref<!tpu.dma_semaphore, #tpu.memory_space<semaphore_mem>>)
    %dma_wait3A_102 = arith.constant 64 : i32
    %dma_wait3A_103 = tpu.memref_slice %arg5[%dma_wait3A_102] : memref<512xi32, #tpu.memory_space<vmem>> -> memref<16xi32, #tpu.memory_space<vmem>>
    %dma_wait3A_104 = arith.constant 0 : i32
    %dma_wait3A_105 = arith.constant 0 : i32
    %dma_wait3A_106 = tpu.memref_slice %arg2[%dma_wait3A_104, %dma_wait3A_105] : memref<2304x1024xf32, #tpu.memory_space<hbm>> -> memref<2304x1024xf32, #tpu.memory_space<hbm>>
    tpu.wait_indirect_dma semaphore(%arg16 : memref<!tpu.dma_semaphore, #tpu.memory_space<semaphore_mem>>) src(%dma_wait3A_106 : memref<2304x1024xf32, #tpu.memory_space<hbm>>) dst(%arg10 : memref<16x1024xf32, #tpu.memory_space<vmem>>)
    %add3A_107 = arith.constant 64 : i32
    %add3A_108 = arith.addi %mul3A_2, %add3A_107 : i32
    %dma_start3A_109 = arith.constant 0 : i32
    %dma_start3A_110 = tpu.memref_slice %arg4[%add3A_108, %dma_start3A_109] : memref<16384x1024xf32, #tpu.memory_space<hbm>> -> memref<16x1024xf32, #tpu.memory_space<hbm>>
    %dma_start3A_111 = arith.constant 0 : i32
    %dma_start3A_112 = tpu.memref_slice %arg4[%add3A_108, %dma_start3A_111] : memref<16384x1024xf32, #tpu.memory_space<hbm>> -> memref<16x1024xf32, #tpu.memory_space<hbm>>
    tpu.enqueue_dma source(%arg10 : memref<16x1024xf32, #tpu.memory_space<vmem>>) target(%dma_start3A_112 : memref<16x1024xf32, #tpu.memory_space<hbm>>) target_semaphore(%arg22 : memref<!tpu.dma_semaphore, #tpu.memory_space<semaphore_mem>>)
    %dma_wait3A_113 = arith.constant 0 : i32
    %dma_wait3A_114 = tpu.memref_slice %arg4[%add3A_88, %dma_wait3A_113] : memref<16384x1024xf32, #tpu.memory_space<hbm>> -> memref<16x1024xf32, #tpu.memory_space<hbm>>
    %dma_wait3A_115 = arith.constant 0 : i32
    %dma_wait3A_116 = tpu.memref_slice %arg4[%add3A_88, %dma_wait3A_115] : memref<16384x1024xf32, #tpu.memory_space<hbm>> -> memref<16x1024xf32, #tpu.memory_space<hbm>>
    tpu.wait_dma2 semaphore(%arg21 : memref<!tpu.dma_semaphore, #tpu.memory_space<semaphore_mem>>) src(%arg9 : memref<16x1024xf32, #tpu.memory_space<vmem>>) dst(%dma_wait3A_116 : memref<16x1024xf32, #tpu.memory_space<hbm>>)
    %dma_start3A_117 = arith.constant 144 : i32
    %dma_start3A_118 = tpu.memref_slice %arg5[%dma_start3A_117] : memref<512xi32, #tpu.memory_space<vmem>> -> memref<16xi32, #tpu.memory_space<vmem>>
    %dma_start3A_119 = arith.constant 0 : i32
    %dma_start3A_120 = arith.constant 0 : i32
    %dma_start3A_121 = tpu.memref_slice %arg2[%dma_start3A_119, %dma_start3A_120] : memref<2304x1024xf32, #tpu.memory_space<hbm>> -> memref<2304x1024xf32, #tpu.memory_space<hbm>>
    tpu.enqueue_indirect_dma source(%dma_start3A_121 : memref<2304x1024xf32, #tpu.memory_space<hbm>>) target(%arg9 : memref<16x1024xf32, #tpu.memory_space<vmem>>) offsets(%dma_start3A_118 : memref<16xi32, #tpu.memory_space<vmem>>) semaphore(%arg15 : memref<!tpu.dma_semaphore, #tpu.memory_space<semaphore_mem>>)
    %dma_wait3A_122 = arith.constant 80 : i32
    %dma_wait3A_123 = tpu.memref_slice %arg5[%dma_wait3A_122] : memref<512xi32, #tpu.memory_space<vmem>> -> memref<16xi32, #tpu.memory_space<vmem>>
    %dma_wait3A_124 = arith.constant 0 : i32
    %dma_wait3A_125 = arith.constant 0 : i32
    %dma_wait3A_126 = tpu.memref_slice %arg2[%dma_wait3A_124, %dma_wait3A_125] : memref<2304x1024xf32, #tpu.memory_space<hbm>> -> memref<2304x1024xf32, #tpu.memory_space<hbm>>
    tpu.wait_indirect_dma semaphore(%arg17 : memref<!tpu.dma_semaphore, #tpu.memory_space<semaphore_mem>>) src(%dma_wait3A_126 : memref<2304x1024xf32, #tpu.memory_space<hbm>>) dst(%arg11 : memref<16x1024xf32, #tpu.memory_space<vmem>>)
    %add3A_127 = arith.constant 80 : i32
    %add3A_128 = arith.addi %mul3A_2, %add3A_127 : i32
    %dma_start3A_129 = arith.constant 0 : i32
    %dma_start3A_130 = tpu.memref_slice %arg4[%add3A_128, %dma_start3A_129] : memref<16384x1024xf32, #tpu.memory_space<hbm>> -> memref<16x1024xf32, #tpu.memory_space<hbm>>
    %dma_start3A_131 = arith.constant 0 : i32
    %dma_start3A_132 = tpu.memref_slice %arg4[%add3A_128, %dma_start3A_131] : memref<16384x1024xf32, #tpu.memory_space<hbm>> -> memref<16x1024xf32, #tpu.memory_space<hbm>>
    tpu.enqueue_dma source(%arg11 : memref<16x1024xf32, #tpu.memory_space<vmem>>) target(%dma_start3A_132 : memref<16x1024xf32, #tpu.memory_space<hbm>>) target_semaphore(%arg23 : memref<!tpu.dma_semaphore, #tpu.memory_space<semaphore_mem>>)
    %dma_wait3A_133 = arith.constant 0 : i32
    %dma_wait3A_134 = tpu.memref_slice %arg4[%add3A_108, %dma_wait3A_133] : memref<16384x1024xf32, #tpu.memory_space<hbm>> -> memref<16x1024xf32, #tpu.memory_space<hbm>>
    %dma_wait3A_135 = arith.constant 0 : i32
    %dma_wait3A_136 = tpu.memref_slice %arg4[%add3A_108, %dma_wait3A_135] : memref<16384x1024xf32, #tpu.memory_space<hbm>> -> memref<16x1024xf32, #tpu.memory_space<hbm>>
    tpu.wait_dma2 semaphore(%arg22 : memref<!tpu.dma_semaphore, #tpu.memory_space<semaphore_mem>>) src(%arg10 : memref<16x1024xf32, #tpu.memory_space<vmem>>) dst(%dma_wait3A_136 : memref<16x1024xf32, #tpu.memory_space<hbm>>)
    %dma_start3A_137 = arith.constant 160 : i32
    %dma_start3A_138 = tpu.memref_slice %arg5[%dma_start3A_137] : memref<512xi32, #tpu.memory_space<vmem>> -> memref<16xi32, #tpu.memory_space<vmem>>
    %dma_start3A_139 = arith.constant 0 : i32
    %dma_start3A_140 = arith.constant 0 : i32
    %dma_start3A_141 = tpu.memref_slice %arg2[%dma_start3A_139, %dma_start3A_140] : memref<2304x1024xf32, #tpu.memory_space<hbm>> -> memref<2304x1024xf32, #tpu.memory_space<hbm>>
    tpu.enqueue_indirect_dma source(%dma_start3A_141 : memref<2304x1024xf32, #tpu.memory_space<hbm>>) target(%arg10 : memref<16x1024xf32, #tpu.memory_space<vmem>>) offsets(%dma_start3A_138 : memref<16xi32, #tpu.memory_space<vmem>>) semaphore(%arg16 : memref<!tpu.dma_semaphore, #tpu.memory_space<semaphore_mem>>)
    %dma_wait3A_142 = arith.constant 96 : i32
    %dma_wait3A_143 = tpu.memref_slice %arg5[%dma_wait3A_142] : memref<512xi32, #tpu.memory_space<vmem>> -> memref<16xi32, #tpu.memory_space<vmem>>
    %dma_wait3A_144 = arith.constant 0 : i32
    %dma_wait3A_145 = arith.constant 0 : i32
    %dma_wait3A_146 = tpu.memref_slice %arg2[%dma_wait3A_144, %dma_wait3A_145] : memref<2304x1024xf32, #tpu.memory_space<hbm>> -> memref<2304x1024xf32, #tpu.memory_space<hbm>>
    tpu.wait_indirect_dma semaphore(%arg12 : memref<!tpu.dma_semaphore, #tpu.memory_space<semaphore_mem>>) src(%dma_wait3A_146 : memref<2304x1024xf32, #tpu.memory_space<hbm>>) dst(%arg6 : memref<16x1024xf32, #tpu.memory_space<vmem>>)
    %add3A_147 = arith.constant 96 : i32
    %add3A_148 = arith.addi %mul3A_2, %add3A_147 : i32
    %dma_start3A_149 = arith.constant 0 : i32
    %dma_start3A_150 = tpu.memref_slice %arg4[%add3A_148, %dma_start3A_149] : memref<16384x1024xf32, #tpu.memory_space<hbm>> -> memref<16x1024xf32, #tpu.memory_space<hbm>>
    %dma_start3A_151 = arith.constant 0 : i32
    %dma_start3A_152 = tpu.memref_slice %arg4[%add3A_148, %dma_start3A_151] : memref<16384x1024xf32, #tpu.memory_space<hbm>> -> memref<16x1024xf32, #tpu.memory_space<hbm>>
    tpu.enqueue_dma source(%arg6 : memref<16x1024xf32, #tpu.memory_space<vmem>>) target(%dma_start3A_152 : memref<16x1024xf32, #tpu.memory_space<hbm>>) target_semaphore(%arg18 : memref<!tpu.dma_semaphore, #tpu.memory_space<semaphore_mem>>)
    %dma_wait3A_153 = arith.constant 0 : i32
    %dma_wait3A_154 = tpu.memref_slice %arg4[%add3A_128, %dma_wait3A_153] : memref<16384x1024xf32, #tpu.memory_space<hbm>> -> memref<16x1024xf32, #tpu.memory_space<hbm>>
    %dma_wait3A_155 = arith.constant 0 : i32
    %dma_wait3A_156 = tpu.memref_slice %arg4[%add3A_128, %dma_wait3A_155] : memref<16384x1024xf32, #tpu.memory_space<hbm>> -> memref<16x1024xf32, #tpu.memory_space<hbm>>
    tpu.wait_dma2 semaphore(%arg23 : memref<!tpu.dma_semaphore, #tpu.memory_space<semaphore_mem>>) src(%arg11 : memref<16x1024xf32, #tpu.memory_space<vmem>>) dst(%dma_wait3A_156 : memref<16x1024xf32, #tpu.memory_space<hbm>>)
    %dma_start3A_157 = arith.constant 176 : i32
    %dma_start3A_158 = tpu.memref_slice %arg5[%dma_start3A_157] : memref<512xi32, #tpu.memory_space<vmem>> -> memref<16xi32, #tpu.memory_space<vmem>>
    %dma_start3A_159 = arith.constant 0 : i32
    %dma_start3A_160 = arith.constant 0 : i32
    %dma_start3A_161 = tpu.memref_slice %arg2[%dma_start3A_159, %dma_start3A_160] : memref<2304x1024xf32, #tpu.memory_space<hbm>> -> memref<2304x1024xf32, #tpu.memory_space<hbm>>
    tpu.enqueue_indirect_dma source(%dma_start3A_161 : memref<2304x1024xf32, #tpu.memory_space<hbm>>) target(%arg11 : memref<16x1024xf32, #tpu.memory_space<vmem>>) offsets(%dma_start3A_158 : memref<16xi32, #tpu.memory_space<vmem>>) semaphore(%arg17 : memref<!tpu.dma_semaphore, #tpu.memory_space<semaphore_mem>>)
    %dma_wait3A_162 = arith.constant 112 : i32
    %dma_wait3A_163 = tpu.memref_slice %arg5[%dma_wait3A_162] : memref<512xi32, #tpu.memory_space<vmem>> -> memref<16xi32, #tpu.memory_space<vmem>>
    %dma_wait3A_164 = arith.constant 0 : i32
    %dma_wait3A_165 = arith.constant 0 : i32
    %dma_wait3A_166 = tpu.memref_slice %arg2[%dma_wait3A_164, %dma_wait3A_165] : memref<2304x1024xf32, #tpu.memory_space<hbm>> -> memref<2304x1024xf32, #tpu.memory_space<hbm>>
    tpu.wait_indirect_dma semaphore(%arg13 : memref<!tpu.dma_semaphore, #tpu.memory_space<semaphore_mem>>) src(%dma_wait3A_166 : memref<2304x1024xf32, #tpu.memory_space<hbm>>) dst(%arg7 : memref<16x1024xf32, #tpu.memory_space<vmem>>)
    %add3A_167 = arith.constant 112 : i32
    %add3A_168 = arith.addi %mul3A_2, %add3A_167 : i32
    %dma_start3A_169 = arith.constant 0 : i32
    %dma_start3A_170 = tpu.memref_slice %arg4[%add3A_168, %dma_start3A_169] : memref<16384x1024xf32, #tpu.memory_space<hbm>> -> memref<16x1024xf32, #tpu.memory_space<hbm>>
    %dma_start3A_171 = arith.constant 0 : i32
    %dma_start3A_172 = tpu.memref_slice %arg4[%add3A_168, %dma_start3A_171] : memref<16384x1024xf32, #tpu.memory_space<hbm>> -> memref<16x1024xf32, #tpu.memory_space<hbm>>
    tpu.enqueue_dma source(%arg7 : memref<16x1024xf32, #tpu.memory_space<vmem>>) target(%dma_start3A_172 : memref<16x1024xf32, #tpu.memory_space<hbm>>) target_semaphore(%arg19 : memref<!tpu.dma_semaphore, #tpu.memory_space<semaphore_mem>>)
    %dma_wait3A_173 = arith.constant 0 : i32
    %dma_wait3A_174 = tpu.memref_slice %arg4[%add3A_148, %dma_wait3A_173] : memref<16384x1024xf32, #tpu.memory_space<hbm>> -> memref<16x1024xf32, #tpu.memory_space<hbm>>
    %dma_wait3A_175 = arith.constant 0 : i32
    %dma_wait3A_176 = tpu.memref_slice %arg4[%add3A_148, %dma_wait3A_175] : memref<16384x1024xf32, #tpu.memory_space<hbm>> -> memref<16x1024xf32, #tpu.memory_space<hbm>>
    tpu.wait_dma2 semaphore(%arg18 : memref<!tpu.dma_semaphore, #tpu.memory_space<semaphore_mem>>) src(%arg6 : memref<16x1024xf32, #tpu.memory_space<vmem>>) dst(%dma_wait3A_176 : memref<16x1024xf32, #tpu.memory_space<hbm>>)
    %dma_start3A_177 = arith.constant 192 : i32
    %dma_start3A_178 = tpu.memref_slice %arg5[%dma_start3A_177] : memref<512xi32, #tpu.memory_space<vmem>> -> memref<16xi32, #tpu.memory_space<vmem>>
    %dma_start3A_179 = arith.constant 0 : i32
    %dma_start3A_180 = arith.constant 0 : i32
    %dma_start3A_181 = tpu.memref_slice %arg2[%dma_start3A_179, %dma_start3A_180] : memref<2304x1024xf32, #tpu.memory_space<hbm>> -> memref<2304x1024xf32, #tpu.memory_space<hbm>>
    tpu.enqueue_indirect_dma source(%dma_start3A_181 : memref<2304x1024xf32, #tpu.memory_space<hbm>>) target(%arg6 : memref<16x1024xf32, #tpu.memory_space<vmem>>) offsets(%dma_start3A_178 : memref<16xi32, #tpu.memory_space<vmem>>) semaphore(%arg12 : memref<!tpu.dma_semaphore, #tpu.memory_space<semaphore_mem>>)
    %dma_wait3A_182 = arith.constant 128 : i32
    %dma_wait3A_183 = tpu.memref_slice %arg5[%dma_wait3A_182] : memref<512xi32, #tpu.memory_space<vmem>> -> memref<16xi32, #tpu.memory_space<vmem>>
    %dma_wait3A_184 = arith.constant 0 : i32
    %dma_wait3A_185 = arith.constant 0 : i32
    %dma_wait3A_186 = tpu.memref_slice %arg2[%dma_wait3A_184, %dma_wait3A_185] : memref<2304x1024xf32, #tpu.memory_space<hbm>> -> memref<2304x1024xf32, #tpu.memory_space<hbm>>
    tpu.wait_indirect_dma semaphore(%arg14 : memref<!tpu.dma_semaphore, #tpu.memory_space<semaphore_mem>>) src(%dma_wait3A_186 : memref<2304x1024xf32, #tpu.memory_space<hbm>>) dst(%arg8 : memref<16x1024xf32, #tpu.memory_space<vmem>>)
    %add3A_187 = arith.constant 128 : i32
    %add3A_188 = arith.addi %mul3A_2, %add3A_187 : i32
    %dma_start3A_189 = arith.constant 0 : i32
    %dma_start3A_190 = tpu.memref_slice %arg4[%add3A_188, %dma_start3A_189] : memref<16384x1024xf32, #tpu.memory_space<hbm>> -> memref<16x1024xf32, #tpu.memory_space<hbm>>
    %dma_start3A_191 = arith.constant 0 : i32
    %dma_start3A_192 = tpu.memref_slice %arg4[%add3A_188, %dma_start3A_191] : memref<16384x1024xf32, #tpu.memory_space<hbm>> -> memref<16x1024xf32, #tpu.memory_space<hbm>>
    tpu.enqueue_dma source(%arg8 : memref<16x1024xf32, #tpu.memory_space<vmem>>) target(%dma_start3A_192 : memref<16x1024xf32, #tpu.memory_space<hbm>>) target_semaphore(%arg20 : memref<!tpu.dma_semaphore, #tpu.memory_space<semaphore_mem>>)
    %dma_wait3A_193 = arith.constant 0 : i32
    %dma_wait3A_194 = tpu.memref_slice %arg4[%add3A_168, %dma_wait3A_193] : memref<16384x1024xf32, #tpu.memory_space<hbm>> -> memref<16x1024xf32, #tpu.memory_space<hbm>>
    %dma_wait3A_195 = arith.constant 0 : i32
    %dma_wait3A_196 = tpu.memref_slice %arg4[%add3A_168, %dma_wait3A_195] : memref<16384x1024xf32, #tpu.memory_space<hbm>> -> memref<16x1024xf32, #tpu.memory_space<hbm>>
    tpu.wait_dma2 semaphore(%arg19 : memref<!tpu.dma_semaphore, #tpu.memory_space<semaphore_mem>>) src(%arg7 : memref<16x1024xf32, #tpu.memory_space<vmem>>) dst(%dma_wait3A_196 : memref<16x1024xf32, #tpu.memory_space<hbm>>)
    %dma_start3A_197 = arith.constant 208 : i32
    %dma_start3A_198 = tpu.memref_slice %arg5[%dma_start3A_197] : memref<512xi32, #tpu.memory_space<vmem>> -> memref<16xi32, #tpu.memory_space<vmem>>
    %dma_start3A_199 = arith.constant 0 : i32
    %dma_start3A_200 = arith.constant 0 : i32
    %dma_start3A_201 = tpu.memref_slice %arg2[%dma_start3A_199, %dma_start3A_200] : memref<2304x1024xf32, #tpu.memory_space<hbm>> -> memref<2304x1024xf32, #tpu.memory_space<hbm>>
    tpu.enqueue_indirect_dma source(%dma_start3A_201 : memref<2304x1024xf32, #tpu.memory_space<hbm>>) target(%arg7 : memref<16x1024xf32, #tpu.memory_space<vmem>>) offsets(%dma_start3A_198 : memref<16xi32, #tpu.memory_space<vmem>>) semaphore(%arg13 : memref<!tpu.dma_semaphore, #tpu.memory_space<semaphore_mem>>)
    %dma_wait3A_202 = arith.constant 144 : i32
    %dma_wait3A_203 = tpu.memref_slice %arg5[%dma_wait3A_202] : memref<512xi32, #tpu.memory_space<vmem>> -> memref<16xi32, #tpu.memory_space<vmem>>
    %dma_wait3A_204 = arith.constant 0 : i32
    %dma_wait3A_205 = arith.constant 0 : i32
    %dma_wait3A_206 = tpu.memref_slice %arg2[%dma_wait3A_204, %dma_wait3A_205] : memref<2304x1024xf32, #tpu.memory_space<hbm>> -> memref<2304x1024xf32, #tpu.memory_space<hbm>>
    tpu.wait_indirect_dma semaphore(%arg15 : memref<!tpu.dma_semaphore, #tpu.memory_space<semaphore_mem>>) src(%dma_wait3A_206 : memref<2304x1024xf32, #tpu.memory_space<hbm>>) dst(%arg9 : memref<16x1024xf32, #tpu.memory_space<vmem>>)
    %add3A_207 = arith.constant 144 : i32
    %add3A_208 = arith.addi %mul3A_2, %add3A_207 : i32
    %dma_start3A_209 = arith.constant 0 : i32
    %dma_start3A_210 = tpu.memref_slice %arg4[%add3A_208, %dma_start3A_209] : memref<16384x1024xf32, #tpu.memory_space<hbm>> -> memref<16x1024xf32, #tpu.memory_space<hbm>>
    %dma_start3A_211 = arith.constant 0 : i32
    %dma_start3A_212 = tpu.memref_slice %arg4[%add3A_208, %dma_start3A_211] : memref<16384x1024xf32, #tpu.memory_space<hbm>> -> memref<16x1024xf32, #tpu.memory_space<hbm>>
    tpu.enqueue_dma source(%arg9 : memref<16x1024xf32, #tpu.memory_space<vmem>>) target(%dma_start3A_212 : memref<16x1024xf32, #tpu.memory_space<hbm>>) target_semaphore(%arg21 : memref<!tpu.dma_semaphore, #tpu.memory_space<semaphore_mem>>)
    %dma_wait3A_213 = arith.constant 0 : i32
    %dma_wait3A_214 = tpu.memref_slice %arg4[%add3A_188, %dma_wait3A_213] : memref<16384x1024xf32, #tpu.memory_space<hbm>> -> memref<16x1024xf32, #tpu.memory_space<hbm>>
    %dma_wait3A_215 = arith.constant 0 : i32
    %dma_wait3A_216 = tpu.memref_slice %arg4[%add3A_188, %dma_wait3A_215] : memref<16384x1024xf32, #tpu.memory_space<hbm>> -> memref<16x1024xf32, #tpu.memory_space<hbm>>
    tpu.wait_dma2 semaphore(%arg20 : memref<!tpu.dma_semaphore, #tpu.memory_space<semaphore_mem>>) src(%arg8 : memref<16x1024xf32, #tpu.memory_space<vmem>>) dst(%dma_wait3A_216 : memref<16x1024xf32, #tpu.memory_space<hbm>>)
    %dma_start3A_217 = arith.constant 224 : i32
    %dma_start3A_218 = tpu.memref_slice %arg5[%dma_start3A_217] : memref<512xi32, #tpu.memory_space<vmem>> -> memref<16xi32, #tpu.memory_space<vmem>>
    %dma_start3A_219 = arith.constant 0 : i32
    %dma_start3A_220 = arith.constant 0 : i32
    %dma_start3A_221 = tpu.memref_slice %arg2[%dma_start3A_219, %dma_start3A_220] : memref<2304x1024xf32, #tpu.memory_space<hbm>> -> memref<2304x1024xf32, #tpu.memory_space<hbm>>
    tpu.enqueue_indirect_dma source(%dma_start3A_221 : memref<2304x1024xf32, #tpu.memory_space<hbm>>) target(%arg8 : memref<16x1024xf32, #tpu.memory_space<vmem>>) offsets(%dma_start3A_218 : memref<16xi32, #tpu.memory_space<vmem>>) semaphore(%arg14 : memref<!tpu.dma_semaphore, #tpu.memory_space<semaphore_mem>>)
    %dma_wait3A_222 = arith.constant 160 : i32
    %dma_wait3A_223 = tpu.memref_slice %arg5[%dma_wait3A_222] : memref<512xi32, #tpu.memory_space<vmem>> -> memref<16xi32, #tpu.memory_space<vmem>>
    %dma_wait3A_224 = arith.constant 0 : i32
    %dma_wait3A_225 = arith.constant 0 : i32
    %dma_wait3A_226 = tpu.memref_slice %arg2[%dma_wait3A_224, %dma_wait3A_225] : memref<2304x1024xf32, #tpu.memory_space<hbm>> -> memref<2304x1024xf32, #tpu.memory_space<hbm>>
    tpu.wait_indirect_dma semaphore(%arg16 : memref<!tpu.dma_semaphore, #tpu.memory_space<semaphore_mem>>) src(%dma_wait3A_226 : memref<2304x1024xf32, #tpu.memory_space<hbm>>) dst(%arg10 : memref<16x1024xf32, #tpu.memory_space<vmem>>)
    %add3A_227 = arith.constant 160 : i32
    %add3A_228 = arith.addi %mul3A_2, %add3A_227 : i32
    %dma_start3A_229 = arith.constant 0 : i32
    %dma_start3A_230 = tpu.memref_slice %arg4[%add3A_228, %dma_start3A_229] : memref<16384x1024xf32, #tpu.memory_space<hbm>> -> memref<16x1024xf32, #tpu.memory_space<hbm>>
    %dma_start3A_231 = arith.constant 0 : i32
    %dma_start3A_232 = tpu.memref_slice %arg4[%add3A_228, %dma_start3A_231] : memref<16384x1024xf32, #tpu.memory_space<hbm>> -> memref<16x1024xf32, #tpu.memory_space<hbm>>
    tpu.enqueue_dma source(%arg10 : memref<16x1024xf32, #tpu.memory_space<vmem>>) target(%dma_start3A_232 : memref<16x1024xf32, #tpu.memory_space<hbm>>) target_semaphore(%arg22 : memref<!tpu.dma_semaphore, #tpu.memory_space<semaphore_mem>>)
    %dma_wait3A_233 = arith.constant 0 : i32
    %dma_wait3A_234 = tpu.memref_slice %arg4[%add3A_208, %dma_wait3A_233] : memref<16384x1024xf32, #tpu.memory_space<hbm>> -> memref<16x1024xf32, #tpu.memory_space<hbm>>
    %dma_wait3A_235 = arith.constant 0 : i32
    %dma_wait3A_236 = tpu.memref_slice %arg4[%add3A_208, %dma_wait3A_235] : memref<16384x1024xf32, #tpu.memory_space<hbm>> -> memref<16x1024xf32, #tpu.memory_space<hbm>>
    tpu.wait_dma2 semaphore(%arg21 : memref<!tpu.dma_semaphore, #tpu.memory_space<semaphore_mem>>) src(%arg9 : memref<16x1024xf32, #tpu.memory_space<vmem>>) dst(%dma_wait3A_236 : memref<16x1024xf32, #tpu.memory_space<hbm>>)
    %dma_start3A_237 = arith.constant 240 : i32
    %dma_start3A_238 = tpu.memref_slice %arg5[%dma_start3A_237] : memref<512xi32, #tpu.memory_space<vmem>> -> memref<16xi32, #tpu.memory_space<vmem>>
    %dma_start3A_239 = arith.constant 0 : i32
    %dma_start3A_240 = arith.constant 0 : i32
    %dma_start3A_241 = tpu.memref_slice %arg2[%dma_start3A_239, %dma_start3A_240] : memref<2304x1024xf32, #tpu.memory_space<hbm>> -> memref<2304x1024xf32, #tpu.memory_space<hbm>>
    tpu.enqueue_indirect_dma source(%dma_start3A_241 : memref<2304x1024xf32, #tpu.memory_space<hbm>>) target(%arg9 : memref<16x1024xf32, #tpu.memory_space<vmem>>) offsets(%dma_start3A_238 : memref<16xi32, #tpu.memory_space<vmem>>) semaphore(%arg15 : memref<!tpu.dma_semaphore, #tpu.memory_space<semaphore_mem>>)
    %dma_wait3A_242 = arith.constant 176 : i32
    %dma_wait3A_243 = tpu.memref_slice %arg5[%dma_wait3A_242] : memref<512xi32, #tpu.memory_space<vmem>> -> memref<16xi32, #tpu.memory_space<vmem>>
    %dma_wait3A_244 = arith.constant 0 : i32
    %dma_wait3A_245 = arith.constant 0 : i32
    %dma_wait3A_246 = tpu.memref_slice %arg2[%dma_wait3A_244, %dma_wait3A_245] : memref<2304x1024xf32, #tpu.memory_space<hbm>> -> memref<2304x1024xf32, #tpu.memory_space<hbm>>
    tpu.wait_indirect_dma semaphore(%arg17 : memref<!tpu.dma_semaphore, #tpu.memory_space<semaphore_mem>>) src(%dma_wait3A_246 : memref<2304x1024xf32, #tpu.memory_space<hbm>>) dst(%arg11 : memref<16x1024xf32, #tpu.memory_space<vmem>>)
    %add3A_247 = arith.constant 176 : i32
    %add3A_248 = arith.addi %mul3A_2, %add3A_247 : i32
    %dma_start3A_249 = arith.constant 0 : i32
    %dma_start3A_250 = tpu.memref_slice %arg4[%add3A_248, %dma_start3A_249] : memref<16384x1024xf32, #tpu.memory_space<hbm>> -> memref<16x1024xf32, #tpu.memory_space<hbm>>
    %dma_start3A_251 = arith.constant 0 : i32
    %dma_start3A_252 = tpu.memref_slice %arg4[%add3A_248, %dma_start3A_251] : memref<16384x1024xf32, #tpu.memory_space<hbm>> -> memref<16x1024xf32, #tpu.memory_space<hbm>>
    tpu.enqueue_dma source(%arg11 : memref<16x1024xf32, #tpu.memory_space<vmem>>) target(%dma_start3A_252 : memref<16x1024xf32, #tpu.memory_space<hbm>>) target_semaphore(%arg23 : memref<!tpu.dma_semaphore, #tpu.memory_space<semaphore_mem>>)
    %dma_wait3A_253 = arith.constant 0 : i32
    %dma_wait3A_254 = tpu.memref_slice %arg4[%add3A_228, %dma_wait3A_253] : memref<16384x1024xf32, #tpu.memory_space<hbm>> -> memref<16x1024xf32, #tpu.memory_space<hbm>>
    %dma_wait3A_255 = arith.constant 0 : i32
    %dma_wait3A_256 = tpu.memref_slice %arg4[%add3A_228, %dma_wait3A_255] : memref<16384x1024xf32, #tpu.memory_space<hbm>> -> memref<16x1024xf32, #tpu.memory_space<hbm>>
    tpu.wait_dma2 semaphore(%arg22 : memref<!tpu.dma_semaphore, #tpu.memory_space<semaphore_mem>>) src(%arg10 : memref<16x1024xf32, #tpu.memory_space<vmem>>) dst(%dma_wait3A_256 : memref<16x1024xf32, #tpu.memory_space<hbm>>)
    %dma_start3A_257 = arith.constant 256 : i32
    %dma_start3A_258 = tpu.memref_slice %arg5[%dma_start3A_257] : memref<512xi32, #tpu.memory_space<vmem>> -> memref<16xi32, #tpu.memory_space<vmem>>
    %dma_start3A_259 = arith.constant 0 : i32
    %dma_start3A_260 = arith.constant 0 : i32
    %dma_start3A_261 = tpu.memref_slice %arg2[%dma_start3A_259, %dma_start3A_260] : memref<2304x1024xf32, #tpu.memory_space<hbm>> -> memref<2304x1024xf32, #tpu.memory_space<hbm>>
    tpu.enqueue_indirect_dma source(%dma_start3A_261 : memref<2304x1024xf32, #tpu.memory_space<hbm>>) target(%arg10 : memref<16x1024xf32, #tpu.memory_space<vmem>>) offsets(%dma_start3A_258 : memref<16xi32, #tpu.memory_space<vmem>>) semaphore(%arg16 : memref<!tpu.dma_semaphore, #tpu.memory_space<semaphore_mem>>)
    %dma_wait3A_262 = arith.constant 192 : i32
    %dma_wait3A_263 = tpu.memref_slice %arg5[%dma_wait3A_262] : memref<512xi32, #tpu.memory_space<vmem>> -> memref<16xi32, #tpu.memory_space<vmem>>
    %dma_wait3A_264 = arith.constant 0 : i32
    %dma_wait3A_265 = arith.constant 0 : i32
    %dma_wait3A_266 = tpu.memref_slice %arg2[%dma_wait3A_264, %dma_wait3A_265] : memref<2304x1024xf32, #tpu.memory_space<hbm>> -> memref<2304x1024xf32, #tpu.memory_space<hbm>>
    tpu.wait_indirect_dma semaphore(%arg12 : memref<!tpu.dma_semaphore, #tpu.memory_space<semaphore_mem>>) src(%dma_wait3A_266 : memref<2304x1024xf32, #tpu.memory_space<hbm>>) dst(%arg6 : memref<16x1024xf32, #tpu.memory_space<vmem>>)
    %add3A_267 = arith.constant 192 : i32
    %add3A_268 = arith.addi %mul3A_2, %add3A_267 : i32
    %dma_start3A_269 = arith.constant 0 : i32
    %dma_start3A_270 = tpu.memref_slice %arg4[%add3A_268, %dma_start3A_269] : memref<16384x1024xf32, #tpu.memory_space<hbm>> -> memref<16x1024xf32, #tpu.memory_space<hbm>>
    %dma_start3A_271 = arith.constant 0 : i32
    %dma_start3A_272 = tpu.memref_slice %arg4[%add3A_268, %dma_start3A_271] : memref<16384x1024xf32, #tpu.memory_space<hbm>> -> memref<16x1024xf32, #tpu.memory_space<hbm>>
    tpu.enqueue_dma source(%arg6 : memref<16x1024xf32, #tpu.memory_space<vmem>>) target(%dma_start3A_272 : memref<16x1024xf32, #tpu.memory_space<hbm>>) target_semaphore(%arg18 : memref<!tpu.dma_semaphore, #tpu.memory_space<semaphore_mem>>)
    %dma_wait3A_273 = arith.constant 0 : i32
    %dma_wait3A_274 = tpu.memref_slice %arg4[%add3A_248, %dma_wait3A_273] : memref<16384x1024xf32, #tpu.memory_space<hbm>> -> memref<16x1024xf32, #tpu.memory_space<hbm>>
    %dma_wait3A_275 = arith.constant 0 : i32
    %dma_wait3A_276 = tpu.memref_slice %arg4[%add3A_248, %dma_wait3A_275] : memref<16384x1024xf32, #tpu.memory_space<hbm>> -> memref<16x1024xf32, #tpu.memory_space<hbm>>
    tpu.wait_dma2 semaphore(%arg23 : memref<!tpu.dma_semaphore, #tpu.memory_space<semaphore_mem>>) src(%arg11 : memref<16x1024xf32, #tpu.memory_space<vmem>>) dst(%dma_wait3A_276 : memref<16x1024xf32, #tpu.memory_space<hbm>>)
    %dma_start3A_277 = arith.constant 272 : i32
    %dma_start3A_278 = tpu.memref_slice %arg5[%dma_start3A_277] : memref<512xi32, #tpu.memory_space<vmem>> -> memref<16xi32, #tpu.memory_space<vmem>>
    %dma_start3A_279 = arith.constant 0 : i32
    %dma_start3A_280 = arith.constant 0 : i32
    %dma_start3A_281 = tpu.memref_slice %arg2[%dma_start3A_279, %dma_start3A_280] : memref<2304x1024xf32, #tpu.memory_space<hbm>> -> memref<2304x1024xf32, #tpu.memory_space<hbm>>
    tpu.enqueue_indirect_dma source(%dma_start3A_281 : memref<2304x1024xf32, #tpu.memory_space<hbm>>) target(%arg11 : memref<16x1024xf32, #tpu.memory_space<vmem>>) offsets(%dma_start3A_278 : memref<16xi32, #tpu.memory_space<vmem>>) semaphore(%arg17 : memref<!tpu.dma_semaphore, #tpu.memory_space<semaphore_mem>>)
    %dma_wait3A_282 = arith.constant 208 : i32
    %dma_wait3A_283 = tpu.memref_slice %arg5[%dma_wait3A_282] : memref<512xi32, #tpu.memory_space<vmem>> -> memref<16xi32, #tpu.memory_space<vmem>>
    %dma_wait3A_284 = arith.constant 0 : i32
    %dma_wait3A_285 = arith.constant 0 : i32
    %dma_wait3A_286 = tpu.memref_slice %arg2[%dma_wait3A_284, %dma_wait3A_285] : memref<2304x1024xf32, #tpu.memory_space<hbm>> -> memref<2304x1024xf32, #tpu.memory_space<hbm>>
    tpu.wait_indirect_dma semaphore(%arg13 : memref<!tpu.dma_semaphore, #tpu.memory_space<semaphore_mem>>) src(%dma_wait3A_286 : memref<2304x1024xf32, #tpu.memory_space<hbm>>) dst(%arg7 : memref<16x1024xf32, #tpu.memory_space<vmem>>)
    %add3A_287 = arith.constant 208 : i32
    %add3A_288 = arith.addi %mul3A_2, %add3A_287 : i32
    %dma_start3A_289 = arith.constant 0 : i32
    %dma_start3A_290 = tpu.memref_slice %arg4[%add3A_288, %dma_start3A_289] : memref<16384x1024xf32, #tpu.memory_space<hbm>> -> memref<16x1024xf32, #tpu.memory_space<hbm>>
    %dma_start3A_291 = arith.constant 0 : i32
    %dma_start3A_292 = tpu.memref_slice %arg4[%add3A_288, %dma_start3A_291] : memref<16384x1024xf32, #tpu.memory_space<hbm>> -> memref<16x1024xf32, #tpu.memory_space<hbm>>
    tpu.enqueue_dma source(%arg7 : memref<16x1024xf32, #tpu.memory_space<vmem>>) target(%dma_start3A_292 : memref<16x1024xf32, #tpu.memory_space<hbm>>) target_semaphore(%arg19 : memref<!tpu.dma_semaphore, #tpu.memory_space<semaphore_mem>>)
    %dma_wait3A_293 = arith.constant 0 : i32
    %dma_wait3A_294 = tpu.memref_slice %arg4[%add3A_268, %dma_wait3A_293] : memref<16384x1024xf32, #tpu.memory_space<hbm>> -> memref<16x1024xf32, #tpu.memory_space<hbm>>
    %dma_wait3A_295 = arith.constant 0 : i32
    %dma_wait3A_296 = tpu.memref_slice %arg4[%add3A_268, %dma_wait3A_295] : memref<16384x1024xf32, #tpu.memory_space<hbm>> -> memref<16x1024xf32, #tpu.memory_space<hbm>>
    tpu.wait_dma2 semaphore(%arg18 : memref<!tpu.dma_semaphore, #tpu.memory_space<semaphore_mem>>) src(%arg6 : memref<16x1024xf32, #tpu.memory_space<vmem>>) dst(%dma_wait3A_296 : memref<16x1024xf32, #tpu.memory_space<hbm>>)
    %dma_start3A_297 = arith.constant 288 : i32
    %dma_start3A_298 = tpu.memref_slice %arg5[%dma_start3A_297] : memref<512xi32, #tpu.memory_space<vmem>> -> memref<16xi32, #tpu.memory_space<vmem>>
    %dma_start3A_299 = arith.constant 0 : i32
    %dma_start3A_300 = arith.constant 0 : i32
    %dma_start3A_301 = tpu.memref_slice %arg2[%dma_start3A_299, %dma_start3A_300] : memref<2304x1024xf32, #tpu.memory_space<hbm>> -> memref<2304x1024xf32, #tpu.memory_space<hbm>>
    tpu.enqueue_indirect_dma source(%dma_start3A_301 : memref<2304x1024xf32, #tpu.memory_space<hbm>>) target(%arg6 : memref<16x1024xf32, #tpu.memory_space<vmem>>) offsets(%dma_start3A_298 : memref<16xi32, #tpu.memory_space<vmem>>) semaphore(%arg12 : memref<!tpu.dma_semaphore, #tpu.memory_space<semaphore_mem>>)
    %dma_wait3A_302 = arith.constant 224 : i32
    %dma_wait3A_303 = tpu.memref_slice %arg5[%dma_wait3A_302] : memref<512xi32, #tpu.memory_space<vmem>> -> memref<16xi32, #tpu.memory_space<vmem>>
    %dma_wait3A_304 = arith.constant 0 : i32
    %dma_wait3A_305 = arith.constant 0 : i32
    %dma_wait3A_306 = tpu.memref_slice %arg2[%dma_wait3A_304, %dma_wait3A_305] : memref<2304x1024xf32, #tpu.memory_space<hbm>> -> memref<2304x1024xf32, #tpu.memory_space<hbm>>
    tpu.wait_indirect_dma semaphore(%arg14 : memref<!tpu.dma_semaphore, #tpu.memory_space<semaphore_mem>>) src(%dma_wait3A_306 : memref<2304x1024xf32, #tpu.memory_space<hbm>>) dst(%arg8 : memref<16x1024xf32, #tpu.memory_space<vmem>>)
    %add3A_307 = arith.constant 224 : i32
    %add3A_308 = arith.addi %mul3A_2, %add3A_307 : i32
    %dma_start3A_309 = arith.constant 0 : i32
    %dma_start3A_310 = tpu.memref_slice %arg4[%add3A_308, %dma_start3A_309] : memref<16384x1024xf32, #tpu.memory_space<hbm>> -> memref<16x1024xf32, #tpu.memory_space<hbm>>
    %dma_start3A_311 = arith.constant 0 : i32
    %dma_start3A_312 = tpu.memref_slice %arg4[%add3A_308, %dma_start3A_311] : memref<16384x1024xf32, #tpu.memory_space<hbm>> -> memref<16x1024xf32, #tpu.memory_space<hbm>>
    tpu.enqueue_dma source(%arg8 : memref<16x1024xf32, #tpu.memory_space<vmem>>) target(%dma_start3A_312 : memref<16x1024xf32, #tpu.memory_space<hbm>>) target_semaphore(%arg20 : memref<!tpu.dma_semaphore, #tpu.memory_space<semaphore_mem>>)
    %dma_wait3A_313 = arith.constant 0 : i32
    %dma_wait3A_314 = tpu.memref_slice %arg4[%add3A_288, %dma_wait3A_313] : memref<16384x1024xf32, #tpu.memory_space<hbm>> -> memref<16x1024xf32, #tpu.memory_space<hbm>>
    %dma_wait3A_315 = arith.constant 0 : i32
    %dma_wait3A_316 = tpu.memref_slice %arg4[%add3A_288, %dma_wait3A_315] : memref<16384x1024xf32, #tpu.memory_space<hbm>> -> memref<16x1024xf32, #tpu.memory_space<hbm>>
    tpu.wait_dma2 semaphore(%arg19 : memref<!tpu.dma_semaphore, #tpu.memory_space<semaphore_mem>>) src(%arg7 : memref<16x1024xf32, #tpu.memory_space<vmem>>) dst(%dma_wait3A_316 : memref<16x1024xf32, #tpu.memory_space<hbm>>)
    %dma_start3A_317 = arith.constant 304 : i32
    %dma_start3A_318 = tpu.memref_slice %arg5[%dma_start3A_317] : memref<512xi32, #tpu.memory_space<vmem>> -> memref<16xi32, #tpu.memory_space<vmem>>
    %dma_start3A_319 = arith.constant 0 : i32
    %dma_start3A_320 = arith.constant 0 : i32
    %dma_start3A_321 = tpu.memref_slice %arg2[%dma_start3A_319, %dma_start3A_320] : memref<2304x1024xf32, #tpu.memory_space<hbm>> -> memref<2304x1024xf32, #tpu.memory_space<hbm>>
    tpu.enqueue_indirect_dma source(%dma_start3A_321 : memref<2304x1024xf32, #tpu.memory_space<hbm>>) target(%arg7 : memref<16x1024xf32, #tpu.memory_space<vmem>>) offsets(%dma_start3A_318 : memref<16xi32, #tpu.memory_space<vmem>>) semaphore(%arg13 : memref<!tpu.dma_semaphore, #tpu.memory_space<semaphore_mem>>)
    %dma_wait3A_322 = arith.constant 240 : i32
    %dma_wait3A_323 = tpu.memref_slice %arg5[%dma_wait3A_322] : memref<512xi32, #tpu.memory_space<vmem>> -> memref<16xi32, #tpu.memory_space<vmem>>
    %dma_wait3A_324 = arith.constant 0 : i32
    %dma_wait3A_325 = arith.constant 0 : i32
    %dma_wait3A_326 = tpu.memref_slice %arg2[%dma_wait3A_324, %dma_wait3A_325] : memref<2304x1024xf32, #tpu.memory_space<hbm>> -> memref<2304x1024xf32, #tpu.memory_space<hbm>>
    tpu.wait_indirect_dma semaphore(%arg15 : memref<!tpu.dma_semaphore, #tpu.memory_space<semaphore_mem>>) src(%dma_wait3A_326 : memref<2304x1024xf32, #tpu.memory_space<hbm>>) dst(%arg9 : memref<16x1024xf32, #tpu.memory_space<vmem>>)
    %add3A_327 = arith.constant 240 : i32
    %add3A_328 = arith.addi %mul3A_2, %add3A_327 : i32
    %dma_start3A_329 = arith.constant 0 : i32
    %dma_start3A_330 = tpu.memref_slice %arg4[%add3A_328, %dma_start3A_329] : memref<16384x1024xf32, #tpu.memory_space<hbm>> -> memref<16x1024xf32, #tpu.memory_space<hbm>>
    %dma_start3A_331 = arith.constant 0 : i32
    %dma_start3A_332 = tpu.memref_slice %arg4[%add3A_328, %dma_start3A_331] : memref<16384x1024xf32, #tpu.memory_space<hbm>> -> memref<16x1024xf32, #tpu.memory_space<hbm>>
    tpu.enqueue_dma source(%arg9 : memref<16x1024xf32, #tpu.memory_space<vmem>>) target(%dma_start3A_332 : memref<16x1024xf32, #tpu.memory_space<hbm>>) target_semaphore(%arg21 : memref<!tpu.dma_semaphore, #tpu.memory_space<semaphore_mem>>)
    %dma_wait3A_333 = arith.constant 0 : i32
    %dma_wait3A_334 = tpu.memref_slice %arg4[%add3A_308, %dma_wait3A_333] : memref<16384x1024xf32, #tpu.memory_space<hbm>> -> memref<16x1024xf32, #tpu.memory_space<hbm>>
    %dma_wait3A_335 = arith.constant 0 : i32
    %dma_wait3A_336 = tpu.memref_slice %arg4[%add3A_308, %dma_wait3A_335] : memref<16384x1024xf32, #tpu.memory_space<hbm>> -> memref<16x1024xf32, #tpu.memory_space<hbm>>
    tpu.wait_dma2 semaphore(%arg20 : memref<!tpu.dma_semaphore, #tpu.memory_space<semaphore_mem>>) src(%arg8 : memref<16x1024xf32, #tpu.memory_space<vmem>>) dst(%dma_wait3A_336 : memref<16x1024xf32, #tpu.memory_space<hbm>>)
    %dma_start3A_337 = arith.constant 320 : i32
    %dma_start3A_338 = tpu.memref_slice %arg5[%dma_start3A_337] : memref<512xi32, #tpu.memory_space<vmem>> -> memref<16xi32, #tpu.memory_space<vmem>>
    %dma_start3A_339 = arith.constant 0 : i32
    %dma_start3A_340 = arith.constant 0 : i32
    %dma_start3A_341 = tpu.memref_slice %arg2[%dma_start3A_339, %dma_start3A_340] : memref<2304x1024xf32, #tpu.memory_space<hbm>> -> memref<2304x1024xf32, #tpu.memory_space<hbm>>
    tpu.enqueue_indirect_dma source(%dma_start3A_341 : memref<2304x1024xf32, #tpu.memory_space<hbm>>) target(%arg8 : memref<16x1024xf32, #tpu.memory_space<vmem>>) offsets(%dma_start3A_338 : memref<16xi32, #tpu.memory_space<vmem>>) semaphore(%arg14 : memref<!tpu.dma_semaphore, #tpu.memory_space<semaphore_mem>>)
    %dma_wait3A_342 = arith.constant 256 : i32
    %dma_wait3A_343 = tpu.memref_slice %arg5[%dma_wait3A_342] : memref<512xi32, #tpu.memory_space<vmem>> -> memref<16xi32, #tpu.memory_space<vmem>>
    %dma_wait3A_344 = arith.constant 0 : i32
    %dma_wait3A_345 = arith.constant 0 : i32
    %dma_wait3A_346 = tpu.memref_slice %arg2[%dma_wait3A_344, %dma_wait3A_345] : memref<2304x1024xf32, #tpu.memory_space<hbm>> -> memref<2304x1024xf32, #tpu.memory_space<hbm>>
    tpu.wait_indirect_dma semaphore(%arg16 : memref<!tpu.dma_semaphore, #tpu.memory_space<semaphore_mem>>) src(%dma_wait3A_346 : memref<2304x1024xf32, #tpu.memory_space<hbm>>) dst(%arg10 : memref<16x1024xf32, #tpu.memory_space<vmem>>)
    %add3A_347 = arith.constant 256 : i32
    %add3A_348 = arith.addi %mul3A_2, %add3A_347 : i32
    %dma_start3A_349 = arith.constant 0 : i32
    %dma_start3A_350 = tpu.memref_slice %arg4[%add3A_348, %dma_start3A_349] : memref<16384x1024xf32, #tpu.memory_space<hbm>> -> memref<16x1024xf32, #tpu.memory_space<hbm>>
    %dma_start3A_351 = arith.constant 0 : i32
    %dma_start3A_352 = tpu.memref_slice %arg4[%add3A_348, %dma_start3A_351] : memref<16384x1024xf32, #tpu.memory_space<hbm>> -> memref<16x1024xf32, #tpu.memory_space<hbm>>
    tpu.enqueue_dma source(%arg10 : memref<16x1024xf32, #tpu.memory_space<vmem>>) target(%dma_start3A_352 : memref<16x1024xf32, #tpu.memory_space<hbm>>) target_semaphore(%arg22 : memref<!tpu.dma_semaphore, #tpu.memory_space<semaphore_mem>>)
    %dma_wait3A_353 = arith.constant 0 : i32
    %dma_wait3A_354 = tpu.memref_slice %arg4[%add3A_328, %dma_wait3A_353] : memref<16384x1024xf32, #tpu.memory_space<hbm>> -> memref<16x1024xf32, #tpu.memory_space<hbm>>
    %dma_wait3A_355 = arith.constant 0 : i32
    %dma_wait3A_356 = tpu.memref_slice %arg4[%add3A_328, %dma_wait3A_355] : memref<16384x1024xf32, #tpu.memory_space<hbm>> -> memref<16x1024xf32, #tpu.memory_space<hbm>>
    tpu.wait_dma2 semaphore(%arg21 : memref<!tpu.dma_semaphore, #tpu.memory_space<semaphore_mem>>) src(%arg9 : memref<16x1024xf32, #tpu.memory_space<vmem>>) dst(%dma_wait3A_356 : memref<16x1024xf32, #tpu.memory_space<hbm>>)
    %dma_start3A_357 = arith.constant 336 : i32
    %dma_start3A_358 = tpu.memref_slice %arg5[%dma_start3A_357] : memref<512xi32, #tpu.memory_space<vmem>> -> memref<16xi32, #tpu.memory_space<vmem>>
    %dma_start3A_359 = arith.constant 0 : i32
    %dma_start3A_360 = arith.constant 0 : i32
    %dma_start3A_361 = tpu.memref_slice %arg2[%dma_start3A_359, %dma_start3A_360] : memref<2304x1024xf32, #tpu.memory_space<hbm>> -> memref<2304x1024xf32, #tpu.memory_space<hbm>>
    tpu.enqueue_indirect_dma source(%dma_start3A_361 : memref<2304x1024xf32, #tpu.memory_space<hbm>>) target(%arg9 : memref<16x1024xf32, #tpu.memory_space<vmem>>) offsets(%dma_start3A_358 : memref<16xi32, #tpu.memory_space<vmem>>) semaphore(%arg15 : memref<!tpu.dma_semaphore, #tpu.memory_space<semaphore_mem>>)
    %dma_wait3A_362 = arith.constant 272 : i32
    %dma_wait3A_363 = tpu.memref_slice %arg5[%dma_wait3A_362] : memref<512xi32, #tpu.memory_space<vmem>> -> memref<16xi32, #tpu.memory_space<vmem>>
    %dma_wait3A_364 = arith.constant 0 : i32
    %dma_wait3A_365 = arith.constant 0 : i32
    %dma_wait3A_366 = tpu.memref_slice %arg2[%dma_wait3A_364, %dma_wait3A_365] : memref<2304x1024xf32, #tpu.memory_space<hbm>> -> memref<2304x1024xf32, #tpu.memory_space<hbm>>
    tpu.wait_indirect_dma semaphore(%arg17 : memref<!tpu.dma_semaphore, #tpu.memory_space<semaphore_mem>>) src(%dma_wait3A_366 : memref<2304x1024xf32, #tpu.memory_space<hbm>>) dst(%arg11 : memref<16x1024xf32, #tpu.memory_space<vmem>>)
    %add3A_367 = arith.constant 272 : i32
    %add3A_368 = arith.addi %mul3A_2, %add3A_367 : i32
    %dma_start3A_369 = arith.constant 0 : i32
    %dma_start3A_370 = tpu.memref_slice %arg4[%add3A_368, %dma_start3A_369] : memref<16384x1024xf32, #tpu.memory_space<hbm>> -> memref<16x1024xf32, #tpu.memory_space<hbm>>
    %dma_start3A_371 = arith.constant 0 : i32
    %dma_start3A_372 = tpu.memref_slice %arg4[%add3A_368, %dma_start3A_371] : memref<16384x1024xf32, #tpu.memory_space<hbm>> -> memref<16x1024xf32, #tpu.memory_space<hbm>>
    tpu.enqueue_dma source(%arg11 : memref<16x1024xf32, #tpu.memory_space<vmem>>) target(%dma_start3A_372 : memref<16x1024xf32, #tpu.memory_space<hbm>>) target_semaphore(%arg23 : memref<!tpu.dma_semaphore, #tpu.memory_space<semaphore_mem>>)
    %dma_wait3A_373 = arith.constant 0 : i32
    %dma_wait3A_374 = tpu.memref_slice %arg4[%add3A_348, %dma_wait3A_373] : memref<16384x1024xf32, #tpu.memory_space<hbm>> -> memref<16x1024xf32, #tpu.memory_space<hbm>>
    %dma_wait3A_375 = arith.constant 0 : i32
    %dma_wait3A_376 = tpu.memref_slice %arg4[%add3A_348, %dma_wait3A_375] : memref<16384x1024xf32, #tpu.memory_space<hbm>> -> memref<16x1024xf32, #tpu.memory_space<hbm>>
    tpu.wait_dma2 semaphore(%arg22 : memref<!tpu.dma_semaphore, #tpu.memory_space<semaphore_mem>>) src(%arg10 : memref<16x1024xf32, #tpu.memory_space<vmem>>) dst(%dma_wait3A_376 : memref<16x1024xf32, #tpu.memory_space<hbm>>)
    %dma_start3A_377 = arith.constant 352 : i32
    %dma_start3A_378 = tpu.memref_slice %arg5[%dma_start3A_377] : memref<512xi32, #tpu.memory_space<vmem>> -> memref<16xi32, #tpu.memory_space<vmem>>
    %dma_start3A_379 = arith.constant 0 : i32
    %dma_start3A_380 = arith.constant 0 : i32
    %dma_start3A_381 = tpu.memref_slice %arg2[%dma_start3A_379, %dma_start3A_380] : memref<2304x1024xf32, #tpu.memory_space<hbm>> -> memref<2304x1024xf32, #tpu.memory_space<hbm>>
    tpu.enqueue_indirect_dma source(%dma_start3A_381 : memref<2304x1024xf32, #tpu.memory_space<hbm>>) target(%arg10 : memref<16x1024xf32, #tpu.memory_space<vmem>>) offsets(%dma_start3A_378 : memref<16xi32, #tpu.memory_space<vmem>>) semaphore(%arg16 : memref<!tpu.dma_semaphore, #tpu.memory_space<semaphore_mem>>)
    %dma_wait3A_382 = arith.constant 288 : i32
    %dma_wait3A_383 = tpu.memref_slice %arg5[%dma_wait3A_382] : memref<512xi32, #tpu.memory_space<vmem>> -> memref<16xi32, #tpu.memory_space<vmem>>
    %dma_wait3A_384 = arith.constant 0 : i32
    %dma_wait3A_385 = arith.constant 0 : i32
    %dma_wait3A_386 = tpu.memref_slice %arg2[%dma_wait3A_384, %dma_wait3A_385] : memref<2304x1024xf32, #tpu.memory_space<hbm>> -> memref<2304x1024xf32, #tpu.memory_space<hbm>>
    tpu.wait_indirect_dma semaphore(%arg12 : memref<!tpu.dma_semaphore, #tpu.memory_space<semaphore_mem>>) src(%dma_wait3A_386 : memref<2304x1024xf32, #tpu.memory_space<hbm>>) dst(%arg6 : memref<16x1024xf32, #tpu.memory_space<vmem>>)
    %add3A_387 = arith.constant 288 : i32
    %add3A_388 = arith.addi %mul3A_2, %add3A_387 : i32
    %dma_start3A_389 = arith.constant 0 : i32
    %dma_start3A_390 = tpu.memref_slice %arg4[%add3A_388, %dma_start3A_389] : memref<16384x1024xf32, #tpu.memory_space<hbm>> -> memref<16x1024xf32, #tpu.memory_space<hbm>>
    %dma_start3A_391 = arith.constant 0 : i32
    %dma_start3A_392 = tpu.memref_slice %arg4[%add3A_388, %dma_start3A_391] : memref<16384x1024xf32, #tpu.memory_space<hbm>> -> memref<16x1024xf32, #tpu.memory_space<hbm>>
    tpu.enqueue_dma source(%arg6 : memref<16x1024xf32, #tpu.memory_space<vmem>>) target(%dma_start3A_392 : memref<16x1024xf32, #tpu.memory_space<hbm>>) target_semaphore(%arg18 : memref<!tpu.dma_semaphore, #tpu.memory_space<semaphore_mem>>)
    %dma_wait3A_393 = arith.constant 0 : i32
    %dma_wait3A_394 = tpu.memref_slice %arg4[%add3A_368, %dma_wait3A_393] : memref<16384x1024xf32, #tpu.memory_space<hbm>> -> memref<16x1024xf32, #tpu.memory_space<hbm>>
    %dma_wait3A_395 = arith.constant 0 : i32
    %dma_wait3A_396 = tpu.memref_slice %arg4[%add3A_368, %dma_wait3A_395] : memref<16384x1024xf32, #tpu.memory_space<hbm>> -> memref<16x1024xf32, #tpu.memory_space<hbm>>
    tpu.wait_dma2 semaphore(%arg23 : memref<!tpu.dma_semaphore, #tpu.memory_space<semaphore_mem>>) src(%arg11 : memref<16x1024xf32, #tpu.memory_space<vmem>>) dst(%dma_wait3A_396 : memref<16x1024xf32, #tpu.memory_space<hbm>>)
    %dma_start3A_397 = arith.constant 368 : i32
    %dma_start3A_398 = tpu.memref_slice %arg5[%dma_start3A_397] : memref<512xi32, #tpu.memory_space<vmem>> -> memref<16xi32, #tpu.memory_space<vmem>>
    %dma_start3A_399 = arith.constant 0 : i32
    %dma_start3A_400 = arith.constant 0 : i32
    %dma_start3A_401 = tpu.memref_slice %arg2[%dma_start3A_399, %dma_start3A_400] : memref<2304x1024xf32, #tpu.memory_space<hbm>> -> memref<2304x1024xf32, #tpu.memory_space<hbm>>
    tpu.enqueue_indirect_dma source(%dma_start3A_401 : memref<2304x1024xf32, #tpu.memory_space<hbm>>) target(%arg11 : memref<16x1024xf32, #tpu.memory_space<vmem>>) offsets(%dma_start3A_398 : memref<16xi32, #tpu.memory_space<vmem>>) semaphore(%arg17 : memref<!tpu.dma_semaphore, #tpu.memory_space<semaphore_mem>>)
    %dma_wait3A_402 = arith.constant 304 : i32
    %dma_wait3A_403 = tpu.memref_slice %arg5[%dma_wait3A_402] : memref<512xi32, #tpu.memory_space<vmem>> -> memref<16xi32, #tpu.memory_space<vmem>>
    %dma_wait3A_404 = arith.constant 0 : i32
    %dma_wait3A_405 = arith.constant 0 : i32
    %dma_wait3A_406 = tpu.memref_slice %arg2[%dma_wait3A_404, %dma_wait3A_405] : memref<2304x1024xf32, #tpu.memory_space<hbm>> -> memref<2304x1024xf32, #tpu.memory_space<hbm>>
    tpu.wait_indirect_dma semaphore(%arg13 : memref<!tpu.dma_semaphore, #tpu.memory_space<semaphore_mem>>) src(%dma_wait3A_406 : memref<2304x1024xf32, #tpu.memory_space<hbm>>) dst(%arg7 : memref<16x1024xf32, #tpu.memory_space<vmem>>)
    %add3A_407 = arith.constant 304 : i32
    %add3A_408 = arith.addi %mul3A_2, %add3A_407 : i32
    %dma_start3A_409 = arith.constant 0 : i32
    %dma_start3A_410 = tpu.memref_slice %arg4[%add3A_408, %dma_start3A_409] : memref<16384x1024xf32, #tpu.memory_space<hbm>> -> memref<16x1024xf32, #tpu.memory_space<hbm>>
    %dma_start3A_411 = arith.constant 0 : i32
    %dma_start3A_412 = tpu.memref_slice %arg4[%add3A_408, %dma_start3A_411] : memref<16384x1024xf32, #tpu.memory_space<hbm>> -> memref<16x1024xf32, #tpu.memory_space<hbm>>
    tpu.enqueue_dma source(%arg7 : memref<16x1024xf32, #tpu.memory_space<vmem>>) target(%dma_start3A_412 : memref<16x1024xf32, #tpu.memory_space<hbm>>) target_semaphore(%arg19 : memref<!tpu.dma_semaphore, #tpu.memory_space<semaphore_mem>>)
    %dma_wait3A_413 = arith.constant 0 : i32
    %dma_wait3A_414 = tpu.memref_slice %arg4[%add3A_388, %dma_wait3A_413] : memref<16384x1024xf32, #tpu.memory_space<hbm>> -> memref<16x1024xf32, #tpu.memory_space<hbm>>
    %dma_wait3A_415 = arith.constant 0 : i32
    %dma_wait3A_416 = tpu.memref_slice %arg4[%add3A_388, %dma_wait3A_415] : memref<16384x1024xf32, #tpu.memory_space<hbm>> -> memref<16x1024xf32, #tpu.memory_space<hbm>>
    tpu.wait_dma2 semaphore(%arg18 : memref<!tpu.dma_semaphore, #tpu.memory_space<semaphore_mem>>) src(%arg6 : memref<16x1024xf32, #tpu.memory_space<vmem>>) dst(%dma_wait3A_416 : memref<16x1024xf32, #tpu.memory_space<hbm>>)
    %dma_start3A_417 = arith.constant 384 : i32
    %dma_start3A_418 = tpu.memref_slice %arg5[%dma_start3A_417] : memref<512xi32, #tpu.memory_space<vmem>> -> memref<16xi32, #tpu.memory_space<vmem>>
    %dma_start3A_419 = arith.constant 0 : i32
    %dma_start3A_420 = arith.constant 0 : i32
    %dma_start3A_421 = tpu.memref_slice %arg2[%dma_start3A_419, %dma_start3A_420] : memref<2304x1024xf32, #tpu.memory_space<hbm>> -> memref<2304x1024xf32, #tpu.memory_space<hbm>>
    tpu.enqueue_indirect_dma source(%dma_start3A_421 : memref<2304x1024xf32, #tpu.memory_space<hbm>>) target(%arg6 : memref<16x1024xf32, #tpu.memory_space<vmem>>) offsets(%dma_start3A_418 : memref<16xi32, #tpu.memory_space<vmem>>) semaphore(%arg12 : memref<!tpu.dma_semaphore, #tpu.memory_space<semaphore_mem>>)
    %dma_wait3A_422 = arith.constant 320 : i32
    %dma_wait3A_423 = tpu.memref_slice %arg5[%dma_wait3A_422] : memref<512xi32, #tpu.memory_space<vmem>> -> memref<16xi32, #tpu.memory_space<vmem>>
    %dma_wait3A_424 = arith.constant 0 : i32
    %dma_wait3A_425 = arith.constant 0 : i32
    %dma_wait3A_426 = tpu.memref_slice %arg2[%dma_wait3A_424, %dma_wait3A_425] : memref<2304x1024xf32, #tpu.memory_space<hbm>> -> memref<2304x1024xf32, #tpu.memory_space<hbm>>
    tpu.wait_indirect_dma semaphore(%arg14 : memref<!tpu.dma_semaphore, #tpu.memory_space<semaphore_mem>>) src(%dma_wait3A_426 : memref<2304x1024xf32, #tpu.memory_space<hbm>>) dst(%arg8 : memref<16x1024xf32, #tpu.memory_space<vmem>>)
    %add3A_427 = arith.constant 320 : i32
    %add3A_428 = arith.addi %mul3A_2, %add3A_427 : i32
    %dma_start3A_429 = arith.constant 0 : i32
    %dma_start3A_430 = tpu.memref_slice %arg4[%add3A_428, %dma_start3A_429] : memref<16384x1024xf32, #tpu.memory_space<hbm>> -> memref<16x1024xf32, #tpu.memory_space<hbm>>
    %dma_start3A_431 = arith.constant 0 : i32
    %dma_start3A_432 = tpu.memref_slice %arg4[%add3A_428, %dma_start3A_431] : memref<16384x1024xf32, #tpu.memory_space<hbm>> -> memref<16x1024xf32, #tpu.memory_space<hbm>>
    tpu.enqueue_dma source(%arg8 : memref<16x1024xf32, #tpu.memory_space<vmem>>) target(%dma_start3A_432 : memref<16x1024xf32, #tpu.memory_space<hbm>>) target_semaphore(%arg20 : memref<!tpu.dma_semaphore, #tpu.memory_space<semaphore_mem>>)
    %dma_wait3A_433 = arith.constant 0 : i32
    %dma_wait3A_434 = tpu.memref_slice %arg4[%add3A_408, %dma_wait3A_433] : memref<16384x1024xf32, #tpu.memory_space<hbm>> -> memref<16x1024xf32, #tpu.memory_space<hbm>>
    %dma_wait3A_435 = arith.constant 0 : i32
    %dma_wait3A_436 = tpu.memref_slice %arg4[%add3A_408, %dma_wait3A_435] : memref<16384x1024xf32, #tpu.memory_space<hbm>> -> memref<16x1024xf32, #tpu.memory_space<hbm>>
    tpu.wait_dma2 semaphore(%arg19 : memref<!tpu.dma_semaphore, #tpu.memory_space<semaphore_mem>>) src(%arg7 : memref<16x1024xf32, #tpu.memory_space<vmem>>) dst(%dma_wait3A_436 : memref<16x1024xf32, #tpu.memory_space<hbm>>)
    %dma_start3A_437 = arith.constant 400 : i32
    %dma_start3A_438 = tpu.memref_slice %arg5[%dma_start3A_437] : memref<512xi32, #tpu.memory_space<vmem>> -> memref<16xi32, #tpu.memory_space<vmem>>
    %dma_start3A_439 = arith.constant 0 : i32
    %dma_start3A_440 = arith.constant 0 : i32
    %dma_start3A_441 = tpu.memref_slice %arg2[%dma_start3A_439, %dma_start3A_440] : memref<2304x1024xf32, #tpu.memory_space<hbm>> -> memref<2304x1024xf32, #tpu.memory_space<hbm>>
    tpu.enqueue_indirect_dma source(%dma_start3A_441 : memref<2304x1024xf32, #tpu.memory_space<hbm>>) target(%arg7 : memref<16x1024xf32, #tpu.memory_space<vmem>>) offsets(%dma_start3A_438 : memref<16xi32, #tpu.memory_space<vmem>>) semaphore(%arg13 : memref<!tpu.dma_semaphore, #tpu.memory_space<semaphore_mem>>)
    %dma_wait3A_442 = arith.constant 336 : i32
    %dma_wait3A_443 = tpu.memref_slice %arg5[%dma_wait3A_442] : memref<512xi32, #tpu.memory_space<vmem>> -> memref<16xi32, #tpu.memory_space<vmem>>
    %dma_wait3A_444 = arith.constant 0 : i32
    %dma_wait3A_445 = arith.constant 0 : i32
    %dma_wait3A_446 = tpu.memref_slice %arg2[%dma_wait3A_444, %dma_wait3A_445] : memref<2304x1024xf32, #tpu.memory_space<hbm>> -> memref<2304x1024xf32, #tpu.memory_space<hbm>>
    tpu.wait_indirect_dma semaphore(%arg15 : memref<!tpu.dma_semaphore, #tpu.memory_space<semaphore_mem>>) src(%dma_wait3A_446 : memref<2304x1024xf32, #tpu.memory_space<hbm>>) dst(%arg9 : memref<16x1024xf32, #tpu.memory_space<vmem>>)
    %add3A_447 = arith.constant 336 : i32
    %add3A_448 = arith.addi %mul3A_2, %add3A_447 : i32
    %dma_start3A_449 = arith.constant 0 : i32
    %dma_start3A_450 = tpu.memref_slice %arg4[%add3A_448, %dma_start3A_449] : memref<16384x1024xf32, #tpu.memory_space<hbm>> -> memref<16x1024xf32, #tpu.memory_space<hbm>>
    %dma_start3A_451 = arith.constant 0 : i32
    %dma_start3A_452 = tpu.memref_slice %arg4[%add3A_448, %dma_start3A_451] : memref<16384x1024xf32, #tpu.memory_space<hbm>> -> memref<16x1024xf32, #tpu.memory_space<hbm>>
    tpu.enqueue_dma source(%arg9 : memref<16x1024xf32, #tpu.memory_space<vmem>>) target(%dma_start3A_452 : memref<16x1024xf32, #tpu.memory_space<hbm>>) target_semaphore(%arg21 : memref<!tpu.dma_semaphore, #tpu.memory_space<semaphore_mem>>)
    %dma_wait3A_453 = arith.constant 0 : i32
    %dma_wait3A_454 = tpu.memref_slice %arg4[%add3A_428, %dma_wait3A_453] : memref<16384x1024xf32, #tpu.memory_space<hbm>> -> memref<16x1024xf32, #tpu.memory_space<hbm>>
    %dma_wait3A_455 = arith.constant 0 : i32
    %dma_wait3A_456 = tpu.memref_slice %arg4[%add3A_428, %dma_wait3A_455] : memref<16384x1024xf32, #tpu.memory_space<hbm>> -> memref<16x1024xf32, #tpu.memory_space<hbm>>
    tpu.wait_dma2 semaphore(%arg20 : memref<!tpu.dma_semaphore, #tpu.memory_space<semaphore_mem>>) src(%arg8 : memref<16x1024xf32, #tpu.memory_space<vmem>>) dst(%dma_wait3A_456 : memref<16x1024xf32, #tpu.memory_space<hbm>>)
    %dma_start3A_457 = arith.constant 416 : i32
    %dma_start3A_458 = tpu.memref_slice %arg5[%dma_start3A_457] : memref<512xi32, #tpu.memory_space<vmem>> -> memref<16xi32, #tpu.memory_space<vmem>>
    %dma_start3A_459 = arith.constant 0 : i32
    %dma_start3A_460 = arith.constant 0 : i32
    %dma_start3A_461 = tpu.memref_slice %arg2[%dma_start3A_459, %dma_start3A_460] : memref<2304x1024xf32, #tpu.memory_space<hbm>> -> memref<2304x1024xf32, #tpu.memory_space<hbm>>
    tpu.enqueue_indirect_dma source(%dma_start3A_461 : memref<2304x1024xf32, #tpu.memory_space<hbm>>) target(%arg8 : memref<16x1024xf32, #tpu.memory_space<vmem>>) offsets(%dma_start3A_458 : memref<16xi32, #tpu.memory_space<vmem>>) semaphore(%arg14 : memref<!tpu.dma_semaphore, #tpu.memory_space<semaphore_mem>>)
    %dma_wait3A_462 = arith.constant 352 : i32
    %dma_wait3A_463 = tpu.memref_slice %arg5[%dma_wait3A_462] : memref<512xi32, #tpu.memory_space<vmem>> -> memref<16xi32, #tpu.memory_space<vmem>>
    %dma_wait3A_464 = arith.constant 0 : i32
    %dma_wait3A_465 = arith.constant 0 : i32
    %dma_wait3A_466 = tpu.memref_slice %arg2[%dma_wait3A_464, %dma_wait3A_465] : memref<2304x1024xf32, #tpu.memory_space<hbm>> -> memref<2304x1024xf32, #tpu.memory_space<hbm>>
    tpu.wait_indirect_dma semaphore(%arg16 : memref<!tpu.dma_semaphore, #tpu.memory_space<semaphore_mem>>) src(%dma_wait3A_466 : memref<2304x1024xf32, #tpu.memory_space<hbm>>) dst(%arg10 : memref<16x1024xf32, #tpu.memory_space<vmem>>)
    %add3A_467 = arith.constant 352 : i32
    %add3A_468 = arith.addi %mul3A_2, %add3A_467 : i32
    %dma_start3A_469 = arith.constant 0 : i32
    %dma_start3A_470 = tpu.memref_slice %arg4[%add3A_468, %dma_start3A_469] : memref<16384x1024xf32, #tpu.memory_space<hbm>> -> memref<16x1024xf32, #tpu.memory_space<hbm>>
    %dma_start3A_471 = arith.constant 0 : i32
    %dma_start3A_472 = tpu.memref_slice %arg4[%add3A_468, %dma_start3A_471] : memref<16384x1024xf32, #tpu.memory_space<hbm>> -> memref<16x1024xf32, #tpu.memory_space<hbm>>
    tpu.enqueue_dma source(%arg10 : memref<16x1024xf32, #tpu.memory_space<vmem>>) target(%dma_start3A_472 : memref<16x1024xf32, #tpu.memory_space<hbm>>) target_semaphore(%arg22 : memref<!tpu.dma_semaphore, #tpu.memory_space<semaphore_mem>>)
    %dma_wait3A_473 = arith.constant 0 : i32
    %dma_wait3A_474 = tpu.memref_slice %arg4[%add3A_448, %dma_wait3A_473] : memref<16384x1024xf32, #tpu.memory_space<hbm>> -> memref<16x1024xf32, #tpu.memory_space<hbm>>
    %dma_wait3A_475 = arith.constant 0 : i32
    %dma_wait3A_476 = tpu.memref_slice %arg4[%add3A_448, %dma_wait3A_475] : memref<16384x1024xf32, #tpu.memory_space<hbm>> -> memref<16x1024xf32, #tpu.memory_space<hbm>>
    tpu.wait_dma2 semaphore(%arg21 : memref<!tpu.dma_semaphore, #tpu.memory_space<semaphore_mem>>) src(%arg9 : memref<16x1024xf32, #tpu.memory_space<vmem>>) dst(%dma_wait3A_476 : memref<16x1024xf32, #tpu.memory_space<hbm>>)
    %dma_start3A_477 = arith.constant 432 : i32
    %dma_start3A_478 = tpu.memref_slice %arg5[%dma_start3A_477] : memref<512xi32, #tpu.memory_space<vmem>> -> memref<16xi32, #tpu.memory_space<vmem>>
    %dma_start3A_479 = arith.constant 0 : i32
    %dma_start3A_480 = arith.constant 0 : i32
    %dma_start3A_481 = tpu.memref_slice %arg2[%dma_start3A_479, %dma_start3A_480] : memref<2304x1024xf32, #tpu.memory_space<hbm>> -> memref<2304x1024xf32, #tpu.memory_space<hbm>>
    tpu.enqueue_indirect_dma source(%dma_start3A_481 : memref<2304x1024xf32, #tpu.memory_space<hbm>>) target(%arg9 : memref<16x1024xf32, #tpu.memory_space<vmem>>) offsets(%dma_start3A_478 : memref<16xi32, #tpu.memory_space<vmem>>) semaphore(%arg15 : memref<!tpu.dma_semaphore, #tpu.memory_space<semaphore_mem>>)
    %dma_wait3A_482 = arith.constant 368 : i32
    %dma_wait3A_483 = tpu.memref_slice %arg5[%dma_wait3A_482] : memref<512xi32, #tpu.memory_space<vmem>> -> memref<16xi32, #tpu.memory_space<vmem>>
    %dma_wait3A_484 = arith.constant 0 : i32
    %dma_wait3A_485 = arith.constant 0 : i32
    %dma_wait3A_486 = tpu.memref_slice %arg2[%dma_wait3A_484, %dma_wait3A_485] : memref<2304x1024xf32, #tpu.memory_space<hbm>> -> memref<2304x1024xf32, #tpu.memory_space<hbm>>
    tpu.wait_indirect_dma semaphore(%arg17 : memref<!tpu.dma_semaphore, #tpu.memory_space<semaphore_mem>>) src(%dma_wait3A_486 : memref<2304x1024xf32, #tpu.memory_space<hbm>>) dst(%arg11 : memref<16x1024xf32, #tpu.memory_space<vmem>>)
    %add3A_487 = arith.constant 368 : i32
    %add3A_488 = arith.addi %mul3A_2, %add3A_487 : i32
    %dma_start3A_489 = arith.constant 0 : i32
    %dma_start3A_490 = tpu.memref_slice %arg4[%add3A_488, %dma_start3A_489] : memref<16384x1024xf32, #tpu.memory_space<hbm>> -> memref<16x1024xf32, #tpu.memory_space<hbm>>
    %dma_start3A_491 = arith.constant 0 : i32
    %dma_start3A_492 = tpu.memref_slice %arg4[%add3A_488, %dma_start3A_491] : memref<16384x1024xf32, #tpu.memory_space<hbm>> -> memref<16x1024xf32, #tpu.memory_space<hbm>>
    tpu.enqueue_dma source(%arg11 : memref<16x1024xf32, #tpu.memory_space<vmem>>) target(%dma_start3A_492 : memref<16x1024xf32, #tpu.memory_space<hbm>>) target_semaphore(%arg23 : memref<!tpu.dma_semaphore, #tpu.memory_space<semaphore_mem>>)
    %dma_wait3A_493 = arith.constant 0 : i32
    %dma_wait3A_494 = tpu.memref_slice %arg4[%add3A_468, %dma_wait3A_493] : memref<16384x1024xf32, #tpu.memory_space<hbm>> -> memref<16x1024xf32, #tpu.memory_space<hbm>>
    %dma_wait3A_495 = arith.constant 0 : i32
    %dma_wait3A_496 = tpu.memref_slice %arg4[%add3A_468, %dma_wait3A_495] : memref<16384x1024xf32, #tpu.memory_space<hbm>> -> memref<16x1024xf32, #tpu.memory_space<hbm>>
    tpu.wait_dma2 semaphore(%arg22 : memref<!tpu.dma_semaphore, #tpu.memory_space<semaphore_mem>>) src(%arg10 : memref<16x1024xf32, #tpu.memory_space<vmem>>) dst(%dma_wait3A_496 : memref<16x1024xf32, #tpu.memory_space<hbm>>)
    %dma_start3A_497 = arith.constant 448 : i32
    %dma_start3A_498 = tpu.memref_slice %arg5[%dma_start3A_497] : memref<512xi32, #tpu.memory_space<vmem>> -> memref<16xi32, #tpu.memory_space<vmem>>
    %dma_start3A_499 = arith.constant 0 : i32
    %dma_start3A_500 = arith.constant 0 : i32
    %dma_start3A_501 = tpu.memref_slice %arg2[%dma_start3A_499, %dma_start3A_500] : memref<2304x1024xf32, #tpu.memory_space<hbm>> -> memref<2304x1024xf32, #tpu.memory_space<hbm>>
    tpu.enqueue_indirect_dma source(%dma_start3A_501 : memref<2304x1024xf32, #tpu.memory_space<hbm>>) target(%arg10 : memref<16x1024xf32, #tpu.memory_space<vmem>>) offsets(%dma_start3A_498 : memref<16xi32, #tpu.memory_space<vmem>>) semaphore(%arg16 : memref<!tpu.dma_semaphore, #tpu.memory_space<semaphore_mem>>)
    %dma_wait3A_502 = arith.constant 384 : i32
    %dma_wait3A_503 = tpu.memref_slice %arg5[%dma_wait3A_502] : memref<512xi32, #tpu.memory_space<vmem>> -> memref<16xi32, #tpu.memory_space<vmem>>
    %dma_wait3A_504 = arith.constant 0 : i32
    %dma_wait3A_505 = arith.constant 0 : i32
    %dma_wait3A_506 = tpu.memref_slice %arg2[%dma_wait3A_504, %dma_wait3A_505] : memref<2304x1024xf32, #tpu.memory_space<hbm>> -> memref<2304x1024xf32, #tpu.memory_space<hbm>>
    tpu.wait_indirect_dma semaphore(%arg12 : memref<!tpu.dma_semaphore, #tpu.memory_space<semaphore_mem>>) src(%dma_wait3A_506 : memref<2304x1024xf32, #tpu.memory_space<hbm>>) dst(%arg6 : memref<16x1024xf32, #tpu.memory_space<vmem>>)
    %add3A_507 = arith.constant 384 : i32
    %add3A_508 = arith.addi %mul3A_2, %add3A_507 : i32
    %dma_start3A_509 = arith.constant 0 : i32
    %dma_start3A_510 = tpu.memref_slice %arg4[%add3A_508, %dma_start3A_509] : memref<16384x1024xf32, #tpu.memory_space<hbm>> -> memref<16x1024xf32, #tpu.memory_space<hbm>>
    %dma_start3A_511 = arith.constant 0 : i32
    %dma_start3A_512 = tpu.memref_slice %arg4[%add3A_508, %dma_start3A_511] : memref<16384x1024xf32, #tpu.memory_space<hbm>> -> memref<16x1024xf32, #tpu.memory_space<hbm>>
    tpu.enqueue_dma source(%arg6 : memref<16x1024xf32, #tpu.memory_space<vmem>>) target(%dma_start3A_512 : memref<16x1024xf32, #tpu.memory_space<hbm>>) target_semaphore(%arg18 : memref<!tpu.dma_semaphore, #tpu.memory_space<semaphore_mem>>)
    %dma_wait3A_513 = arith.constant 0 : i32
    %dma_wait3A_514 = tpu.memref_slice %arg4[%add3A_488, %dma_wait3A_513] : memref<16384x1024xf32, #tpu.memory_space<hbm>> -> memref<16x1024xf32, #tpu.memory_space<hbm>>
    %dma_wait3A_515 = arith.constant 0 : i32
    %dma_wait3A_516 = tpu.memref_slice %arg4[%add3A_488, %dma_wait3A_515] : memref<16384x1024xf32, #tpu.memory_space<hbm>> -> memref<16x1024xf32, #tpu.memory_space<hbm>>
    tpu.wait_dma2 semaphore(%arg23 : memref<!tpu.dma_semaphore, #tpu.memory_space<semaphore_mem>>) src(%arg11 : memref<16x1024xf32, #tpu.memory_space<vmem>>) dst(%dma_wait3A_516 : memref<16x1024xf32, #tpu.memory_space<hbm>>)
    %dma_start3A_517 = arith.constant 464 : i32
    %dma_start3A_518 = tpu.memref_slice %arg5[%dma_start3A_517] : memref<512xi32, #tpu.memory_space<vmem>> -> memref<16xi32, #tpu.memory_space<vmem>>
    %dma_start3A_519 = arith.constant 0 : i32
    %dma_start3A_520 = arith.constant 0 : i32
    %dma_start3A_521 = tpu.memref_slice %arg2[%dma_start3A_519, %dma_start3A_520] : memref<2304x1024xf32, #tpu.memory_space<hbm>> -> memref<2304x1024xf32, #tpu.memory_space<hbm>>
    tpu.enqueue_indirect_dma source(%dma_start3A_521 : memref<2304x1024xf32, #tpu.memory_space<hbm>>) target(%arg11 : memref<16x1024xf32, #tpu.memory_space<vmem>>) offsets(%dma_start3A_518 : memref<16xi32, #tpu.memory_space<vmem>>) semaphore(%arg17 : memref<!tpu.dma_semaphore, #tpu.memory_space<semaphore_mem>>)
    %dma_wait3A_522 = arith.constant 400 : i32
    %dma_wait3A_523 = tpu.memref_slice %arg5[%dma_wait3A_522] : memref<512xi32, #tpu.memory_space<vmem>> -> memref<16xi32, #tpu.memory_space<vmem>>
    %dma_wait3A_524 = arith.constant 0 : i32
    %dma_wait3A_525 = arith.constant 0 : i32
    %dma_wait3A_526 = tpu.memref_slice %arg2[%dma_wait3A_524, %dma_wait3A_525] : memref<2304x1024xf32, #tpu.memory_space<hbm>> -> memref<2304x1024xf32, #tpu.memory_space<hbm>>
    tpu.wait_indirect_dma semaphore(%arg13 : memref<!tpu.dma_semaphore, #tpu.memory_space<semaphore_mem>>) src(%dma_wait3A_526 : memref<2304x1024xf32, #tpu.memory_space<hbm>>) dst(%arg7 : memref<16x1024xf32, #tpu.memory_space<vmem>>)
    %add3A_527 = arith.constant 400 : i32
    %add3A_528 = arith.addi %mul3A_2, %add3A_527 : i32
    %dma_start3A_529 = arith.constant 0 : i32
    %dma_start3A_530 = tpu.memref_slice %arg4[%add3A_528, %dma_start3A_529] : memref<16384x1024xf32, #tpu.memory_space<hbm>> -> memref<16x1024xf32, #tpu.memory_space<hbm>>
    %dma_start3A_531 = arith.constant 0 : i32
    %dma_start3A_532 = tpu.memref_slice %arg4[%add3A_528, %dma_start3A_531] : memref<16384x1024xf32, #tpu.memory_space<hbm>> -> memref<16x1024xf32, #tpu.memory_space<hbm>>
    tpu.enqueue_dma source(%arg7 : memref<16x1024xf32, #tpu.memory_space<vmem>>) target(%dma_start3A_532 : memref<16x1024xf32, #tpu.memory_space<hbm>>) target_semaphore(%arg19 : memref<!tpu.dma_semaphore, #tpu.memory_space<semaphore_mem>>)
    %dma_wait3A_533 = arith.constant 0 : i32
    %dma_wait3A_534 = tpu.memref_slice %arg4[%add3A_508, %dma_wait3A_533] : memref<16384x1024xf32, #tpu.memory_space<hbm>> -> memref<16x1024xf32, #tpu.memory_space<hbm>>
    %dma_wait3A_535 = arith.constant 0 : i32
    %dma_wait3A_536 = tpu.memref_slice %arg4[%add3A_508, %dma_wait3A_535] : memref<16384x1024xf32, #tpu.memory_space<hbm>> -> memref<16x1024xf32, #tpu.memory_space<hbm>>
    tpu.wait_dma2 semaphore(%arg18 : memref<!tpu.dma_semaphore, #tpu.memory_space<semaphore_mem>>) src(%arg6 : memref<16x1024xf32, #tpu.memory_space<vmem>>) dst(%dma_wait3A_536 : memref<16x1024xf32, #tpu.memory_space<hbm>>)
    %dma_start3A_537 = arith.constant 480 : i32
    %dma_start3A_538 = tpu.memref_slice %arg5[%dma_start3A_537] : memref<512xi32, #tpu.memory_space<vmem>> -> memref<16xi32, #tpu.memory_space<vmem>>
    %dma_start3A_539 = arith.constant 0 : i32
    %dma_start3A_540 = arith.constant 0 : i32
    %dma_start3A_541 = tpu.memref_slice %arg2[%dma_start3A_539, %dma_start3A_540] : memref<2304x1024xf32, #tpu.memory_space<hbm>> -> memref<2304x1024xf32, #tpu.memory_space<hbm>>
    tpu.enqueue_indirect_dma source(%dma_start3A_541 : memref<2304x1024xf32, #tpu.memory_space<hbm>>) target(%arg6 : memref<16x1024xf32, #tpu.memory_space<vmem>>) offsets(%dma_start3A_538 : memref<16xi32, #tpu.memory_space<vmem>>) semaphore(%arg12 : memref<!tpu.dma_semaphore, #tpu.memory_space<semaphore_mem>>)
    %dma_wait3A_542 = arith.constant 416 : i32
    %dma_wait3A_543 = tpu.memref_slice %arg5[%dma_wait3A_542] : memref<512xi32, #tpu.memory_space<vmem>> -> memref<16xi32, #tpu.memory_space<vmem>>
    %dma_wait3A_544 = arith.constant 0 : i32
    %dma_wait3A_545 = arith.constant 0 : i32
    %dma_wait3A_546 = tpu.memref_slice %arg2[%dma_wait3A_544, %dma_wait3A_545] : memref<2304x1024xf32, #tpu.memory_space<hbm>> -> memref<2304x1024xf32, #tpu.memory_space<hbm>>
    tpu.wait_indirect_dma semaphore(%arg14 : memref<!tpu.dma_semaphore, #tpu.memory_space<semaphore_mem>>) src(%dma_wait3A_546 : memref<2304x1024xf32, #tpu.memory_space<hbm>>) dst(%arg8 : memref<16x1024xf32, #tpu.memory_space<vmem>>)
    %add3A_547 = arith.constant 416 : i32
    %add3A_548 = arith.addi %mul3A_2, %add3A_547 : i32
    %dma_start3A_549 = arith.constant 0 : i32
    %dma_start3A_550 = tpu.memref_slice %arg4[%add3A_548, %dma_start3A_549] : memref<16384x1024xf32, #tpu.memory_space<hbm>> -> memref<16x1024xf32, #tpu.memory_space<hbm>>
    %dma_start3A_551 = arith.constant 0 : i32
    %dma_start3A_552 = tpu.memref_slice %arg4[%add3A_548, %dma_start3A_551] : memref<16384x1024xf32, #tpu.memory_space<hbm>> -> memref<16x1024xf32, #tpu.memory_space<hbm>>
    tpu.enqueue_dma source(%arg8 : memref<16x1024xf32, #tpu.memory_space<vmem>>) target(%dma_start3A_552 : memref<16x1024xf32, #tpu.memory_space<hbm>>) target_semaphore(%arg20 : memref<!tpu.dma_semaphore, #tpu.memory_space<semaphore_mem>>)
    %dma_wait3A_553 = arith.constant 0 : i32
    %dma_wait3A_554 = tpu.memref_slice %arg4[%add3A_528, %dma_wait3A_553] : memref<16384x1024xf32, #tpu.memory_space<hbm>> -> memref<16x1024xf32, #tpu.memory_space<hbm>>
    %dma_wait3A_555 = arith.constant 0 : i32
    %dma_wait3A_556 = tpu.memref_slice %arg4[%add3A_528, %dma_wait3A_555] : memref<16384x1024xf32, #tpu.memory_space<hbm>> -> memref<16x1024xf32, #tpu.memory_space<hbm>>
    tpu.wait_dma2 semaphore(%arg19 : memref<!tpu.dma_semaphore, #tpu.memory_space<semaphore_mem>>) src(%arg7 : memref<16x1024xf32, #tpu.memory_space<vmem>>) dst(%dma_wait3A_556 : memref<16x1024xf32, #tpu.memory_space<hbm>>)
    %dma_start3A_557 = arith.constant 496 : i32
    %dma_start3A_558 = tpu.memref_slice %arg5[%dma_start3A_557] : memref<512xi32, #tpu.memory_space<vmem>> -> memref<16xi32, #tpu.memory_space<vmem>>
    %dma_start3A_559 = arith.constant 0 : i32
    %dma_start3A_560 = arith.constant 0 : i32
    %dma_start3A_561 = tpu.memref_slice %arg2[%dma_start3A_559, %dma_start3A_560] : memref<2304x1024xf32, #tpu.memory_space<hbm>> -> memref<2304x1024xf32, #tpu.memory_space<hbm>>
    tpu.enqueue_indirect_dma source(%dma_start3A_561 : memref<2304x1024xf32, #tpu.memory_space<hbm>>) target(%arg7 : memref<16x1024xf32, #tpu.memory_space<vmem>>) offsets(%dma_start3A_558 : memref<16xi32, #tpu.memory_space<vmem>>) semaphore(%arg13 : memref<!tpu.dma_semaphore, #tpu.memory_space<semaphore_mem>>)
    %dma_wait3A_562 = arith.constant 432 : i32
    %dma_wait3A_563 = tpu.memref_slice %arg5[%dma_wait3A_562] : memref<512xi32, #tpu.memory_space<vmem>> -> memref<16xi32, #tpu.memory_space<vmem>>
    %dma_wait3A_564 = arith.constant 0 : i32
    %dma_wait3A_565 = arith.constant 0 : i32
    %dma_wait3A_566 = tpu.memref_slice %arg2[%dma_wait3A_564, %dma_wait3A_565] : memref<2304x1024xf32, #tpu.memory_space<hbm>> -> memref<2304x1024xf32, #tpu.memory_space<hbm>>
    tpu.wait_indirect_dma semaphore(%arg15 : memref<!tpu.dma_semaphore, #tpu.memory_space<semaphore_mem>>) src(%dma_wait3A_566 : memref<2304x1024xf32, #tpu.memory_space<hbm>>) dst(%arg9 : memref<16x1024xf32, #tpu.memory_space<vmem>>)
    %add3A_567 = arith.constant 432 : i32
    %add3A_568 = arith.addi %mul3A_2, %add3A_567 : i32
    %dma_start3A_569 = arith.constant 0 : i32
    %dma_start3A_570 = tpu.memref_slice %arg4[%add3A_568, %dma_start3A_569] : memref<16384x1024xf32, #tpu.memory_space<hbm>> -> memref<16x1024xf32, #tpu.memory_space<hbm>>
    %dma_start3A_571 = arith.constant 0 : i32
    %dma_start3A_572 = tpu.memref_slice %arg4[%add3A_568, %dma_start3A_571] : memref<16384x1024xf32, #tpu.memory_space<hbm>> -> memref<16x1024xf32, #tpu.memory_space<hbm>>
    tpu.enqueue_dma source(%arg9 : memref<16x1024xf32, #tpu.memory_space<vmem>>) target(%dma_start3A_572 : memref<16x1024xf32, #tpu.memory_space<hbm>>) target_semaphore(%arg21 : memref<!tpu.dma_semaphore, #tpu.memory_space<semaphore_mem>>)
    %dma_wait3A_573 = arith.constant 448 : i32
    %dma_wait3A_574 = tpu.memref_slice %arg5[%dma_wait3A_573] : memref<512xi32, #tpu.memory_space<vmem>> -> memref<16xi32, #tpu.memory_space<vmem>>
    %dma_wait3A_575 = arith.constant 0 : i32
    %dma_wait3A_576 = arith.constant 0 : i32
    %dma_wait3A_577 = tpu.memref_slice %arg2[%dma_wait3A_575, %dma_wait3A_576] : memref<2304x1024xf32, #tpu.memory_space<hbm>> -> memref<2304x1024xf32, #tpu.memory_space<hbm>>
    tpu.wait_indirect_dma semaphore(%arg16 : memref<!tpu.dma_semaphore, #tpu.memory_space<semaphore_mem>>) src(%dma_wait3A_577 : memref<2304x1024xf32, #tpu.memory_space<hbm>>) dst(%arg10 : memref<16x1024xf32, #tpu.memory_space<vmem>>)
    %add3A_578 = arith.constant 448 : i32
    %add3A_579 = arith.addi %mul3A_2, %add3A_578 : i32
    %dma_start3A_580 = arith.constant 0 : i32
    %dma_start3A_581 = tpu.memref_slice %arg4[%add3A_579, %dma_start3A_580] : memref<16384x1024xf32, #tpu.memory_space<hbm>> -> memref<16x1024xf32, #tpu.memory_space<hbm>>
    %dma_start3A_582 = arith.constant 0 : i32
    %dma_start3A_583 = tpu.memref_slice %arg4[%add3A_579, %dma_start3A_582] : memref<16384x1024xf32, #tpu.memory_space<hbm>> -> memref<16x1024xf32, #tpu.memory_space<hbm>>
    tpu.enqueue_dma source(%arg10 : memref<16x1024xf32, #tpu.memory_space<vmem>>) target(%dma_start3A_583 : memref<16x1024xf32, #tpu.memory_space<hbm>>) target_semaphore(%arg22 : memref<!tpu.dma_semaphore, #tpu.memory_space<semaphore_mem>>)
    %dma_wait3A_584 = arith.constant 464 : i32
    %dma_wait3A_585 = tpu.memref_slice %arg5[%dma_wait3A_584] : memref<512xi32, #tpu.memory_space<vmem>> -> memref<16xi32, #tpu.memory_space<vmem>>
    %dma_wait3A_586 = arith.constant 0 : i32
    %dma_wait3A_587 = arith.constant 0 : i32
    %dma_wait3A_588 = tpu.memref_slice %arg2[%dma_wait3A_586, %dma_wait3A_587] : memref<2304x1024xf32, #tpu.memory_space<hbm>> -> memref<2304x1024xf32, #tpu.memory_space<hbm>>
    tpu.wait_indirect_dma semaphore(%arg17 : memref<!tpu.dma_semaphore, #tpu.memory_space<semaphore_mem>>) src(%dma_wait3A_588 : memref<2304x1024xf32, #tpu.memory_space<hbm>>) dst(%arg11 : memref<16x1024xf32, #tpu.memory_space<vmem>>)
    %add3A_589 = arith.constant 464 : i32
    %add3A_590 = arith.addi %mul3A_2, %add3A_589 : i32
    %dma_start3A_591 = arith.constant 0 : i32
    %dma_start3A_592 = tpu.memref_slice %arg4[%add3A_590, %dma_start3A_591] : memref<16384x1024xf32, #tpu.memory_space<hbm>> -> memref<16x1024xf32, #tpu.memory_space<hbm>>
    %dma_start3A_593 = arith.constant 0 : i32
    %dma_start3A_594 = tpu.memref_slice %arg4[%add3A_590, %dma_start3A_593] : memref<16384x1024xf32, #tpu.memory_space<hbm>> -> memref<16x1024xf32, #tpu.memory_space<hbm>>
    tpu.enqueue_dma source(%arg11 : memref<16x1024xf32, #tpu.memory_space<vmem>>) target(%dma_start3A_594 : memref<16x1024xf32, #tpu.memory_space<hbm>>) target_semaphore(%arg23 : memref<!tpu.dma_semaphore, #tpu.memory_space<semaphore_mem>>)
    %dma_wait3A_595 = arith.constant 480 : i32
    %dma_wait3A_596 = tpu.memref_slice %arg5[%dma_wait3A_595] : memref<512xi32, #tpu.memory_space<vmem>> -> memref<16xi32, #tpu.memory_space<vmem>>
    %dma_wait3A_597 = arith.constant 0 : i32
    %dma_wait3A_598 = arith.constant 0 : i32
    %dma_wait3A_599 = tpu.memref_slice %arg2[%dma_wait3A_597, %dma_wait3A_598] : memref<2304x1024xf32, #tpu.memory_space<hbm>> -> memref<2304x1024xf32, #tpu.memory_space<hbm>>
    tpu.wait_indirect_dma semaphore(%arg12 : memref<!tpu.dma_semaphore, #tpu.memory_space<semaphore_mem>>) src(%dma_wait3A_599 : memref<2304x1024xf32, #tpu.memory_space<hbm>>) dst(%arg6 : memref<16x1024xf32, #tpu.memory_space<vmem>>)
    %add3A_600 = arith.constant 480 : i32
    %add3A_601 = arith.addi %mul3A_2, %add3A_600 : i32
    %dma_start3A_602 = arith.constant 0 : i32
    %dma_start3A_603 = tpu.memref_slice %arg4[%add3A_601, %dma_start3A_602] : memref<16384x1024xf32, #tpu.memory_space<hbm>> -> memref<16x1024xf32, #tpu.memory_space<hbm>>
    %dma_start3A_604 = arith.constant 0 : i32
    %dma_start3A_605 = tpu.memref_slice %arg4[%add3A_601, %dma_start3A_604] : memref<16384x1024xf32, #tpu.memory_space<hbm>> -> memref<16x1024xf32, #tpu.memory_space<hbm>>
    tpu.enqueue_dma source(%arg6 : memref<16x1024xf32, #tpu.memory_space<vmem>>) target(%dma_start3A_605 : memref<16x1024xf32, #tpu.memory_space<hbm>>) target_semaphore(%arg18 : memref<!tpu.dma_semaphore, #tpu.memory_space<semaphore_mem>>)
    %dma_wait3A_606 = arith.constant 496 : i32
    %dma_wait3A_607 = tpu.memref_slice %arg5[%dma_wait3A_606] : memref<512xi32, #tpu.memory_space<vmem>> -> memref<16xi32, #tpu.memory_space<vmem>>
    %dma_wait3A_608 = arith.constant 0 : i32
    %dma_wait3A_609 = arith.constant 0 : i32
    %dma_wait3A_610 = tpu.memref_slice %arg2[%dma_wait3A_608, %dma_wait3A_609] : memref<2304x1024xf32, #tpu.memory_space<hbm>> -> memref<2304x1024xf32, #tpu.memory_space<hbm>>
    tpu.wait_indirect_dma semaphore(%arg13 : memref<!tpu.dma_semaphore, #tpu.memory_space<semaphore_mem>>) src(%dma_wait3A_610 : memref<2304x1024xf32, #tpu.memory_space<hbm>>) dst(%arg7 : memref<16x1024xf32, #tpu.memory_space<vmem>>)
    %add3A_611 = arith.constant 496 : i32
    %add3A_612 = arith.addi %mul3A_2, %add3A_611 : i32
    %dma_start3A_613 = arith.constant 0 : i32
    %dma_start3A_614 = tpu.memref_slice %arg4[%add3A_612, %dma_start3A_613] : memref<16384x1024xf32, #tpu.memory_space<hbm>> -> memref<16x1024xf32, #tpu.memory_space<hbm>>
    %dma_start3A_615 = arith.constant 0 : i32
    %dma_start3A_616 = tpu.memref_slice %arg4[%add3A_612, %dma_start3A_615] : memref<16384x1024xf32, #tpu.memory_space<hbm>> -> memref<16x1024xf32, #tpu.memory_space<hbm>>
    tpu.enqueue_dma source(%arg7 : memref<16x1024xf32, #tpu.memory_space<vmem>>) target(%dma_start3A_616 : memref<16x1024xf32, #tpu.memory_space<hbm>>) target_semaphore(%arg19 : memref<!tpu.dma_semaphore, #tpu.memory_space<semaphore_mem>>)
    %dma_wait3A_617 = arith.constant 0 : i32
    %dma_wait3A_618 = tpu.memref_slice %arg4[%add3A_601, %dma_wait3A_617] : memref<16384x1024xf32, #tpu.memory_space<hbm>> -> memref<16x1024xf32, #tpu.memory_space<hbm>>
    %dma_wait3A_619 = arith.constant 0 : i32
    %dma_wait3A_620 = tpu.memref_slice %arg4[%add3A_601, %dma_wait3A_619] : memref<16384x1024xf32, #tpu.memory_space<hbm>> -> memref<16x1024xf32, #tpu.memory_space<hbm>>
    tpu.wait_dma2 semaphore(%arg18 : memref<!tpu.dma_semaphore, #tpu.memory_space<semaphore_mem>>) src(%arg6 : memref<16x1024xf32, #tpu.memory_space<vmem>>) dst(%dma_wait3A_620 : memref<16x1024xf32, #tpu.memory_space<hbm>>)
    %dma_wait3A_621 = arith.constant 0 : i32
    %dma_wait3A_622 = tpu.memref_slice %arg4[%add3A_612, %dma_wait3A_621] : memref<16384x1024xf32, #tpu.memory_space<hbm>> -> memref<16x1024xf32, #tpu.memory_space<hbm>>
    %dma_wait3A_623 = arith.constant 0 : i32
    %dma_wait3A_624 = tpu.memref_slice %arg4[%add3A_612, %dma_wait3A_623] : memref<16384x1024xf32, #tpu.memory_space<hbm>> -> memref<16x1024xf32, #tpu.memory_space<hbm>>
    tpu.wait_dma2 semaphore(%arg19 : memref<!tpu.dma_semaphore, #tpu.memory_space<semaphore_mem>>) src(%arg7 : memref<16x1024xf32, #tpu.memory_space<vmem>>) dst(%dma_wait3A_624 : memref<16x1024xf32, #tpu.memory_space<hbm>>)
    %dma_wait3A_625 = arith.constant 0 : i32
    %dma_wait3A_626 = tpu.memref_slice %arg4[%add3A_548, %dma_wait3A_625] : memref<16384x1024xf32, #tpu.memory_space<hbm>> -> memref<16x1024xf32, #tpu.memory_space<hbm>>
    %dma_wait3A_627 = arith.constant 0 : i32
    %dma_wait3A_628 = tpu.memref_slice %arg4[%add3A_548, %dma_wait3A_627] : memref<16384x1024xf32, #tpu.memory_space<hbm>> -> memref<16x1024xf32, #tpu.memory_space<hbm>>
    tpu.wait_dma2 semaphore(%arg20 : memref<!tpu.dma_semaphore, #tpu.memory_space<semaphore_mem>>) src(%arg8 : memref<16x1024xf32, #tpu.memory_space<vmem>>) dst(%dma_wait3A_628 : memref<16x1024xf32, #tpu.memory_space<hbm>>)
    %dma_wait3A_629 = arith.constant 0 : i32
    %dma_wait3A_630 = tpu.memref_slice %arg4[%add3A_568, %dma_wait3A_629] : memref<16384x1024xf32, #tpu.memory_space<hbm>> -> memref<16x1024xf32, #tpu.memory_space<hbm>>
    %dma_wait3A_631 = arith.constant 0 : i32
    %dma_wait3A_632 = tpu.memref_slice %arg4[%add3A_568, %dma_wait3A_631] : memref<16384x1024xf32, #tpu.memory_space<hbm>> -> memref<16x1024xf32, #tpu.memory_space<hbm>>
    tpu.wait_dma2 semaphore(%arg21 : memref<!tpu.dma_semaphore, #tpu.memory_space<semaphore_mem>>) src(%arg9 : memref<16x1024xf32, #tpu.memory_space<vmem>>) dst(%dma_wait3A_632 : memref<16x1024xf32, #tpu.memory_space<hbm>>)
    %dma_wait3A_633 = arith.constant 0 : i32
    %dma_wait3A_634 = tpu.memref_slice %arg4[%add3A_579, %dma_wait3A_633] : memref<16384x1024xf32, #tpu.memory_space<hbm>> -> memref<16x1024xf32, #tpu.memory_space<hbm>>
    %dma_wait3A_635 = arith.constant 0 : i32
    %dma_wait3A_636 = tpu.memref_slice %arg4[%add3A_579, %dma_wait3A_635] : memref<16384x1024xf32, #tpu.memory_space<hbm>> -> memref<16x1024xf32, #tpu.memory_space<hbm>>
    tpu.wait_dma2 semaphore(%arg22 : memref<!tpu.dma_semaphore, #tpu.memory_space<semaphore_mem>>) src(%arg10 : memref<16x1024xf32, #tpu.memory_space<vmem>>) dst(%dma_wait3A_636 : memref<16x1024xf32, #tpu.memory_space<hbm>>)
    %dma_wait3A_637 = arith.constant 0 : i32
    %dma_wait3A_638 = tpu.memref_slice %arg4[%add3A_590, %dma_wait3A_637] : memref<16384x1024xf32, #tpu.memory_space<hbm>> -> memref<16x1024xf32, #tpu.memory_space<hbm>>
    %dma_wait3A_639 = arith.constant 0 : i32
    %dma_wait3A_640 = tpu.memref_slice %arg4[%add3A_590, %dma_wait3A_639] : memref<16384x1024xf32, #tpu.memory_space<hbm>> -> memref<16x1024xf32, #tpu.memory_space<hbm>>
    tpu.wait_dma2 semaphore(%arg23 : memref<!tpu.dma_semaphore, #tpu.memory_space<semaphore_mem>>) src(%arg11 : memref<16x1024xf32, #tpu.memory_space<vmem>>) dst(%dma_wait3A_640 : memref<16x1024xf32, #tpu.memory_space<hbm>>)
    return
  }
}

module attributes {stable_mosaic.version = 14 : i64} {
  func.func @_prep_kernel(%arg0: memref<4x4096xi32, #tpu.memory_space<vmem>>, %arg1: memref<384x1024xf32, #tpu.memory_space<vmem>>, %arg2: memref<6x1024xf32, #tpu.memory_space<vmem>>, %arg3: memref<1024x2048xf32, #tpu.memory_space<vmem>>, %arg4: memref<1x1024xf32, #tpu.memory_space<vmem>>, %arg5: memref<2304x1024xf32, #tpu.memory_space<vmem>>, %arg6: memref<4x4096xi32, #tpu.memory_space<vmem>>, %arg7: memref<4x8192xi32, #tpu.memory_space<vmem>>, %arg8: memref<4x4352xi32, #tpu.memory_space<vmem>>) attributes {dimension_semantics = [], scalar_prefetch = 0 : i64, scratch_operands = 2 : i64, tpu.core_type = #tpu.core_type<tc>} {
    %get3A = arith.constant 0 : index
    %get3A_0 = arith.constant 0 : index
    %get3A_1 = vector.load %arg0[%get3A, %get3A_0] : memref<4x4096xi32, #tpu.memory_space<vmem>>, vector<4x4096xi32>
    %lt3A = arith.constant 3 : i32
    %lt3A_2 = vector.broadcast %lt3A : i32 to vector<4x4096xi32>
    %lt3A_3 = arith.cmpi slt, %get3A_1, %lt3A_2 : vector<4x4096xi32>
    %ge3A = arith.constant 259 : i32
    %ge3A_4 = vector.broadcast %ge3A : i32 to vector<4x4096xi32>
    %ge3A_5 = arith.cmpi sge, %get3A_1, %ge3A_4 : vector<4x4096xi32>
    %or3A = arith.ori %lt3A_3, %ge3A_5 : vector<4x4096xi1>
    %eq3A = arith.constant 48 : i32
    %eq3A_6 = vector.broadcast %eq3A : i32 to vector<4x4096xi32>
    %eq3A_7 = arith.cmpi eq, %get3A_1, %eq3A_6 : vector<4x4096xi32>
    %eq3A_8 = arith.constant 49 : i32
    %eq3A_9 = vector.broadcast %eq3A_8 : i32 to vector<4x4096xi32>
    %eq3A_10 = arith.cmpi eq, %get3A_1, %eq3A_9 : vector<4x4096xi32>
    %or3A_11 = arith.ori %eq3A_7, %eq3A_10 : vector<4x4096xi1>
    %eq3A_12 = arith.constant 61 : i32
    %eq3A_13 = vector.broadcast %eq3A_12 : i32 to vector<4x4096xi32>
    %eq3A_14 = arith.cmpi eq, %get3A_1, %eq3A_13 : vector<4x4096xi32>
    %or3A_15 = arith.ori %or3A_11, %eq3A_14 : vector<4x4096xi1>
    %eq3A_16 = arith.constant 64 : i32
    %eq3A_17 = vector.broadcast %eq3A_16 : i32 to vector<4x4096xi32>
    %eq3A_18 = arith.cmpi eq, %get3A_1, %eq3A_17 : vector<4x4096xi32>
    %or3A_19 = arith.ori %or3A_15, %eq3A_18 : vector<4x4096xi1>
    %eq3A_20 = arith.constant 35 : i32
    %eq3A_21 = vector.broadcast %eq3A_20 : i32 to vector<4x4096xi32>
    %eq3A_22 = arith.cmpi eq, %get3A_1, %eq3A_21 : vector<4x4096xi32>
    %or3A_23 = arith.ori %or3A_19, %eq3A_22 : vector<4x4096xi1>
    %eq3A_24 = arith.constant 126 : i32
    %eq3A_25 = vector.broadcast %eq3A_24 : i32 to vector<4x4096xi32>
    %eq3A_26 = arith.cmpi eq, %get3A_1, %eq3A_25 : vector<4x4096xi32>
    %eq3A_27 = arith.constant 128 : i32
    %eq3A_28 = vector.broadcast %eq3A_27 : i32 to vector<4x4096xi32>
    %eq3A_29 = arith.cmpi eq, %get3A_1, %eq3A_28 : vector<4x4096xi32>
    %or3A_30 = arith.ori %eq3A_26, %eq3A_29 : vector<4x4096xi1>
    %eq3A_31 = arith.constant 43 : i32
    %eq3A_32 = vector.broadcast %eq3A_31 : i32 to vector<4x4096xi32>
    %eq3A_33 = arith.cmpi eq, %get3A_1, %eq3A_32 : vector<4x4096xi32>
    %or3A_34 = arith.ori %or3A_30, %eq3A_33 : vector<4x4096xi1>
    %eq3A_35 = arith.constant 44 : i32
    %eq3A_36 = vector.broadcast %eq3A_35 : i32 to vector<4x4096xi32>
    %eq3A_37 = arith.cmpi eq, %get3A_1, %eq3A_36 : vector<4x4096xi32>
    %or3A_38 = arith.ori %or3A_34, %eq3A_37 : vector<4x4096xi1>
    %eq3A_39 = arith.constant 94 : i32
    %eq3A_40 = vector.broadcast %eq3A_39 : i32 to vector<4x4096xi32>
    %eq3A_41 = arith.cmpi eq, %get3A_1, %eq3A_40 : vector<4x4096xi32>
    %or3A_42 = arith.ori %or3A_38, %eq3A_41 : vector<4x4096xi1>
    %eq3A_43 = arith.constant 96 : i32
    %eq3A_44 = vector.broadcast %eq3A_43 : i32 to vector<4x4096xi32>
    %eq3A_45 = arith.cmpi eq, %get3A_1, %eq3A_44 : vector<4x4096xi32>
    %or3A_46 = arith.ori %or3A_42, %eq3A_45 : vector<4x4096xi1>
    %ge3A_47 = arith.constant 51 : i32
    %ge3A_48 = vector.broadcast %ge3A_47 : i32 to vector<4x4096xi32>
    %ge3A_49 = arith.cmpi sge, %get3A_1, %ge3A_48 : vector<4x4096xi32>
    %le3A = arith.constant 60 : i32
    %le3A_50 = vector.broadcast %le3A : i32 to vector<4x4096xi32>
    %le3A_51 = arith.cmpi sle, %get3A_1, %le3A_50 : vector<4x4096xi32>
    %and3A = arith.andi %ge3A_49, %le3A_51 : vector<4x4096xi1>
    %jit3A = arith.constant 5 : i32
    %jit3A_52 = arith.constant 1 : i32
    %broadcast_in_dim3A = vector.broadcast %jit3A : i32 to vector<4x4096xi32>
    %broadcast_in_dim3A_53 = vector.broadcast %jit3A_52 : i32 to vector<4x4096xi32>
    %select_n3A = arith.select %and3A, %broadcast_in_dim3A, %broadcast_in_dim3A_53 : vector<4x4096xi1>, vector<4x4096xi32>
    %jit3A_54 = arith.constant 3 : i32
    %broadcast_in_dim3A_55 = vector.broadcast %jit3A_54 : i32 to vector<4x4096xi32>
    %select_n3A_56 = arith.select %or3A_46, %broadcast_in_dim3A_55, %select_n3A : vector<4x4096xi1>, vector<4x4096xi32>
    %jit3A_57 = arith.constant 2 : i32
    %broadcast_in_dim3A_58 = vector.broadcast %jit3A_57 : i32 to vector<4x4096xi32>
    %select_n3A_59 = arith.select %or3A_23, %broadcast_in_dim3A_58, %select_n3A_56 : vector<4x4096xi1>, vector<4x4096xi32>
    %jit3A_60 = arith.constant 0 : i32
    %broadcast_in_dim3A_61 = vector.broadcast %jit3A_60 : i32 to vector<4x4096xi32>
    %select_n3A_62 = arith.select %or3A, %broadcast_in_dim3A_61, %select_n3A_59 : vector<4x4096xi1>, vector<4x4096xi32>
    %iota3A = tpu.iota {dimensions = array<i32: 1>} : vector<4x4096xi32>
    %broadcast_in_dim3A_63 = arith.constant -1 : i32
    %broadcast_in_dim3A_64 = vector.broadcast %broadcast_in_dim3A_63 : i32 to vector<4x128xi32>
    %swap3A = arith.constant 0 : index
    %swap3A_65 = arith.constant 0 : index
    %swap3A_66 = vector.load %arg8[%swap3A, %swap3A_65] : memref<4x4352xi32, #tpu.memory_space<vmem>>, vector<4x128xi32>
    tpu.vector_store %arg8[%swap3A, %swap3A_65], %broadcast_in_dim3A_64 {strides = array<i32>} : memref<4x4352xi32, #tpu.memory_space<vmem>>, vector<4x128xi32>,
    %swap3A_67 = arith.constant 0 : index
    %swap3A_68 = arith.constant 128 : index
    %swap3A_69 = vector.load %arg8[%swap3A_67, %swap3A_68] : memref<4x4352xi32, #tpu.memory_space<vmem>>, vector<4x4096xi32>
    tpu.vector_store %arg8[%swap3A_67, %swap3A_68], %get3A_1 {strides = array<i32>} : memref<4x4352xi32, #tpu.memory_space<vmem>>, vector<4x4096xi32>,
    %broadcast_in_dim3A_70 = arith.constant -1 : i32
    %broadcast_in_dim3A_71 = vector.broadcast %broadcast_in_dim3A_70 : i32 to vector<4x128xi32>
    %swap3A_72 = arith.constant 0 : index
    %swap3A_73 = arith.constant 4224 : index
    %swap3A_74 = vector.load %arg8[%swap3A_72, %swap3A_73] : memref<4x4352xi32, #tpu.memory_space<vmem>>, vector<4x128xi32>
    tpu.vector_store %arg8[%swap3A_72, %swap3A_73], %broadcast_in_dim3A_71 {strides = array<i32>} : memref<4x4352xi32, #tpu.memory_space<vmem>>, vector<4x128xi32>,
    %get3A_75 = arith.constant 0 : index
    %get3A_76 = arith.constant 128 : index
    %get3A_77 = vector.load %arg8[%get3A_75, %get3A_76] : memref<4x4352xi32, #tpu.memory_space<vmem>>, vector<4x4096xi32>
    %get3A_78 = arith.constant 0 : index
    %get3A_79 = arith.constant 129 : index
    %get3A_80 = vector.load %arg8[%get3A_78, %get3A_79] : memref<4x4352xi32, #tpu.memory_space<vmem>>, vector<4x4096xi32>
    %get3A_81 = arith.constant 0 : index
    %get3A_82 = arith.constant 130 : index
    %get3A_83 = vector.load %arg8[%get3A_81, %get3A_82] : memref<4x4352xi32, #tpu.memory_space<vmem>>, vector<4x4096xi32>
    %get3A_84 = arith.constant 0 : index
    %get3A_85 = arith.constant 131 : index
    %get3A_86 = vector.load %arg8[%get3A_84, %get3A_85] : memref<4x4352xi32, #tpu.memory_space<vmem>>, vector<4x4096xi32>
    %get3A_87 = arith.constant 0 : index
    %get3A_88 = arith.constant 132 : index
    %get3A_89 = vector.load %arg8[%get3A_87, %get3A_88] : memref<4x4352xi32, #tpu.memory_space<vmem>>, vector<4x4096xi32>
    %eq3A_90 = arith.constant 63 : i32
    %eq3A_91 = vector.broadcast %eq3A_90 : i32 to vector<4x4096xi32>
    %eq3A_92 = arith.cmpi eq, %get3A_77, %eq3A_91 : vector<4x4096xi32>
    %eq3A_93 = arith.constant 106 : i32
    %eq3A_94 = vector.broadcast %eq3A_93 : i32 to vector<4x4096xi32>
    %eq3A_95 = arith.cmpi eq, %get3A_80, %eq3A_94 : vector<4x4096xi32>
    %and3A_96 = arith.andi %eq3A_92, %eq3A_95 : vector<4x4096xi1>
    %eq3A_97 = arith.constant 100 : i32
    %eq3A_98 = vector.broadcast %eq3A_97 : i32 to vector<4x4096xi32>
    %eq3A_99 = arith.cmpi eq, %get3A_83, %eq3A_98 : vector<4x4096xi32>
    %and3A_100 = arith.andi %and3A_96, %eq3A_99 : vector<4x4096xi1>
    %eq3A_101 = arith.constant 115 : i32
    %eq3A_102 = vector.broadcast %eq3A_101 : i32 to vector<4x4096xi32>
    %eq3A_103 = arith.cmpi eq, %get3A_86, %eq3A_102 : vector<4x4096xi32>
    %and3A_104 = arith.andi %and3A_100, %eq3A_103 : vector<4x4096xi1>
    %eq3A_105 = arith.constant 65 : i32
    %eq3A_106 = vector.broadcast %eq3A_105 : i32 to vector<4x4096xi32>
    %eq3A_107 = arith.cmpi eq, %get3A_89, %eq3A_106 : vector<4x4096xi32>
    %and3A_108 = arith.andi %and3A_104, %eq3A_107 : vector<4x4096xi1>
    %convert_element_type3A = arith.extui %and3A_108 : vector<4x4096xi1> to vector<4x4096xi32>
    %broadcast_in_dim3A_109 = arith.constant 0 : i32
    %broadcast_in_dim3A_110 = vector.broadcast %broadcast_in_dim3A_109 : i32 to vector<4x128xi32>
    %swap3A_111 = arith.constant 0 : index
    %swap3A_112 = arith.constant 0 : index
    %swap3A_113 = vector.load %arg8[%swap3A_111, %swap3A_112] : memref<4x4352xi32, #tpu.memory_space<vmem>>, vector<4x128xi32>
    tpu.vector_store %arg8[%swap3A_111, %swap3A_112], %broadcast_in_dim3A_110 {strides = array<i32>} : memref<4x4352xi32, #tpu.memory_space<vmem>>, vector<4x128xi32>,
    %swap3A_114 = arith.constant 0 : index
    %swap3A_115 = arith.constant 128 : index
    %swap3A_116 = vector.load %arg8[%swap3A_114, %swap3A_115] : memref<4x4352xi32, #tpu.memory_space<vmem>>, vector<4x4096xi32>
    tpu.vector_store %arg8[%swap3A_114, %swap3A_115], %convert_element_type3A {strides = array<i32>} : memref<4x4352xi32, #tpu.memory_space<vmem>>, vector<4x4096xi32>,
    %broadcast_in_dim3A_117 = arith.constant 0 : i32
    %broadcast_in_dim3A_118 = vector.broadcast %broadcast_in_dim3A_117 : i32 to vector<4x128xi32>
    %swap3A_119 = arith.constant 0 : index
    %swap3A_120 = arith.constant 4224 : index
    %swap3A_121 = vector.load %arg8[%swap3A_119, %swap3A_120] : memref<4x4352xi32, #tpu.memory_space<vmem>>, vector<4x128xi32>
    tpu.vector_store %arg8[%swap3A_119, %swap3A_120], %broadcast_in_dim3A_118 {strides = array<i32>} : memref<4x4352xi32, #tpu.memory_space<vmem>>, vector<4x128xi32>,
    %get3A_122 = arith.constant 0 : index
    %get3A_123 = arith.constant 124 : index
    %get3A_124 = vector.load %arg8[%get3A_122, %get3A_123] : memref<4x4352xi32, #tpu.memory_space<vmem>>, vector<4x4096xi32>
    %get3A_125 = arith.constant 0 : index
    %get3A_126 = arith.constant 125 : index
    %get3A_127 = vector.load %arg8[%get3A_125, %get3A_126] : memref<4x4352xi32, #tpu.memory_space<vmem>>, vector<4x4096xi32>
    %get3A_128 = arith.constant 0 : index
    %get3A_129 = arith.constant 126 : index
    %get3A_130 = vector.load %arg8[%get3A_128, %get3A_129] : memref<4x4352xi32, #tpu.memory_space<vmem>>, vector<4x4096xi32>
    %get3A_131 = arith.constant 0 : index
    %get3A_132 = arith.constant 127 : index
    %get3A_133 = vector.load %arg8[%get3A_131, %get3A_132] : memref<4x4352xi32, #tpu.memory_space<vmem>>, vector<4x4096xi32>
    %get3A_134 = arith.constant 0 : index
    %get3A_135 = arith.constant 128 : index
    %get3A_136 = vector.load %arg8[%get3A_134, %get3A_135] : memref<4x4352xi32, #tpu.memory_space<vmem>>, vector<4x4096xi32>
    %or3A_137 = arith.ori %get3A_136, %get3A_133 : vector<4x4096xi32>
    %or3A_138 = arith.ori %or3A_137, %get3A_130 : vector<4x4096xi32>
    %or3A_139 = arith.ori %or3A_138, %get3A_127 : vector<4x4096xi32>
    %or3A_140 = arith.ori %or3A_139, %get3A_124 : vector<4x4096xi32>
    %ne3A = arith.constant 0 : i32
    %ne3A_141 = vector.broadcast %ne3A : i32 to vector<4x4096xi32>
    %ne3A_142 = arith.cmpi ne, %or3A_140, %ne3A_141 : vector<4x4096xi32>
    %eq3A_143 = arith.constant 49 : i32
    %eq3A_144 = vector.broadcast %eq3A_143 : i32 to vector<4x4096xi32>
    %eq3A_145 = arith.cmpi eq, %get3A_1, %eq3A_144 : vector<4x4096xi32>
    %convert_element_type3A_146 = arith.extui %eq3A_145 : vector<4x4096xi1> to vector<4x4096xi32>
    %broadcast_in_dim3A_147 = arith.constant 0 : i32
    %broadcast_in_dim3A_148 = vector.broadcast %broadcast_in_dim3A_147 : i32 to vector<4x128xi32>
    %swap3A_149 = arith.constant 0 : index
    %swap3A_150 = arith.constant 0 : index
    %swap3A_151 = vector.load %arg8[%swap3A_149, %swap3A_150] : memref<4x4352xi32, #tpu.memory_space<vmem>>, vector<4x128xi32>
    tpu.vector_store %arg8[%swap3A_149, %swap3A_150], %broadcast_in_dim3A_148 {strides = array<i32>} : memref<4x4352xi32, #tpu.memory_space<vmem>>, vector<4x128xi32>,
    %swap3A_152 = arith.constant 0 : index
    %swap3A_153 = arith.constant 128 : index
    %swap3A_154 = vector.load %arg8[%swap3A_152, %swap3A_153] : memref<4x4352xi32, #tpu.memory_space<vmem>>, vector<4x4096xi32>
    tpu.vector_store %arg8[%swap3A_152, %swap3A_153], %convert_element_type3A_146 {strides = array<i32>} : memref<4x4352xi32, #tpu.memory_space<vmem>>, vector<4x4096xi32>,
    %broadcast_in_dim3A_155 = arith.constant 0 : i32
    %broadcast_in_dim3A_156 = vector.broadcast %broadcast_in_dim3A_155 : i32 to vector<4x128xi32>
    %swap3A_157 = arith.constant 0 : index
    %swap3A_158 = arith.constant 4224 : index
    %swap3A_159 = vector.load %arg8[%swap3A_157, %swap3A_158] : memref<4x4352xi32, #tpu.memory_space<vmem>>, vector<4x128xi32>
    tpu.vector_store %arg8[%swap3A_157, %swap3A_158], %broadcast_in_dim3A_156 {strides = array<i32>} : memref<4x4352xi32, #tpu.memory_space<vmem>>, vector<4x128xi32>,
    %get3A_160 = arith.constant 0 : index
    %get3A_161 = arith.constant 129 : index
    %get3A_162 = vector.load %arg8[%get3A_160, %get3A_161] : memref<4x4352xi32, #tpu.memory_space<vmem>>, vector<4x4096xi32>
    %get3A_163 = arith.constant 0 : index
    %get3A_164 = arith.constant 130 : index
    %get3A_165 = vector.load %arg8[%get3A_163, %get3A_164] : memref<4x4352xi32, #tpu.memory_space<vmem>>, vector<4x4096xi32>
    %ne3A_166 = arith.constant 0 : i32
    %ne3A_167 = vector.broadcast %ne3A_166 : i32 to vector<4x4096xi32>
    %ne3A_168 = arith.cmpi ne, %get3A_162, %ne3A_167 : vector<4x4096xi32>
    %and3A_169 = arith.andi %eq3A_145, %ne3A_168 : vector<4x4096xi1>
    %ne3A_170 = arith.constant 0 : i32
    %ne3A_171 = vector.broadcast %ne3A_170 : i32 to vector<4x4096xi32>
    %ne3A_172 = arith.cmpi ne, %get3A_165, %ne3A_171 : vector<4x4096xi32>
    %and3A_173 = arith.andi %and3A_169, %ne3A_172 : vector<4x4096xi1>
    %jit3A_174 = arith.constant -1 : i32
    %broadcast_in_dim3A_175 = vector.broadcast %jit3A_174 : i32 to vector<4x4096xi32>
    %select_n3A_176 = arith.select %eq3A_145, %broadcast_in_dim3A_175, %iota3A : vector<4x4096xi1>, vector<4x4096xi32>
    %broadcast_in_dim3A_177 = arith.constant -1073741824 : i32
    %broadcast_in_dim3A_178 = vector.broadcast %broadcast_in_dim3A_177 : i32 to vector<4x4096xi32>
    %swap3A_179 = arith.constant 0 : index
    %swap3A_180 = arith.constant 0 : index
    %swap3A_181 = vector.load %arg7[%swap3A_179, %swap3A_180] : memref<4x8192xi32, #tpu.memory_space<vmem>>, vector<4x4096xi32>
    tpu.vector_store %arg7[%swap3A_179, %swap3A_180], %broadcast_in_dim3A_178 {strides = array<i32>} : memref<4x8192xi32, #tpu.memory_space<vmem>>, vector<4x4096xi32>,
    %swap3A_182 = arith.constant 0 : index
    %swap3A_183 = arith.constant 4096 : index
    %swap3A_184 = vector.load %arg7[%swap3A_182, %swap3A_183] : memref<4x8192xi32, #tpu.memory_space<vmem>>, vector<4x4096xi32>
    tpu.vector_store %arg7[%swap3A_182, %swap3A_183], %select_n3A_176 {strides = array<i32>} : memref<4x8192xi32, #tpu.memory_space<vmem>>, vector<4x4096xi32>,
    %get3A_185 = arith.constant 0 : index
    %get3A_186 = arith.constant 4095 : index
    %get3A_187 = vector.load %arg7[%get3A_185, %get3A_186] : memref<4x8192xi32, #tpu.memory_space<vmem>>, vector<4x4096xi32>
    %max3A = arith.maxsi %select_n3A_176, %get3A_187 : vector<4x4096xi32>
    %swap3A_188 = arith.constant 0 : index
    %swap3A_189 = arith.constant 4096 : index
    %swap3A_190 = vector.load %arg7[%swap3A_188, %swap3A_189] : memref<4x8192xi32, #tpu.memory_space<vmem>>, vector<4x4096xi32>
    tpu.vector_store %arg7[%swap3A_188, %swap3A_189], %max3A {strides = array<i32>} : memref<4x8192xi32, #tpu.memory_space<vmem>>, vector<4x4096xi32>,
    %get3A_191 = arith.constant 0 : index
    %get3A_192 = arith.constant 4094 : index
    %get3A_193 = vector.load %arg7[%get3A_191, %get3A_192] : memref<4x8192xi32, #tpu.memory_space<vmem>>, vector<4x4096xi32>
    %max3A_194 = arith.maxsi %max3A, %get3A_193 : vector<4x4096xi32>
    %swap3A_195 = arith.constant 0 : index
    %swap3A_196 = arith.constant 4096 : index
    %swap3A_197 = vector.load %arg7[%swap3A_195, %swap3A_196] : memref<4x8192xi32, #tpu.memory_space<vmem>>, vector<4x4096xi32>
    tpu.vector_store %arg7[%swap3A_195, %swap3A_196], %max3A_194 {strides = array<i32>} : memref<4x8192xi32, #tpu.memory_space<vmem>>, vector<4x4096xi32>,
    %get3A_198 = arith.constant 0 : index
    %get3A_199 = arith.constant 4092 : index
    %get3A_200 = vector.load %arg7[%get3A_198, %get3A_199] : memref<4x8192xi32, #tpu.memory_space<vmem>>, vector<4x4096xi32>
    %max3A_201 = arith.maxsi %max3A_194, %get3A_200 : vector<4x4096xi32>
    %swap3A_202 = arith.constant 0 : index
    %swap3A_203 = arith.constant 4096 : index
    %swap3A_204 = vector.load %arg7[%swap3A_202, %swap3A_203] : memref<4x8192xi32, #tpu.memory_space<vmem>>, vector<4x4096xi32>
    tpu.vector_store %arg7[%swap3A_202, %swap3A_203], %max3A_201 {strides = array<i32>} : memref<4x8192xi32, #tpu.memory_space<vmem>>, vector<4x4096xi32>,
    %get3A_205 = arith.constant 0 : index
    %get3A_206 = arith.constant 4088 : index
    %get3A_207 = vector.load %arg7[%get3A_205, %get3A_206] : memref<4x8192xi32, #tpu.memory_space<vmem>>, vector<4x4096xi32>
    %max3A_208 = arith.maxsi %max3A_201, %get3A_207 : vector<4x4096xi32>
    %swap3A_209 = arith.constant 0 : index
    %swap3A_210 = arith.constant 4096 : index
    %swap3A_211 = vector.load %arg7[%swap3A_209, %swap3A_210] : memref<4x8192xi32, #tpu.memory_space<vmem>>, vector<4x4096xi32>
    tpu.vector_store %arg7[%swap3A_209, %swap3A_210], %max3A_208 {strides = array<i32>} : memref<4x8192xi32, #tpu.memory_space<vmem>>, vector<4x4096xi32>,
    %get3A_212 = arith.constant 0 : index
    %get3A_213 = arith.constant 4080 : index
    %get3A_214 = vector.load %arg7[%get3A_212, %get3A_213] : memref<4x8192xi32, #tpu.memory_space<vmem>>, vector<4x4096xi32>
    %max3A_215 = arith.maxsi %max3A_208, %get3A_214 : vector<4x4096xi32>
    %swap3A_216 = arith.constant 0 : index
    %swap3A_217 = arith.constant 4096 : index
    %swap3A_218 = vector.load %arg7[%swap3A_216, %swap3A_217] : memref<4x8192xi32, #tpu.memory_space<vmem>>, vector<4x4096xi32>
    tpu.vector_store %arg7[%swap3A_216, %swap3A_217], %max3A_215 {strides = array<i32>} : memref<4x8192xi32, #tpu.memory_space<vmem>>, vector<4x4096xi32>,
    %get3A_219 = arith.constant 0 : index
    %get3A_220 = arith.constant 4064 : index
    %get3A_221 = vector.load %arg7[%get3A_219, %get3A_220] : memref<4x8192xi32, #tpu.memory_space<vmem>>, vector<4x4096xi32>
    %max3A_222 = arith.maxsi %max3A_215, %get3A_221 : vector<4x4096xi32>
    %swap3A_223 = arith.constant 0 : index
    %swap3A_224 = arith.constant 4096 : index
    %swap3A_225 = vector.load %arg7[%swap3A_223, %swap3A_224] : memref<4x8192xi32, #tpu.memory_space<vmem>>, vector<4x4096xi32>
    tpu.vector_store %arg7[%swap3A_223, %swap3A_224], %max3A_222 {strides = array<i32>} : memref<4x8192xi32, #tpu.memory_space<vmem>>, vector<4x4096xi32>,
    %get3A_226 = arith.constant 0 : index
    %get3A_227 = arith.constant 4032 : index
    %get3A_228 = vector.load %arg7[%get3A_226, %get3A_227] : memref<4x8192xi32, #tpu.memory_space<vmem>>, vector<4x4096xi32>
    %max3A_229 = arith.maxsi %max3A_222, %get3A_228 : vector<4x4096xi32>
    %swap3A_230 = arith.constant 0 : index
    %swap3A_231 = arith.constant 4096 : index
    %swap3A_232 = vector.load %arg7[%swap3A_230, %swap3A_231] : memref<4x8192xi32, #tpu.memory_space<vmem>>, vector<4x4096xi32>
    tpu.vector_store %arg7[%swap3A_230, %swap3A_231], %max3A_229 {strides = array<i32>} : memref<4x8192xi32, #tpu.memory_space<vmem>>, vector<4x4096xi32>,
    %get3A_233 = arith.constant 0 : index
    %get3A_234 = arith.constant 3968 : index
    %get3A_235 = vector.load %arg7[%get3A_233, %get3A_234] : memref<4x8192xi32, #tpu.memory_space<vmem>>, vector<4x4096xi32>
    %max3A_236 = arith.maxsi %max3A_229, %get3A_235 : vector<4x4096xi32>
    %swap3A_237 = arith.constant 0 : index
    %swap3A_238 = arith.constant 4096 : index
    %swap3A_239 = vector.load %arg7[%swap3A_237, %swap3A_238] : memref<4x8192xi32, #tpu.memory_space<vmem>>, vector<4x4096xi32>
    tpu.vector_store %arg7[%swap3A_237, %swap3A_238], %max3A_236 {strides = array<i32>} : memref<4x8192xi32, #tpu.memory_space<vmem>>, vector<4x4096xi32>,
    %get3A_240 = arith.constant 0 : index
    %get3A_241 = arith.constant 3840 : index
    %get3A_242 = vector.load %arg7[%get3A_240, %get3A_241] : memref<4x8192xi32, #tpu.memory_space<vmem>>, vector<4x4096xi32>
    %max3A_243 = arith.maxsi %max3A_236, %get3A_242 : vector<4x4096xi32>
    %swap3A_244 = arith.constant 0 : index
    %swap3A_245 = arith.constant 4096 : index
    %swap3A_246 = vector.load %arg7[%swap3A_244, %swap3A_245] : memref<4x8192xi32, #tpu.memory_space<vmem>>, vector<4x4096xi32>
    tpu.vector_store %arg7[%swap3A_244, %swap3A_245], %max3A_243 {strides = array<i32>} : memref<4x8192xi32, #tpu.memory_space<vmem>>, vector<4x4096xi32>,
    %get3A_247 = arith.constant 0 : index
    %get3A_248 = arith.constant 3584 : index
    %get3A_249 = vector.load %arg7[%get3A_247, %get3A_248] : memref<4x8192xi32, #tpu.memory_space<vmem>>, vector<4x4096xi32>
    %max3A_250 = arith.maxsi %max3A_243, %get3A_249 : vector<4x4096xi32>
    %swap3A_251 = arith.constant 0 : index
    %swap3A_252 = arith.constant 4096 : index
    %swap3A_253 = vector.load %arg7[%swap3A_251, %swap3A_252] : memref<4x8192xi32, #tpu.memory_space<vmem>>, vector<4x4096xi32>
    tpu.vector_store %arg7[%swap3A_251, %swap3A_252], %max3A_250 {strides = array<i32>} : memref<4x8192xi32, #tpu.memory_space<vmem>>, vector<4x4096xi32>,
    %get3A_254 = arith.constant 0 : index
    %get3A_255 = arith.constant 3072 : index
    %get3A_256 = vector.load %arg7[%get3A_254, %get3A_255] : memref<4x8192xi32, #tpu.memory_space<vmem>>, vector<4x4096xi32>
    %max3A_257 = arith.maxsi %max3A_250, %get3A_256 : vector<4x4096xi32>
    %swap3A_258 = arith.constant 0 : index
    %swap3A_259 = arith.constant 4096 : index
    %swap3A_260 = vector.load %arg7[%swap3A_258, %swap3A_259] : memref<4x8192xi32, #tpu.memory_space<vmem>>, vector<4x4096xi32>
    tpu.vector_store %arg7[%swap3A_258, %swap3A_259], %max3A_257 {strides = array<i32>} : memref<4x8192xi32, #tpu.memory_space<vmem>>, vector<4x4096xi32>,
    %get3A_261 = arith.constant 0 : index
    %get3A_262 = arith.constant 2048 : index
    %get3A_263 = vector.load %arg7[%get3A_261, %get3A_262] : memref<4x8192xi32, #tpu.memory_space<vmem>>, vector<4x4096xi32>
    %max3A_264 = arith.maxsi %max3A_257, %get3A_263 : vector<4x4096xi32>
    %sub3A = arith.subi %iota3A, %max3A_264 : vector<4x4096xi32>
    %sub3A_265 = arith.constant 1 : i32
    %sub3A_266 = vector.broadcast %sub3A_265 : i32 to vector<4x4096xi32>
    %sub3A_267 = arith.subi %sub3A, %sub3A_266 : vector<4x4096xi32>
    %jit3A_268 = arith.constant 3 : i32
    %eq3A_269 = arith.constant 0 : i32
    %eq3A_270 = arith.cmpi eq, %jit3A_268, %eq3A_269 : i32
    %jit3A_271 = arith.constant 1 : i32
    %select_n3A_272 = arith.select %eq3A_270, %jit3A_271, %jit3A_268 : i32
    %rem3A = vector.broadcast %select_n3A_272 : i32 to vector<4x4096xi32>
    %rem3A_273 = arith.remsi %sub3A_267, %rem3A : vector<4x4096xi32>
    %ne3A_274 = arith.constant 0 : i32
    %ne3A_275 = vector.broadcast %ne3A_274 : i32 to vector<4x4096xi32>
    %ne3A_276 = arith.cmpi ne, %rem3A_273, %ne3A_275 : vector<4x4096xi32>
    %lt3A_277 = arith.constant 0 : i32
    %lt3A_278 = vector.broadcast %lt3A_277 : i32 to vector<4x4096xi32>
    %lt3A_279 = arith.cmpi slt, %rem3A_273, %lt3A_278 : vector<4x4096xi32>
    %lt3A_280 = arith.constant 0 : i32
    %lt3A_281 = arith.cmpi slt, %select_n3A_272, %lt3A_280 : i32
    %ne3A_282 = vector.broadcast %lt3A_281 : i1 to vector<4x4096xi1>
    %ne3A_283 = vector.broadcast %ne3A_282 : vector<4x4096xi1> to vector<4x4096xi1>
    %ne3A_284 = arith.xori %lt3A_279, %ne3A_283 : vector<4x4096xi1>
    %and3A_285 = arith.andi %ne3A_284, %ne3A_276 : vector<4x4096xi1>
    %add3A = vector.broadcast %select_n3A_272 : i32 to vector<4x4096xi32>
    %add3A_286 = arith.addi %rem3A_273, %add3A : vector<4x4096xi32>
    %select_n3A_287 = arith.select %and3A_285, %add3A_286, %rem3A_273 : vector<4x4096xi1>, vector<4x4096xi32>
    %eq3A_288 = arith.constant 0 : i32
    %eq3A_289 = vector.broadcast %eq3A_288 : i32 to vector<4x4096xi32>
    %eq3A_290 = arith.cmpi eq, %select_n3A_287, %eq3A_289 : vector<4x4096xi32>
    %and3A_291 = arith.andi %and3A_173, %eq3A_290 : vector<4x4096xi1>
    %convert_element_type3A_292 = arith.extui %and3A_291 : vector<4x4096xi1> to vector<4x4096xi32>
    %broadcast_in_dim3A_293 = arith.constant 0 : i32
    %broadcast_in_dim3A_294 = vector.broadcast %broadcast_in_dim3A_293 : i32 to vector<4x128xi32>
    %swap3A_295 = arith.constant 0 : index
    %swap3A_296 = arith.constant 0 : index
    %swap3A_297 = vector.load %arg8[%swap3A_295, %swap3A_296] : memref<4x4352xi32, #tpu.memory_space<vmem>>, vector<4x128xi32>
    tpu.vector_store %arg8[%swap3A_295, %swap3A_296], %broadcast_in_dim3A_294 {strides = array<i32>} : memref<4x4352xi32, #tpu.memory_space<vmem>>, vector<4x128xi32>,
    %swap3A_298 = arith.constant 0 : index
    %swap3A_299 = arith.constant 128 : index
    %swap3A_300 = vector.load %arg8[%swap3A_298, %swap3A_299] : memref<4x4352xi32, #tpu.memory_space<vmem>>, vector<4x4096xi32>
    tpu.vector_store %arg8[%swap3A_298, %swap3A_299], %convert_element_type3A_292 {strides = array<i32>} : memref<4x4352xi32, #tpu.memory_space<vmem>>, vector<4x4096xi32>,
    %broadcast_in_dim3A_301 = arith.constant 0 : i32
    %broadcast_in_dim3A_302 = vector.broadcast %broadcast_in_dim3A_301 : i32 to vector<4x128xi32>
    %swap3A_303 = arith.constant 0 : index
    %swap3A_304 = arith.constant 4224 : index
    %swap3A_305 = vector.load %arg8[%swap3A_303, %swap3A_304] : memref<4x4352xi32, #tpu.memory_space<vmem>>, vector<4x128xi32>
    tpu.vector_store %arg8[%swap3A_303, %swap3A_304], %broadcast_in_dim3A_302 {strides = array<i32>} : memref<4x4352xi32, #tpu.memory_space<vmem>>, vector<4x128xi32>,
    %get3A_306 = arith.constant 0 : index
    %get3A_307 = arith.constant 126 : index
    %get3A_308 = vector.load %arg8[%get3A_306, %get3A_307] : memref<4x4352xi32, #tpu.memory_space<vmem>>, vector<4x4096xi32>
    %get3A_309 = arith.constant 0 : index
    %get3A_310 = arith.constant 127 : index
    %get3A_311 = vector.load %arg8[%get3A_309, %get3A_310] : memref<4x4352xi32, #tpu.memory_space<vmem>>, vector<4x4096xi32>
    %get3A_312 = arith.constant 0 : index
    %get3A_313 = arith.constant 128 : index
    %get3A_314 = vector.load %arg8[%get3A_312, %get3A_313] : memref<4x4352xi32, #tpu.memory_space<vmem>>, vector<4x4096xi32>
    %or3A_315 = arith.ori %get3A_308, %get3A_311 : vector<4x4096xi32>
    %or3A_316 = arith.ori %or3A_315, %get3A_314 : vector<4x4096xi32>
    %ne3A_317 = arith.constant 0 : i32
    %ne3A_318 = vector.broadcast %ne3A_317 : i32 to vector<4x4096xi32>
    %ne3A_319 = arith.cmpi ne, %or3A_316, %ne3A_318 : vector<4x4096xi32>
    %eq3A_320 = arith.constant 94 : i32
    %eq3A_321 = vector.broadcast %eq3A_320 : i32 to vector<4x4096xi32>
    %eq3A_322 = arith.cmpi eq, %get3A_1, %eq3A_321 : vector<4x4096xi32>
    %mul3A = arith.constant 2 : i32
    %mul3A_323 = vector.broadcast %mul3A : i32 to vector<4x4096xi32>
    %mul3A_324 = arith.muli %mul3A_323, %iota3A : vector<4x4096xi32>
    %add3A_325 = arith.constant 1 : i32
    %add3A_326 = vector.broadcast %add3A_325 : i32 to vector<4x4096xi32>
    %add3A_327 = arith.addi %mul3A_324, %add3A_326 : vector<4x4096xi32>
    %eq3A_328 = arith.constant 96 : i32
    %eq3A_329 = vector.broadcast %eq3A_328 : i32 to vector<4x4096xi32>
    %eq3A_330 = arith.cmpi eq, %get3A_1, %eq3A_329 : vector<4x4096xi32>
    %mul3A_331 = arith.constant 2 : i32
    %mul3A_332 = vector.broadcast %mul3A_331 : i32 to vector<4x4096xi32>
    %mul3A_333 = arith.muli %mul3A_332, %iota3A : vector<4x4096xi32>
    %jit3A_334 = arith.constant -1 : i32
    %broadcast_in_dim3A_335 = vector.broadcast %jit3A_334 : i32 to vector<4x4096xi32>
    %select_n3A_336 = arith.select %eq3A_330, %mul3A_333, %broadcast_in_dim3A_335 : vector<4x4096xi1>, vector<4x4096xi32>
    %select_n3A_337 = arith.select %eq3A_322, %add3A_327, %select_n3A_336 : vector<4x4096xi1>, vector<4x4096xi32>
    %broadcast_in_dim3A_338 = arith.constant -1073741824 : i32
    %broadcast_in_dim3A_339 = vector.broadcast %broadcast_in_dim3A_338 : i32 to vector<4x4096xi32>
    %swap3A_340 = arith.constant 0 : index
    %swap3A_341 = arith.constant 0 : index
    %swap3A_342 = vector.load %arg7[%swap3A_340, %swap3A_341] : memref<4x8192xi32, #tpu.memory_space<vmem>>, vector<4x4096xi32>
    tpu.vector_store %arg7[%swap3A_340, %swap3A_341], %broadcast_in_dim3A_339 {strides = array<i32>} : memref<4x8192xi32, #tpu.memory_space<vmem>>, vector<4x4096xi32>,
    %swap3A_343 = arith.constant 0 : index
    %swap3A_344 = arith.constant 4096 : index
    %swap3A_345 = vector.load %arg7[%swap3A_343, %swap3A_344] : memref<4x8192xi32, #tpu.memory_space<vmem>>, vector<4x4096xi32>
    tpu.vector_store %arg7[%swap3A_343, %swap3A_344], %select_n3A_337 {strides = array<i32>} : memref<4x8192xi32, #tpu.memory_space<vmem>>, vector<4x4096xi32>,
    %get3A_346 = arith.constant 0 : index
    %get3A_347 = arith.constant 4095 : index
    %get3A_348 = vector.load %arg7[%get3A_346, %get3A_347] : memref<4x8192xi32, #tpu.memory_space<vmem>>, vector<4x4096xi32>
    %max3A_349 = arith.maxsi %select_n3A_337, %get3A_348 : vector<4x4096xi32>
    %swap3A_350 = arith.constant 0 : index
    %swap3A_351 = arith.constant 4096 : index
    %swap3A_352 = vector.load %arg7[%swap3A_350, %swap3A_351] : memref<4x8192xi32, #tpu.memory_space<vmem>>, vector<4x4096xi32>
    tpu.vector_store %arg7[%swap3A_350, %swap3A_351], %max3A_349 {strides = array<i32>} : memref<4x8192xi32, #tpu.memory_space<vmem>>, vector<4x4096xi32>,
    %get3A_353 = arith.constant 0 : index
    %get3A_354 = arith.constant 4094 : index
    %get3A_355 = vector.load %arg7[%get3A_353, %get3A_354] : memref<4x8192xi32, #tpu.memory_space<vmem>>, vector<4x4096xi32>
    %max3A_356 = arith.maxsi %max3A_349, %get3A_355 : vector<4x4096xi32>
    %swap3A_357 = arith.constant 0 : index
    %swap3A_358 = arith.constant 4096 : index
    %swap3A_359 = vector.load %arg7[%swap3A_357, %swap3A_358] : memref<4x8192xi32, #tpu.memory_space<vmem>>, vector<4x4096xi32>
    tpu.vector_store %arg7[%swap3A_357, %swap3A_358], %max3A_356 {strides = array<i32>} : memref<4x8192xi32, #tpu.memory_space<vmem>>, vector<4x4096xi32>,
    %get3A_360 = arith.constant 0 : index
    %get3A_361 = arith.constant 4092 : index
    %get3A_362 = vector.load %arg7[%get3A_360, %get3A_361] : memref<4x8192xi32, #tpu.memory_space<vmem>>, vector<4x4096xi32>
    %max3A_363 = arith.maxsi %max3A_356, %get3A_362 : vector<4x4096xi32>
    %swap3A_364 = arith.constant 0 : index
    %swap3A_365 = arith.constant 4096 : index
    %swap3A_366 = vector.load %arg7[%swap3A_364, %swap3A_365] : memref<4x8192xi32, #tpu.memory_space<vmem>>, vector<4x4096xi32>
    tpu.vector_store %arg7[%swap3A_364, %swap3A_365], %max3A_363 {strides = array<i32>} : memref<4x8192xi32, #tpu.memory_space<vmem>>, vector<4x4096xi32>,
    %get3A_367 = arith.constant 0 : index
    %get3A_368 = arith.constant 4088 : index
    %get3A_369 = vector.load %arg7[%get3A_367, %get3A_368] : memref<4x8192xi32, #tpu.memory_space<vmem>>, vector<4x4096xi32>
    %max3A_370 = arith.maxsi %max3A_363, %get3A_369 : vector<4x4096xi32>
    %swap3A_371 = arith.constant 0 : index
    %swap3A_372 = arith.constant 4096 : index
    %swap3A_373 = vector.load %arg7[%swap3A_371, %swap3A_372] : memref<4x8192xi32, #tpu.memory_space<vmem>>, vector<4x4096xi32>
    tpu.vector_store %arg7[%swap3A_371, %swap3A_372], %max3A_370 {strides = array<i32>} : memref<4x8192xi32, #tpu.memory_space<vmem>>, vector<4x4096xi32>,
    %get3A_374 = arith.constant 0 : index
    %get3A_375 = arith.constant 4080 : index
    %get3A_376 = vector.load %arg7[%get3A_374, %get3A_375] : memref<4x8192xi32, #tpu.memory_space<vmem>>, vector<4x4096xi32>
    %max3A_377 = arith.maxsi %max3A_370, %get3A_376 : vector<4x4096xi32>
    %swap3A_378 = arith.constant 0 : index
    %swap3A_379 = arith.constant 4096 : index
    %swap3A_380 = vector.load %arg7[%swap3A_378, %swap3A_379] : memref<4x8192xi32, #tpu.memory_space<vmem>>, vector<4x4096xi32>
    tpu.vector_store %arg7[%swap3A_378, %swap3A_379], %max3A_377 {strides = array<i32>} : memref<4x8192xi32, #tpu.memory_space<vmem>>, vector<4x4096xi32>,
    %get3A_381 = arith.constant 0 : index
    %get3A_382 = arith.constant 4064 : index
    %get3A_383 = vector.load %arg7[%get3A_381, %get3A_382] : memref<4x8192xi32, #tpu.memory_space<vmem>>, vector<4x4096xi32>
    %max3A_384 = arith.maxsi %max3A_377, %get3A_383 : vector<4x4096xi32>
    %swap3A_385 = arith.constant 0 : index
    %swap3A_386 = arith.constant 4096 : index
    %swap3A_387 = vector.load %arg7[%swap3A_385, %swap3A_386] : memref<4x8192xi32, #tpu.memory_space<vmem>>, vector<4x4096xi32>
    tpu.vector_store %arg7[%swap3A_385, %swap3A_386], %max3A_384 {strides = array<i32>} : memref<4x8192xi32, #tpu.memory_space<vmem>>, vector<4x4096xi32>,
    %get3A_388 = arith.constant 0 : index
    %get3A_389 = arith.constant 4032 : index
    %get3A_390 = vector.load %arg7[%get3A_388, %get3A_389] : memref<4x8192xi32, #tpu.memory_space<vmem>>, vector<4x4096xi32>
    %max3A_391 = arith.maxsi %max3A_384, %get3A_390 : vector<4x4096xi32>
    %swap3A_392 = arith.constant 0 : index
    %swap3A_393 = arith.constant 4096 : index
    %swap3A_394 = vector.load %arg7[%swap3A_392, %swap3A_393] : memref<4x8192xi32, #tpu.memory_space<vmem>>, vector<4x4096xi32>
    tpu.vector_store %arg7[%swap3A_392, %swap3A_393], %max3A_391 {strides = array<i32>} : memref<4x8192xi32, #tpu.memory_space<vmem>>, vector<4x4096xi32>,
    %get3A_395 = arith.constant 0 : index
    %get3A_396 = arith.constant 3968 : index
    %get3A_397 = vector.load %arg7[%get3A_395, %get3A_396] : memref<4x8192xi32, #tpu.memory_space<vmem>>, vector<4x4096xi32>
    %max3A_398 = arith.maxsi %max3A_391, %get3A_397 : vector<4x4096xi32>
    %swap3A_399 = arith.constant 0 : index
    %swap3A_400 = arith.constant 4096 : index
    %swap3A_401 = vector.load %arg7[%swap3A_399, %swap3A_400] : memref<4x8192xi32, #tpu.memory_space<vmem>>, vector<4x4096xi32>
    tpu.vector_store %arg7[%swap3A_399, %swap3A_400], %max3A_398 {strides = array<i32>} : memref<4x8192xi32, #tpu.memory_space<vmem>>, vector<4x4096xi32>,
    %get3A_402 = arith.constant 0 : index
    %get3A_403 = arith.constant 3840 : index
    %get3A_404 = vector.load %arg7[%get3A_402, %get3A_403] : memref<4x8192xi32, #tpu.memory_space<vmem>>, vector<4x4096xi32>
    %max3A_405 = arith.maxsi %max3A_398, %get3A_404 : vector<4x4096xi32>
    %swap3A_406 = arith.constant 0 : index
    %swap3A_407 = arith.constant 4096 : index
    %swap3A_408 = vector.load %arg7[%swap3A_406, %swap3A_407] : memref<4x8192xi32, #tpu.memory_space<vmem>>, vector<4x4096xi32>
    tpu.vector_store %arg7[%swap3A_406, %swap3A_407], %max3A_405 {strides = array<i32>} : memref<4x8192xi32, #tpu.memory_space<vmem>>, vector<4x4096xi32>,
    %get3A_409 = arith.constant 0 : index
    %get3A_410 = arith.constant 3584 : index
    %get3A_411 = vector.load %arg7[%get3A_409, %get3A_410] : memref<4x8192xi32, #tpu.memory_space<vmem>>, vector<4x4096xi32>
    %max3A_412 = arith.maxsi %max3A_405, %get3A_411 : vector<4x4096xi32>
    %swap3A_413 = arith.constant 0 : index
    %swap3A_414 = arith.constant 4096 : index
    %swap3A_415 = vector.load %arg7[%swap3A_413, %swap3A_414] : memref<4x8192xi32, #tpu.memory_space<vmem>>, vector<4x4096xi32>
    tpu.vector_store %arg7[%swap3A_413, %swap3A_414], %max3A_412 {strides = array<i32>} : memref<4x8192xi32, #tpu.memory_space<vmem>>, vector<4x4096xi32>,
    %get3A_416 = arith.constant 0 : index
    %get3A_417 = arith.constant 3072 : index
    %get3A_418 = vector.load %arg7[%get3A_416, %get3A_417] : memref<4x8192xi32, #tpu.memory_space<vmem>>, vector<4x4096xi32>
    %max3A_419 = arith.maxsi %max3A_412, %get3A_418 : vector<4x4096xi32>
    %swap3A_420 = arith.constant 0 : index
    %swap3A_421 = arith.constant 4096 : index
    %swap3A_422 = vector.load %arg7[%swap3A_420, %swap3A_421] : memref<4x8192xi32, #tpu.memory_space<vmem>>, vector<4x4096xi32>
    tpu.vector_store %arg7[%swap3A_420, %swap3A_421], %max3A_419 {strides = array<i32>} : memref<4x8192xi32, #tpu.memory_space<vmem>>, vector<4x4096xi32>,
    %get3A_423 = arith.constant 0 : index
    %get3A_424 = arith.constant 2048 : index
    %get3A_425 = vector.load %arg7[%get3A_423, %get3A_424] : memref<4x8192xi32, #tpu.memory_space<vmem>>, vector<4x4096xi32>
    %max3A_426 = arith.maxsi %max3A_419, %get3A_425 : vector<4x4096xi32>
    %eq3A_427 = arith.constant 123 : i32
    %eq3A_428 = vector.broadcast %eq3A_427 : i32 to vector<4x4096xi32>
    %eq3A_429 = arith.cmpi eq, %get3A_1, %eq3A_428 : vector<4x4096xi32>
    %ge3A_430 = arith.constant 0 : i32
    %ge3A_431 = vector.broadcast %ge3A_430 : i32 to vector<4x4096xi32>
    %ge3A_432 = arith.cmpi sge, %max3A_426, %ge3A_431 : vector<4x4096xi32>
    %and3A_433 = arith.andi %eq3A_429, %ge3A_432 : vector<4x4096xi1>
    %and3A_434 = arith.constant 1 : i32
    %and3A_435 = vector.broadcast %and3A_434 : i32 to vector<4x4096xi32>
    %and3A_436 = arith.andi %max3A_426, %and3A_435 : vector<4x4096xi32>
    %eq3A_437 = arith.constant 1 : i32
    %eq3A_438 = vector.broadcast %eq3A_437 : i32 to vector<4x4096xi32>
    %eq3A_439 = arith.cmpi eq, %and3A_436, %eq3A_438 : vector<4x4096xi32>
    %and3A_440 = arith.andi %and3A_433, %eq3A_439 : vector<4x4096xi1>
    %or3A_441 = arith.ori %ne3A_142, %ne3A_319 : vector<4x4096xi1>
    %or3A_442 = arith.ori %or3A_441, %and3A_440 : vector<4x4096xi1>
    %jit3A_443 = arith.constant 4 : i32
    %broadcast_in_dim3A_444 = vector.broadcast %jit3A_443 : i32 to vector<4x4096xi32>
    %select_n3A_445 = arith.select %or3A_442, %broadcast_in_dim3A_444, %select_n3A_62 : vector<4x4096xi1>, vector<4x4096xi32>
    %mul3A_446 = arith.constant 384 : i32
    %mul3A_447 = vector.broadcast %mul3A_446 : i32 to vector<4x4096xi32>
    %mul3A_448 = arith.muli %select_n3A_445, %mul3A_447 : vector<4x4096xi32>
    %add3A_449 = arith.addi %mul3A_448, %get3A_1 : vector<4x4096xi32>
    %swap3A_450 = arith.constant 0 : index
    %swap3A_451 = arith.constant 0 : index
    %swap3A_452 = vector.load %arg6[%swap3A_450, %swap3A_451] : memref<4x4096xi32, #tpu.memory_space<vmem>>, vector<4x4096xi32>
    tpu.vector_store %arg6[%swap3A_450, %swap3A_451], %add3A_449 {strides = array<i32>} : memref<4x4096xi32, #tpu.memory_space<vmem>>, vector<4x4096xi32>,
    %get3A_453 = arith.constant 0 : index
    %get3A_454 = arith.constant 0 : index
    %get3A_455 = vector.load %arg1[%get3A_453, %get3A_454] : memref<384x1024xf32, #tpu.memory_space<vmem>>, vector<384x1024xf32>
    %get3A_456 = arith.constant 0 : index
    %get3A_457 = arith.constant 0 : index
    %get3A_458 = vector.load %arg3[%get3A_456, %get3A_457] : memref<1024x2048xf32, #tpu.memory_space<vmem>>, vector<1024x1024xf32>
    %dot_general3A = arith.constant dense<0.000000e+00> : vector<384x1024xf32>
    %dot_general3A_459 = tpu.matmul %get3A_455, %get3A_458, %dot_general3A {dimension_numbers = #tpu.dot_dimension_numbers<[1], [1], [0], [0], [0, 0, 1, 0], [], []>, transpose_lhs_hint = false} : vector<384x1024xf32>, vector<1024x1024xf32>, vector<384x1024xf32> -> vector<384x1024xf32>
    %get3A_460 = arith.constant 0 : index
    %get3A_461 = arith.constant 0 : index
    %get3A_462 = vector.load %arg2[%get3A_460, %get3A_461] : memref<6x1024xf32, #tpu.memory_space<vmem>>, vector<6x1024xf32>
    %get3A_463 = arith.constant 0 : index
    %get3A_464 = arith.constant 1024 : index
    %get3A_465 = vector.load %arg3[%get3A_463, %get3A_464] : memref<1024x2048xf32, #tpu.memory_space<vmem>>, vector<1024x1024xf32>
    %dot_general3A_466 = arith.constant dense<0.000000e+00> : vector<6x1024xf32>
    %dot_general3A_467 = tpu.matmul %get3A_462, %get3A_465, %dot_general3A_466 {dimension_numbers = #tpu.dot_dimension_numbers<[1], [1], [0], [0], [0, 0, 1, 0], [], []>, transpose_lhs_hint = false} : vector<6x1024xf32>, vector<1024x1024xf32>, vector<6x1024xf32> -> vector<6x1024xf32>
    %get3A_468 = arith.constant 0 : index
    %get3A_469 = arith.constant 0 : index
    %get3A_470 = vector.load %arg4[%get3A_468, %get3A_469] : memref<1x1024xf32, #tpu.memory_space<vmem>>, vector<1x1024xf32>
    %slice3A = vector.extract_strided_slice %dot_general3A_467 {offsets = [0, 0], sizes = [1, 1024], strides = [1, 1]} : vector<6x1024xf32> to vector<1x1024xf32>
    %add3A_471 = vector.broadcast %slice3A : vector<1x1024xf32> to vector<384x1024xf32>
    %add3A_472 = arith.addf %dot_general3A_459, %add3A_471 : vector<384x1024xf32>
    %add3A_473 = vector.broadcast %get3A_470 : vector<1x1024xf32> to vector<384x1024xf32>
    %add3A_474 = arith.addf %add3A_472, %add3A_473 : vector<384x1024xf32>
    %logistic3A = arith.negf %add3A_474 : vector<384x1024xf32>
    %logistic3A_475 = math.exp %logistic3A : vector<384x1024xf32>
    %logistic3A_476 = arith.constant 1.000000e+00 : f32
    %logistic3A_477 = vector.broadcast %logistic3A_476 : f32 to vector<384x1024xf32>
    %logistic3A_478 = arith.addf %logistic3A_477, %logistic3A_475 : vector<384x1024xf32>
    %logistic3A_479 = arith.divf %logistic3A_477, %logistic3A_478 : vector<384x1024xf32>
    %get3A_480 = arith.constant 0 : index
    %get3A_481 = arith.constant 0 : index
    %get3A_482 = vector.load %arg2[%get3A_480, %get3A_481] : memref<6x1024xf32, #tpu.memory_space<vmem>>, vector<1x1024xf32>
    %mul3A_483 = vector.broadcast %get3A_482 : vector<1x1024xf32> to vector<384x1024xf32>
    %mul3A_484 = arith.mulf %logistic3A_479, %mul3A_483 : vector<384x1024xf32>
    %add3A_485 = arith.addf %get3A_455, %mul3A_484 : vector<384x1024xf32>
    %swap3A_486 = arith.constant 0 : index
    %swap3A_487 = arith.constant 0 : index
    %swap3A_488 = vector.load %arg5[%swap3A_486, %swap3A_487] : memref<2304x1024xf32, #tpu.memory_space<vmem>>, vector<384x1024xf32>
    tpu.vector_store %arg5[%swap3A_486, %swap3A_487], %add3A_485 {strides = array<i32>} : memref<2304x1024xf32, #tpu.memory_space<vmem>>, vector<384x1024xf32>,
    %slice3A_489 = vector.extract_strided_slice %dot_general3A_467 {offsets = [1, 0], sizes = [1, 1024], strides = [1, 1]} : vector<6x1024xf32> to vector<1x1024xf32>
    %add3A_490 = vector.broadcast %slice3A_489 : vector<1x1024xf32> to vector<384x1024xf32>
    %add3A_491 = arith.addf %dot_general3A_459, %add3A_490 : vector<384x1024xf32>
    %add3A_492 = vector.broadcast %get3A_470 : vector<1x1024xf32> to vector<384x1024xf32>
    %add3A_493 = arith.addf %add3A_491, %add3A_492 : vector<384x1024xf32>
    %logistic3A_494 = arith.negf %add3A_493 : vector<384x1024xf32>
    %logistic3A_495 = math.exp %logistic3A_494 : vector<384x1024xf32>
    %logistic3A_496 = arith.constant 1.000000e+00 : f32
    %logistic3A_497 = vector.broadcast %logistic3A_496 : f32 to vector<384x1024xf32>
    %logistic3A_498 = arith.addf %logistic3A_497, %logistic3A_495 : vector<384x1024xf32>
    %logistic3A_499 = arith.divf %logistic3A_497, %logistic3A_498 : vector<384x1024xf32>
    %get3A_500 = arith.constant 1 : index
    %get3A_501 = arith.constant 0 : index
    %get3A_502 = vector.load %arg2[%get3A_500, %get3A_501] : memref<6x1024xf32, #tpu.memory_space<vmem>>, vector<1x1024xf32>
    %mul3A_503 = vector.broadcast %get3A_502 : vector<1x1024xf32> to vector<384x1024xf32>
    %mul3A_504 = arith.mulf %logistic3A_499, %mul3A_503 : vector<384x1024xf32>
    %add3A_505 = arith.addf %get3A_455, %mul3A_504 : vector<384x1024xf32>
    %swap3A_506 = arith.constant 384 : index
    %swap3A_507 = arith.constant 0 : index
    %swap3A_508 = vector.load %arg5[%swap3A_506, %swap3A_507] : memref<2304x1024xf32, #tpu.memory_space<vmem>>, vector<384x1024xf32>
    tpu.vector_store %arg5[%swap3A_506, %swap3A_507], %add3A_505 {strides = array<i32>} : memref<2304x1024xf32, #tpu.memory_space<vmem>>, vector<384x1024xf32>,
    %slice3A_509 = vector.extract_strided_slice %dot_general3A_467 {offsets = [2, 0], sizes = [1, 1024], strides = [1, 1]} : vector<6x1024xf32> to vector<1x1024xf32>
    %add3A_510 = vector.broadcast %slice3A_509 : vector<1x1024xf32> to vector<384x1024xf32>
    %add3A_511 = arith.addf %dot_general3A_459, %add3A_510 : vector<384x1024xf32>
    %add3A_512 = vector.broadcast %get3A_470 : vector<1x1024xf32> to vector<384x1024xf32>
    %add3A_513 = arith.addf %add3A_511, %add3A_512 : vector<384x1024xf32>
    %logistic3A_514 = arith.negf %add3A_513 : vector<384x1024xf32>
    %logistic3A_515 = math.exp %logistic3A_514 : vector<384x1024xf32>
    %logistic3A_516 = arith.constant 1.000000e+00 : f32
    %logistic3A_517 = vector.broadcast %logistic3A_516 : f32 to vector<384x1024xf32>
    %logistic3A_518 = arith.addf %logistic3A_517, %logistic3A_515 : vector<384x1024xf32>
    %logistic3A_519 = arith.divf %logistic3A_517, %logistic3A_518 : vector<384x1024xf32>
    %get3A_520 = arith.constant 2 : index
    %get3A_521 = arith.constant 0 : index
    %get3A_522 = vector.load %arg2[%get3A_520, %get3A_521] : memref<6x1024xf32, #tpu.memory_space<vmem>>, vector<1x1024xf32>
    %mul3A_523 = vector.broadcast %get3A_522 : vector<1x1024xf32> to vector<384x1024xf32>
    %mul3A_524 = arith.mulf %logistic3A_519, %mul3A_523 : vector<384x1024xf32>
    %add3A_525 = arith.addf %get3A_455, %mul3A_524 : vector<384x1024xf32>
    %swap3A_526 = arith.constant 768 : index
    %swap3A_527 = arith.constant 0 : index
    %swap3A_528 = vector.load %arg5[%swap3A_526, %swap3A_527] : memref<2304x1024xf32, #tpu.memory_space<vmem>>, vector<384x1024xf32>
    tpu.vector_store %arg5[%swap3A_526, %swap3A_527], %add3A_525 {strides = array<i32>} : memref<2304x1024xf32, #tpu.memory_space<vmem>>, vector<384x1024xf32>,
    %slice3A_529 = vector.extract_strided_slice %dot_general3A_467 {offsets = [3, 0], sizes = [1, 1024], strides = [1, 1]} : vector<6x1024xf32> to vector<1x1024xf32>
    %add3A_530 = vector.broadcast %slice3A_529 : vector<1x1024xf32> to vector<384x1024xf32>
    %add3A_531 = arith.addf %dot_general3A_459, %add3A_530 : vector<384x1024xf32>
    %add3A_532 = vector.broadcast %get3A_470 : vector<1x1024xf32> to vector<384x1024xf32>
    %add3A_533 = arith.addf %add3A_531, %add3A_532 : vector<384x1024xf32>
    %logistic3A_534 = arith.negf %add3A_533 : vector<384x1024xf32>
    %logistic3A_535 = math.exp %logistic3A_534 : vector<384x1024xf32>
    %logistic3A_536 = arith.constant 1.000000e+00 : f32
    %logistic3A_537 = vector.broadcast %logistic3A_536 : f32 to vector<384x1024xf32>
    %logistic3A_538 = arith.addf %logistic3A_537, %logistic3A_535 : vector<384x1024xf32>
    %logistic3A_539 = arith.divf %logistic3A_537, %logistic3A_538 : vector<384x1024xf32>
    %get3A_540 = arith.constant 3 : index
    %get3A_541 = arith.constant 0 : index
    %get3A_542 = vector.load %arg2[%get3A_540, %get3A_541] : memref<6x1024xf32, #tpu.memory_space<vmem>>, vector<1x1024xf32>
    %mul3A_543 = vector.broadcast %get3A_542 : vector<1x1024xf32> to vector<384x1024xf32>
    %mul3A_544 = arith.mulf %logistic3A_539, %mul3A_543 : vector<384x1024xf32>
    %add3A_545 = arith.addf %get3A_455, %mul3A_544 : vector<384x1024xf32>
    %swap3A_546 = arith.constant 1152 : index
    %swap3A_547 = arith.constant 0 : index
    %swap3A_548 = vector.load %arg5[%swap3A_546, %swap3A_547] : memref<2304x1024xf32, #tpu.memory_space<vmem>>, vector<384x1024xf32>
    tpu.vector_store %arg5[%swap3A_546, %swap3A_547], %add3A_545 {strides = array<i32>} : memref<2304x1024xf32, #tpu.memory_space<vmem>>, vector<384x1024xf32>,
    %slice3A_549 = vector.extract_strided_slice %dot_general3A_467 {offsets = [4, 0], sizes = [1, 1024], strides = [1, 1]} : vector<6x1024xf32> to vector<1x1024xf32>
    %add3A_550 = vector.broadcast %slice3A_549 : vector<1x1024xf32> to vector<384x1024xf32>
    %add3A_551 = arith.addf %dot_general3A_459, %add3A_550 : vector<384x1024xf32>
    %add3A_552 = vector.broadcast %get3A_470 : vector<1x1024xf32> to vector<384x1024xf32>
    %add3A_553 = arith.addf %add3A_551, %add3A_552 : vector<384x1024xf32>
    %logistic3A_554 = arith.negf %add3A_553 : vector<384x1024xf32>
    %logistic3A_555 = math.exp %logistic3A_554 : vector<384x1024xf32>
    %logistic3A_556 = arith.constant 1.000000e+00 : f32
    %logistic3A_557 = vector.broadcast %logistic3A_556 : f32 to vector<384x1024xf32>
    %logistic3A_558 = arith.addf %logistic3A_557, %logistic3A_555 : vector<384x1024xf32>
    %logistic3A_559 = arith.divf %logistic3A_557, %logistic3A_558 : vector<384x1024xf32>
    %get3A_560 = arith.constant 4 : index
    %get3A_561 = arith.constant 0 : index
    %get3A_562 = vector.load %arg2[%get3A_560, %get3A_561] : memref<6x1024xf32, #tpu.memory_space<vmem>>, vector<1x1024xf32>
    %mul3A_563 = vector.broadcast %get3A_562 : vector<1x1024xf32> to vector<384x1024xf32>
    %mul3A_564 = arith.mulf %logistic3A_559, %mul3A_563 : vector<384x1024xf32>
    %add3A_565 = arith.addf %get3A_455, %mul3A_564 : vector<384x1024xf32>
    %swap3A_566 = arith.constant 1536 : index
    %swap3A_567 = arith.constant 0 : index
    %swap3A_568 = vector.load %arg5[%swap3A_566, %swap3A_567] : memref<2304x1024xf32, #tpu.memory_space<vmem>>, vector<384x1024xf32>
    tpu.vector_store %arg5[%swap3A_566, %swap3A_567], %add3A_565 {strides = array<i32>} : memref<2304x1024xf32, #tpu.memory_space<vmem>>, vector<384x1024xf32>,
    %slice3A_569 = vector.extract_strided_slice %dot_general3A_467 {offsets = [5, 0], sizes = [1, 1024], strides = [1, 1]} : vector<6x1024xf32> to vector<1x1024xf32>
    %add3A_570 = vector.broadcast %slice3A_569 : vector<1x1024xf32> to vector<384x1024xf32>
    %add3A_571 = arith.addf %dot_general3A_459, %add3A_570 : vector<384x1024xf32>
    %add3A_572 = vector.broadcast %get3A_470 : vector<1x1024xf32> to vector<384x1024xf32>
    %add3A_573 = arith.addf %add3A_571, %add3A_572 : vector<384x1024xf32>
    %logistic3A_574 = arith.negf %add3A_573 : vector<384x1024xf32>
    %logistic3A_575 = math.exp %logistic3A_574 : vector<384x1024xf32>
    %logistic3A_576 = arith.constant 1.000000e+00 : f32
    %logistic3A_577 = vector.broadcast %logistic3A_576 : f32 to vector<384x1024xf32>
    %logistic3A_578 = arith.addf %logistic3A_577, %logistic3A_575 : vector<384x1024xf32>
    %logistic3A_579 = arith.divf %logistic3A_577, %logistic3A_578 : vector<384x1024xf32>
    %get3A_580 = arith.constant 5 : index
    %get3A_581 = arith.constant 0 : index
    %get3A_582 = vector.load %arg2[%get3A_580, %get3A_581] : memref<6x1024xf32, #tpu.memory_space<vmem>>, vector<1x1024xf32>
    %mul3A_583 = vector.broadcast %get3A_582 : vector<1x1024xf32> to vector<384x1024xf32>
    %mul3A_584 = arith.mulf %logistic3A_579, %mul3A_583 : vector<384x1024xf32>
    %add3A_585 = arith.addf %get3A_455, %mul3A_584 : vector<384x1024xf32>
    %swap3A_586 = arith.constant 1920 : index
    %swap3A_587 = arith.constant 0 : index
    %swap3A_588 = vector.load %arg5[%swap3A_586, %swap3A_587] : memref<2304x1024xf32, #tpu.memory_space<vmem>>, vector<384x1024xf32>
    tpu.vector_store %arg5[%swap3A_586, %swap3A_587], %add3A_585 {strides = array<i32>} : memref<2304x1024xf32, #tpu.memory_space<vmem>>, vector<384x1024xf32>,
    return
  }
}

</mosaic_0001>

<sc_bundles>
// kernel: kernel.4.cloned.1.call-start
scs
__scs_entry_jumppad:
0x0: {  	(pc) =	sbr.rel $0x88, $3  }
0x1: {  	(tag) =	ssettag $0x0;
	lr =	simm.s32 $0x1  }
0x2: {  	[smem:$0x3F9C] =	sst lr;
	_ =	strace $0xD0000000  }
0x3: {  	_ = 	snop  }
0x4: {  	_ = 	snop  }
0x5: {  	_ = 	snop  }
0x6: {  	_ = 	snop  }
0x7: {  	_ = 	snop  }
__scs_overlays_trampoline_lowered:
0x8: {  	[smem:$0x3FAB] =	sst s0  }
0x9: {  	[smem:$0x3FAC] =	sst s1  }
0xa: {  	[smem:$0x3FAD] =	sst s2  }
0xb: {  	[smem:$0x3FAE] =	sst s3  }
0xc: {  	[smem:$0x3FAF] =	sst s4  }
0xd: {  	[smem:$0x3FB0] =	sst s5  }
0xe: {  	[smem:$0x3FB1] =	sst s6  }
0xf: {  	[smem:$0x3FB2] =	sst s7  }
0x10: {  	[smem:$0x3FB3] =	sst s8  }
0x11: {  	[smem:$0x3FB4] =	sst s9;
	s0 =	simm.s32 @!p0 $0x0  }
0x12: {  	s1 =	sld [smem:$0x3F9A];
	s0 =	simm.s32 @p0 $0x1  }
0x13: {  	[smem:$0x3FB5] =	sst s0;
	s0 =	simm.s32 @!p1 $0x0  }
0x14: {  	s2 =	sld [smem:$0x3F99];
	s0 =	simm.s32 @p1 $0x1  }
0x15: {  	[smem:$0x3FB6] =	sst s0;
	s0 =	simm.s32 @!p2 $0x0  }
0x16: {  	s3 =	sld [smem:$0x3FDB];
	s0 =	simm.s32 @p2 $0x1  }
0x17: {  	s4 =	simm.s32 $0x1BF5;
	[smem:$0x3FB8] =	sst s0  }
0x18: {  	s0 =	sld [smem:$0x3F9B];
	_ =	swait.ge [sflag:s4], $0x0  }
0x19: {  	s7 =	sld [smem:$0x3F9C]  }
0x1a: {  	s8 =	sadd.s32 $0xFFFFE003, lr  }
0x1b: {  	s9 =	sadd.s32 $0xFFFFFEF7, lr;
	s5 =	simm.s32 $0xFFFFFFFF;
	p2 =	slt.u32 s8, $0xFFFFF086  }
0x1c: {  	p1 =	slt.u32 s9, $0xF7A;
	s5 =	simm.s32 @!p2 $0x0  }
0x1d: {  	s5 =	simm.s32 @p1 $0x1;
	p0 =	seq.s32 s7, s2  }
0x1e: {  	s7 =	smul.u32 @!p0 $0xF7A, s2;
	p2 =	seq.s32 @!p0 s5, $0x0  }
0x1f: {  	s9 =	smul.u32 $0xF7A, s1;
	s8 =	simm.s32 @!p0 $0x1BF5;
	p2 =	por !p2, p0  }
0x20: {  	[sflag:s8] =	ssyncset.s32 @!p0 $0xFFFFF086;
	s6 =	sadd.s32 @!p0 s3, s7;
	s7 =	simm.s32 @!p0 $0x108  }
0x21: {  	s3 =	sadd.s32 s3, s9;
	s6 =	sadd.s32 @!p0 $0x88, s6;
	s7 =	simm.s32 @p2 $0x1082  }
0x22: {  	[simem:s7], [sflag:s8] =	dma.local @!p0 [hbm:s6], $0xF7A  }
0x23: {  	s9 =	sor.u32 $0xD0000000, s2;
	s6 =	simm.s32 $0x108;
	_ =	swait.ge @!p0 [sflag:s8], $0x0  }
0x24: {  	s3 =	sadd.s32 $0x88, s3;
	s6 =	simm.s32 @!p1 $0x1082;
	[sflag:s4] =	ssyncset.s32 $0xFFFFF086  }
0x25: {  	[simem:s6], [sflag:s4] =	dma.local [hbm:s3], $0xF7A  }
0x26: {  	[smem:$0x3F9C] =	sst s1;
	(tag) =	ssettag s2;
	_ =	strace s9  }
0x27: {  	s1 =	sld [smem:$0x3FAC]  }
0x28: {  	s2 =	sld [smem:$0x3FAD]  }
0x29: {  	s4 =	sld [smem:$0x3FAF]  }
0x2a: {  	p0 =	seq.s32 s5, $0x0;
	s5 =	sld [smem:$0x3FB0]  }
0x2b: {  	s6 =	sld [smem:$0x3FB1]  }
0x2c: {  	s7 =	sld [smem:$0x3FB2]  }
0x2d: {  	s3 =	simm.s32 $0x108;
	s8 =	sld [smem:$0x3FB3]  }
0x2e: {  	s3 =	simm.s32 @!p0 $0x1082;
	s9 =	sld [smem:$0x3FB4]  }
0x2f: {  	lr =	sadd.s32 s0, s3;
	s0 =	sld [smem:$0x3FAB]  }
0x30: {  	s3 =	sld [smem:$0x3FAE]  }
0x31: {  	[smem:$0x3FB7] =	sst s10  }
0x32: {  	s10 =	sld [smem:$0x3FB5];
	_ =	sdelay $0x3  }
0x33: {  	p0 =	seq.s32 s10, $0x1;
	s10 =	sld [smem:$0x3FB7];
	_ =	sdelay $0x3  }
0x34: {  	[smem:$0x3FB7] =	sst s10  }
0x35: {  	s10 =	sld [smem:$0x3FB6];
	_ =	sdelay $0x3  }
0x36: {  	p1 =	seq.s32 s10, $0x1;
	s10 =	sld [smem:$0x3FB7];
	_ =	sdelay $0x3  }
0x37: {  	[smem:$0x3FB7] =	sst s10  }
0x38: {  	s10 =	sld [smem:$0x3FB8]  }
0x39: {  	_ = 	snop;
	(pc) =	sbr.ind lr, $3  }
0x3a: {  	_ = 	snop  }
0x3b: {  	_ = 	snop  }
0x3c: {  	p2 =	seq.s32 s10, $0x1;
	s10 =	sld [smem:$0x3FB7]  }
0x3d: {  	_ =	shalt  }
0x3e: {  	_ =	shalt  }
0x3f: {  	_ =	shalt  }
0x40: {  	_ =	shalt  }
0x41: {  	_ =	shalt  }
0x42: {  	_ =	shalt  }
0x43: {  	_ =	shalt  }
0x44: {  	_ =	shalt  }
0x45: {  	_ =	shalt  }
0x46: {  	_ =	shalt  }
0x47: {  	_ =	shalt  }
0x48: {  	_ =	shalt  }
0x49: {  	_ =	shalt  }
0x4a: {  	_ =	shalt  }
0x4b: {  	_ =	shalt  }
0x4c: {  	_ =	shalt  }
0x4d: {  	_ =	shalt  }
0x4e: {  	_ =	shalt  }
0x4f: {  	_ =	shalt  }
0x50: {  	_ =	shalt  }
0x51: {  	_ =	shalt  }
0x52: {  	_ =	shalt  }
0x53: {  	_ =	shalt  }
0x54: {  	_ =	shalt  }
0x55: {  	_ =	shalt  }
0x56: {  	_ =	shalt  }
0x57: {  	_ =	shalt  }
0x58: {  	_ =	shalt  }
0x59: {  	_ =	shalt  }
0x5a: {  	_ =	shalt  }
0x5b: {  	_ =	shalt  }
0x5c: {  	_ =	shalt  }
0x5d: {  	_ =	shalt  }
0x5e: {  	_ =	shalt  }
0x5f: {  	_ =	shalt  }
0x60: {  	_ =	shalt  }
0x61: {  	_ =	shalt  }
0x62: {  	_ =	shalt  }
0x63: {  	_ =	shalt  }
0x64: {  	_ =	shalt  }
0x65: {  	_ =	shalt  }
0x66: {  	_ =	shalt  }
0x67: {  	_ =	shalt  }
0x68: {  	_ =	shalt  }
0x69: {  	_ =	shalt  }
0x6a: {  	_ =	shalt  }
0x6b: {  	_ =	shalt  }
0x6c: {  	_ =	shalt  }
0x6d: {  	_ =	shalt  }
0x6e: {  	_ =	shalt  }
0x6f: {  	_ =	shalt  }
0x70: {  	_ =	shalt  }
0x71: {  	_ =	shalt  }
0x72: {  	_ =	shalt  }
0x73: {  	_ =	shalt  }
0x74: {  	_ =	shalt  }
0x75: {  	_ =	shalt  }
0x76: {  	_ =	shalt  }
0x77: {  	_ =	shalt  }
0x78: {  	_ =	shalt  }
0x79: {  	_ =	shalt  }
0x7a: {  	_ =	shalt  }
0x7b: {  	_ =	shalt  }
0x7c: {  	_ =	shalt  }
0x7d: {  	_ =	shalt  }
0x7e: {  	_ =	shalt  }
0x7f: {  	_ =	shalt  }
0x80: {  	_ =	shalt  }
0x81: {  	_ =	shalt  }
0x82: {  	_ =	shalt  }
0x83: {  	_ =	shalt  }
0x84: {  	_ =	shalt  }
0x85: {  	_ =	shalt  }
0x86: {  	_ =	shalt  }
0x87: {  	_ =	shalt  }
.Lfunc_end0:
.L_simem_size_0:
called_computation_lowered:
.L_overlay_start_0:
0x88: {  	s2 =	sld [smem:$0x3FD9]  }
0x89: {  	s3 =	sld [smem:$0x3FFE];
	_ =	sdelay $0x1  }
0x8a: {  	s1 =	srdreg.scid  }
0x8b: {  	s0 =	sand.u32 $0x1, s1  }
0x8c: {  	s17 =	sshll.u32 s0, $0xA;
	s2 =	sadd.s32 s3, s2  }
0x8d: {  	s2 =	sadd.s32 s2, s17  }
0x8e: {  	[smem:$0x3FC3] =	sst s2  }
0x8f: {  	_ = 	snop  }
0x90: {  	s2 =	sld [smem:$0x3FD0];
	(tm) =	ssettm $0x1  }
0x91: {  	s18 =	sld [smem:$0x3FFB];
	_ =	sdelay $0x3  }
0x92: {  	_ =	strace s18  }
0x93: {  	s3 =	sld [smem:$0x3FFC];
	_ =	sdelay $0x3  }
0x94: {  	_ =	strace s3  }
0x95: {  	s3 =	sld [smem:$0x3FFD];
	_ =	sdelay $0x3  }
0x96: {  	_ =	strace s3  }
0x97: {  	_ =	strace $0x8FFFFFFF  }
0x98: {  	s19 =	sld [smem:$0x3FDB];
	_ =	sdelay $0x1  }
0x99: {  	s4 =	simm.s32 $_scs_section_size  }
0x9a: {  	s5 =	simm.s32 $_size__tile_overlayer_lowered;
	s6 =	simm.s32 $_tile_overlayer_lowered  }
0x9b: {  	s22 =	simm.s32 $0x1BFF;
	s21 =	sshll.u32 s6, $0x1;
	s3 =	sadd.s32 s4, s19  }
0x9c: {  	s7 =	simm.s32 $0x0;
	s20 =	sshll.u32 s5, $0x1;
	s5 =	sadd.s32 s21, s3  }
0x9d: {  	[timem:s7], [sflag:s22] =	dma.local [hbm:s5], s20  }
0x9e: {  	_ =	swait.ge [sflag:s22], s20  }
0x9f: {  	s4 =	ssub.s32 $0x0, s20;
	[sflag:s22] =	ssyncset.done $0x0  }
0xa0: {  	[sflag:s22] =	ssyncadd.s32 s4;
	_ =	sdelay $0x1  }
0xa1: {  	s23 =	simm.s32 $0x1B8B  }
0xa2: {  	_ =	swait.ge [sflag:s23], $0x1  }
0xa3: {  	[sflag:s23] =	ssyncset.done $0x0  }
0xa4: {  	s25 =	simm.s32 $0x1B8E;
	s24 =	sld [smem:$0x3FFE];
	[sflag:s23] =	ssyncadd.s32 $0xFFFFFFFF  }
0xa5: {  	s26 =	simm.s32 $execute0_lowered;
	[smem:$0x3FD2] =	sst s25  }
0xa6: {  	s5 =	sshll.u32 s26, $0x1;
	_ =	strace $0x80000046;
	[dreg:$0x1] =	wrdreg $0xFFFFFFFF  }
0xa7: {  	s28 =	simm.s32 $_size_execute0_lowered;
	s3 =	sadd.s32 s3, s5;
	[dreg:$0x0] =	wrdreg $0x0  }
0xa8: {  	s5 =	sshll.u32 s28, $0x1;
	[dreg:$0x2] =	wrdreg s3  }
0xa9: {  	[dreg:$0x3] =	wrdreg s5  }
0xaa: {  	[dreg:$0x4] =	wrdreg $0xC0  }
0xab: {  	_ =	task [dreg:s7], $0x5FFFF  }
0xac: {  	[dreg:$0x1] =	wrdreg $0xFFFFFFFF  }
0xad: {  	[dreg:$0x0] =	wrdreg $0x60  }
0xae: {  	[dreg:$0x2] =	wrdreg s24  }
0xaf: {  	[dreg:$0x3] =	wrdreg s2  }
0xb0: {  	[dreg:$0x4] =	wrdreg $0x9  }
0xb1: {  	_ =	task.clear_ibuf [dreg:s7], $0x5FFFF;
	_ =	strace $0x90000046  }
0xb2: {  	s29 =	simm.s32 $0x9;
	_ =	strace $0x80000048  }
0xb3: {  	_ =	swait.ge [sflag:s29], $0x1  }
0xb4: {  	[sflag:s29] =	ssyncadd.s32 $0xFFFFFFFF  }
0xb5: {  	_ =	strace $0x90000048  }
0xb6: {  	_ =	sfence  }
0xb7: {  	s30 =	sld [smem:$0x0];
	_ =	sdelay $0x2  }
0xb8: {  	s31 =	sshll.u32 s1, $0xD;
	s1 =	sshrl.u32 s1, $0x2  }
0xb9: {  	s3 =	sand.u32 $0x4000, s31;
	s1 =	sadd.s32 s1, s30  }
0xba: {  	s0 =	sor.u32 s3, s0;
	s1 =	sshll.u32 s1, $0x11  }
0xbb: {  	s0 =	sor.u32 s1, s0  }
0xbc: {  	s0 =	sadd.s32 $0x8F2B, s0  }
0xbd: {  	[sflag:s0] =	ssyncadd.remote.s32 $0x1  }
0xbe: {  	_ =	sfence.sel $0xFFFF  }
0xbf: {  	[dreg:$0x0] =	wrdreg $0xFFFFFFFF;
	(pc) =	sbr.abs _section_cstart, $3  }
0xc0: {  	[dreg:$0x1] =	wrdreg $0xFFFFFFFF  }
0xc1: {  	_ =	task.clear_ibuf [dreg:s7], $0x2FFFF;
	_ =	strace $0x9FFFFFFF  }
0xc2: {  	(tm) =	ssettm $0x7FFFFFFF  }
0xc3: {  	_ =	shalt  }
tec
execute0_lowered:
.L_overlay_start_1:
0x0: {  	(tag) =	ssettag $0x1  }
0x1: {  	s0 =	srdreg.scid  }
0x2: {  	s2 =	stileid.u32;
	s1 =	sand.u32 $0x1, s0  }
0x3: {  	s4 =	rddreg [dreg:$0x1];
	s2 =	sshll.u32 s2, $0xA;
	s3 =	sshll.u32 s1, $0x9  }
0x4: {  	s0 =	rddreg [dreg:$0x0];
	s3 =	sor.u32 s3, s2  }
0x5: {  	s2 =	simm.s32 $0x0;
	s5 =	sshrl.u32 s3, $0x3;
	s3 =	sshll.u32 s3, $0x7  }
0x6: {  	[smem:$0x7FF] =	sst s2;
	s5 =	sadd.s32 s5, s0;
	s8 =	sadd.s32 s4, s3  }
0x7: {  	_ =	strace $0x80000047;
	s5 =	sadd.s32 $0x49200, s5;
	[smem:$0x7FC] =	sst s8  }
0x8: {  	s3 =	sadd.s32 $0x800, s8;
	[dreg:$0x3] =	wrdreg s5  }
0x9: {  	s22 =	sadd.s32 $0x1000, s8;
	[dreg:$0x4] =	wrdreg s3  }
0xa: {  	s23 =	sadd.s32 $0x1800, s8;
	[dreg:$0x5] =	wrdreg s22  }
0xb: {  	s24 =	sadd.s32 $0x2000, s8;
	[dreg:$0x6] =	wrdreg s23  }
0xc: {  	s25 =	sadd.s32 $0x2800, s8;
	[dreg:$0x7] =	wrdreg s24  }
0xd: {  	s26 =	sadd.s32 $0x3000, s8;
	[dreg:$0x8] =	wrdreg s25  }
0xe: {  	s28 =	sadd.s32 $0x3800, s8;
	[dreg:$0x9] =	wrdreg s26  }
0xf: {  	s31 =	sadd.s32 $0x4000, s8;
	[dreg:$0xa] =	wrdreg s28  }
0x10: {  	s4 =	sadd.s32 $0x4800, s8;
	[dreg:$0xb] =	wrdreg s31  }
0x11: {  	s6 =	sadd.s32 $0x5800, s8;
	[dreg:$0xc] =	wrdreg s4  }
0x12: {  	s7 =	sadd.s32 $0x6000, s8;
	[dreg:$0xe] =	wrdreg s6  }
0x13: {  	s9 =	sadd.s32 $0x6800, s8;
	[dreg:$0xf] =	wrdreg s7  }
0x14: {  	s10 =	sadd.s32 $0x7000, s8;
	[dreg:$0x10] =	wrdreg s9  }
0x15: {  	s11 =	sadd.s32 $0x7800, s8;
	[dreg:$0x11] =	wrdreg s10  }
0x16: {  	s12 =	sadd.s32 $0x8000, s8;
	[dreg:$0x12] =	wrdreg s11  }
0x17: {  	s13 =	sadd.s32 $0x8800, s8;
	[dreg:$0x13] =	wrdreg s12  }
0x18: {  	s14 =	sadd.s32 $0x9000, s8;
	[dreg:$0x14] =	wrdreg s13  }
0x19: {  	s15 =	sadd.s32 $0x9800, s8;
	[dreg:$0x15] =	wrdreg s14  }
0x1a: {  	s16 =	sadd.s32 $0xA000, s8;
	[dreg:$0x16] =	wrdreg s15  }
0x1b: {  	s30 =	simm.s32 $0x1;
	s17 =	sadd.s32 $0xA800, s8;
	[dreg:$0x17] =	wrdreg s16  }
0x1c: {  	s29 =	simm.s32 $0x2;
	s18 =	sadd.s32 $0xB000, s8;
	[dreg:$0x18] =	wrdreg s17  }
0x1d: {  	s1 =	ssub.s32 $0x2, s1;
	s19 =	sadd.s32 $0xB800, s8;
	[dreg:$0x19] =	wrdreg s18  }
0x1e: {  	s20 =	sadd.s32 $0xC000, s8;
	s21 =	sadd.s32 $0xC800, s8;
	[dreg:$0x1a] =	wrdreg s19  }
0x1f: {  	s5 =	sadd.s32 $0x5000, s8;
	s4 =	sadd.s32 $0x1200, s0;
	[dreg:$0x1b] =	wrdreg s20  }
0x20: {  	[dreg:$0x1c] =	wrdreg s21;
	s22 =	sadd.s32 $0xD000, s8;
	s23 =	sshrl.u32 s1, $0x1  }
0x21: {  	s24 =	sadd.s32 $0xD800, s8;
	s25 =	sadd.s32 $0xE000, s8;
	s26 =	sadd.s32 $0xE800, s8  }
0x22: {  	s6 =	sadd.s32 $0x1400, s0;
	s28 =	sadd.s32 $0xF000, s8;
	[dreg:$0xd] =	wrdreg s5  }
0x23: {  	s7 =	sadd.s32 $0x1500, s0;
	s31 =	sadd.s32 $0xF800, s8;
	[dreg:$0x1d] =	wrdreg s22  }
0x24: {  	s9 =	simm.s32 $0x8;
	s11 =	simm.s32 $0x4;
	[dreg:$0x1e] =	wrdreg s24  }
0x25: {  	s12 =	simm.s32 $0x9;
	s13 =	simm.s32 $0x5;
	[dreg:$0x1f] =	wrdreg s25  }
0x26: {  	s14 =	simm.s32 $0xA;
	s15 =	simm.s32 $0x6;
	[smem:$0x7FA] =	sst s26  }
0x27: {  	v2 =	vlaneseq.u32;
	s16 =	simm.s32 $0xB;
	s17 =	simm.s32 $0xC;
	[smem:$0x7FB] =	sst s28  }
0x28: {  	vm0 =	vmmov $0xffff;
	v1 =	vshrl.u32 v2, $0x3;
	s1 =	ssub.s32 s1, s23;
	s5 =	sadd.s32 $0x1300, s0;
	[smem:$0x7FD] =	sst s31  }
0x29: {  	v0 =	vand.u32 $0x7, v2;
	v2 =	vor.u32 $0x8, v2;
	v1 =	vmul.u32 $0x8, v1;
	s23 =	simm.s32 $0x3;
	s3 =	smax.u32 s1, $0x1;
	s1 =	simm.s32 $0x7  }
.LBB2_1:
0x2a: {  	[smem:$0x7F9] =	sst s3  }
0x2b: {  	s19 =	rddreg [dreg:$0x3];
	s25 =	simm.s32 $0xD  }
0x2c: {  	[tilespmem:s2], [sflag:$0xD] =	stream.linear.gather [hbm4b:s19+s2], $0x200, $0x38;
	[tilespmem:$0x18200] =	vst v63  }
0x2d: {  	_ =	swait.ge [sflag:s25], $0x200  }
0x2e: {  	[sflag:s25] =	ssyncset.done $0x0  }
0x2f: {  	[sflag:s25] =	ssyncadd.s32 $0xFFFFFE00  }
0x30: {  	v3 =	vld [tilespmem:$0x0];
	_ =	sdelay $0x4  }
0x31: {  	v4 =	vshll.u32 v3, $0x3  }
0x32: {  	v3 =	vand.u32 $0x7, v3;
	v4 =	vand.u32 $0xFFFFFFC0, v4  }
0x33: {  	v3 =	vor.u32 v3, v4  }
0x34: {  	v4 =	vperm.xlane v3, v0;
	_ =	sdelay $0x1  }
0x35: {  	v4 =	vadd.s32 v1, v4;
	_ =	sdelay $0x3  }
0x36: {  	s26 =	simm.s32 $0x200  }
0x37: {  	[tilespmem:s26], [sflag:$0x1] =	stream.indirect_vreg.gather [hbm4b:s4+s2], $0x80, v4, vm0, $0xb8;
	[tilespmem:$0x18200] =	vst v63  }
0x38: {  	s28 =	simm.s32 $0xA00;
	v3 =	vperm.xlane v3, v2  }
0x39: {  	[tilespmem:s28], [sflag:$0x1] =	stream.indirect_vreg.gather [hbm4b:s5+s2], $0x80, v4, vm0, $0xb8;
	[tilespmem:$0x18200] =	vst v63  }
0x3a: {  	s31 =	simm.s32 $0x1200;
	v3 =	vadd.s32 v1, v3  }
0x3b: {  	[tilespmem:s31], [sflag:$0x1] =	stream.indirect_vreg.gather [hbm4b:s6+s2], $0x80, v4, vm0, $0xb8;
	[tilespmem:$0x18200] =	vst v63  }
0x3c: {  	s0 =	simm.s32 $0x1A00  }
0x3d: {  	[tilespmem:s0], [sflag:$0x1] =	stream.indirect_vreg.gather [hbm4b:s7+s2], $0x80, v4, vm0, $0xb8;
	[tilespmem:$0x18200] =	vst v63  }
0x3e: {  	s8 =	simm.s32 $0x2200  }
0x3f: {  	[tilespmem:s8], [sflag:$0x1] =	stream.indirect_vreg.gather [hbm4b:s4+s2], $0x80, v3, vm0, $0xb8;
	[tilespmem:$0x18200] =	vst v63  }
0x40: {  	s10 =	simm.s32 $0x2A00  }
0x41: {  	[tilespmem:s10], [sflag:$0x1] =	stream.indirect_vreg.gather [hbm4b:s5+s2], $0x80, v3, vm0, $0xb8;
	[tilespmem:$0x18200] =	vst v63  }
0x42: {  	s18 =	simm.s32 $0x3200  }
0x43: {  	[tilespmem:s18], [sflag:$0x1] =	stream.indirect_vreg.gather [hbm4b:s6+s2], $0x80, v3, vm0, $0xb8;
	[tilespmem:$0x18200] =	vst v63  }
0x44: {  	s19 =	simm.s32 $0x3A00  }
0x45: {  	[tilespmem:s19], [sflag:$0x1] =	stream.indirect_vreg.gather [hbm4b:s7+s2], $0x80, v3, vm0, $0xb8;
	[tilespmem:$0x18200] =	vst v63  }
0x46: {  	v3 =	vld [tilespmem:$0x10];
	_ =	sdelay $0x4  }
0x47: {  	v33 =	vshll.u32 v3, $0x3  }
0x48: {  	v3 =	vand.u32 $0x7, v3;
	v4 =	vand.u32 $0xFFFFFFC0, v33  }
0x49: {  	v3 =	vor.u32 v3, v4  }
0x4a: {  	v4 =	vperm.xlane v3, v0;
	_ =	sdelay $0x1  }
0x4b: {  	v4 =	vadd.s32 v1, v4;
	_ =	sdelay $0x3  }
0x4c: {  	s0 =	simm.s32 $0x4200  }
0x4d: {  	[tilespmem:s0], [sflag:$0x2] =	stream.indirect_vreg.gather [hbm4b:s4+s2], $0x80, v4, vm0, $0xb8;
	[tilespmem:$0x18200] =	vst v63  }
0x4e: {  	s20 =	simm.s32 $0x4A00;
	v3 =	vperm.xlane v3, v2  }
0x4f: {  	[tilespmem:s20], [sflag:$0x2] =	stream.indirect_vreg.gather [hbm4b:s5+s2], $0x80, v4, vm0, $0xb8;
	[tilespmem:$0x18200] =	vst v63  }
0x50: {  	s28 =	simm.s32 $0x5200;
	v3 =	vadd.s32 v1, v3  }
0x51: {  	[tilespmem:s28], [sflag:$0x2] =	stream.indirect_vreg.gather [hbm4b:s6+s2], $0x80, v4, vm0, $0xb8;
	[tilespmem:$0x18200] =	vst v63  }
0x52: {  	s31 =	simm.s32 $0x5A00  }
0x53: {  	[tilespmem:s31], [sflag:$0x2] =	stream.indirect_vreg.gather [hbm4b:s7+s2], $0x80, v4, vm0, $0xb8;
	[tilespmem:$0x18200] =	vst v63  }
0x54: {  	s0 =	simm.s32 $0x6200  }
0x55: {  	[tilespmem:s0], [sflag:$0x2] =	stream.indirect_vreg.gather [hbm4b:s4+s2], $0x80, v3, vm0, $0xb8;
	[tilespmem:$0x18200] =	vst v63  }
0x56: {  	s3 =	simm.s32 $0x6A00  }
0x57: {  	[tilespmem:s3], [sflag:$0x2] =	stream.indirect_vreg.gather [hbm4b:s5+s2], $0x80, v3, vm0, $0xb8;
	[tilespmem:$0x18200] =	vst v63  }
0x58: {  	s10 =	simm.s32 $0x7200  }
0x59: {  	[tilespmem:s10], [sflag:$0x2] =	stream.indirect_vreg.gather [hbm4b:s6+s2], $0x80, v3, vm0, $0xb8;
	[tilespmem:$0x18200] =	vst v63  }
0x5a: {  	s18 =	simm.s32 $0x7A00  }
0x5b: {  	[tilespmem:s18], [sflag:$0x2] =	stream.indirect_vreg.gather [hbm4b:s7+s2], $0x80, v3, vm0, $0xb8;
	[tilespmem:$0x18200] =	vst v63  }
0x5c: {  	v3 =	vld [tilespmem:$0x20];
	_ =	sdelay $0x4  }
0x5d: {  	v34 =	vshll.u32 v3, $0x3  }
0x5e: {  	v3 =	vand.u32 $0x7, v3;
	v4 =	vand.u32 $0xFFFFFFC0, v34  }
0x5f: {  	v3 =	vor.u32 v3, v4  }
0x60: {  	v4 =	vperm.xlane v3, v0;
	_ =	sdelay $0x1  }
0x61: {  	v4 =	vadd.s32 v1, v4;
	_ =	sdelay $0x3  }
0x62: {  	s10 =	simm.s32 $0x8200  }
0x63: {  	[tilespmem:s10], [sflag:$0x3] =	stream.indirect_vreg.gather [hbm4b:s4+s2], $0x80, v4, vm0, $0xb8;
	[tilespmem:$0x18200] =	vst v63  }
0x64: {  	s20 =	simm.s32 $0x8A00;
	v3 =	vperm.xlane v3, v2  }
0x65: {  	[tilespmem:s20], [sflag:$0x3] =	stream.indirect_vreg.gather [hbm4b:s5+s2], $0x80, v4, vm0, $0xb8;
	[tilespmem:$0x18200] =	vst v63  }
0x66: {  	s28 =	simm.s32 $0x9200;
	v3 =	vadd.s32 v1, v3  }
0x67: {  	[tilespmem:s28], [sflag:$0x3] =	stream.indirect_vreg.gather [hbm4b:s6+s2], $0x80, v4, vm0, $0xb8;
	[tilespmem:$0x18200] =	vst v63  }
0x68: {  	s31 =	simm.s32 $0x9A00  }
0x69: {  	[tilespmem:s31], [sflag:$0x3] =	stream.indirect_vreg.gather [hbm4b:s7+s2], $0x80, v4, vm0, $0xb8;
	[tilespmem:$0x18200] =	vst v63  }
0x6a: {  	s3 =	simm.s32 $0xA200  }
0x6b: {  	[tilespmem:s3], [sflag:$0x3] =	stream.indirect_vreg.gather [hbm4b:s4+s2], $0x80, v3, vm0, $0xb8;
	[tilespmem:$0x18200] =	vst v63  }
0x6c: {  	s10 =	simm.s32 $0xAA00  }
0x6d: {  	[tilespmem:s10], [sflag:$0x3] =	stream.indirect_vreg.gather [hbm4b:s5+s2], $0x80, v3, vm0, $0xb8;
	[tilespmem:$0x18200] =	vst v63  }
0x6e: {  	s19 =	simm.s32 $0xB200  }
0x6f: {  	[tilespmem:s19], [sflag:$0x3] =	stream.indirect_vreg.gather [hbm4b:s6+s2], $0x80, v3, vm0, $0xb8;
	[tilespmem:$0x18200] =	vst v63  }
0x70: {  	s20 =	simm.s32 $0xBA00  }
0x71: {  	[tilespmem:s20], [sflag:$0x3] =	stream.indirect_vreg.gather [hbm4b:s7+s2], $0x80, v3, vm0, $0xb8;
	[tilespmem:$0x18200] =	vst v63  }
0x72: {  	v3 =	vld [tilespmem:$0x30];
	_ =	sdelay $0x4  }
0x73: {  	v35 =	vshll.u32 v3, $0x3  }
0x74: {  	v3 =	vand.u32 $0x7, v3;
	v4 =	vand.u32 $0xFFFFFFC0, v35  }
0x75: {  	v3 =	vor.u32 v3, v4  }
0x76: {  	v4 =	vperm.xlane v3, v0;
	_ =	sdelay $0x1  }
0x77: {  	v4 =	vadd.s32 v1, v4;
	_ =	sdelay $0x3  }
0x78: {  	s3 =	simm.s32 $0xC200  }
0x79: {  	[tilespmem:s3], [sflag:$0x4] =	stream.indirect_vreg.gather [hbm4b:s4+s2], $0x80, v4, vm0, $0xb8;
	[tilespmem:$0x18200] =	vst v63  }
0x7a: {  	s19 =	simm.s32 $0xCA00;
	v3 =	vperm.xlane v3, v2  }
0x7b: {  	[tilespmem:s19], [sflag:$0x4] =	stream.indirect_vreg.gather [hbm4b:s5+s2], $0x80, v4, vm0, $0xb8;
	[tilespmem:$0x18200] =	vst v63  }
0x7c: {  	s0 =	simm.s32 $0xD200;
	v3 =	vadd.s32 v1, v3  }
0x7d: {  	[tilespmem:s0], [sflag:$0x4] =	stream.indirect_vreg.gather [hbm4b:s6+s2], $0x80, v4, vm0, $0xb8;
	[tilespmem:$0x18200] =	vst v63  }
0x7e: {  	s3 =	simm.s32 $0xDA00  }
0x7f: {  	[tilespmem:s3], [sflag:$0x4] =	stream.indirect_vreg.gather [hbm4b:s7+s2], $0x80, v4, vm0, $0xb8;
	[tilespmem:$0x18200] =	vst v63  }
0x80: {  	s19 =	simm.s32 $0xE200  }
0x81: {  	[tilespmem:s19], [sflag:$0x4] =	stream.indirect_vreg.gather [hbm4b:s4+s2], $0x80, v3, vm0, $0xb8;
	[tilespmem:$0x18200] =	vst v63  }
0x82: {  	s0 =	simm.s32 $0xEA00  }
0x83: {  	[tilespmem:s0], [sflag:$0x4] =	stream.indirect_vreg.gather [hbm4b:s5+s2], $0x80, v3, vm0, $0xb8;
	[tilespmem:$0x18200] =	vst v63  }
0x84: {  	s3 =	simm.s32 $0xF200  }
0x85: {  	[tilespmem:s3], [sflag:$0x4] =	stream.indirect_vreg.gather [hbm4b:s6+s2], $0x80, v3, vm0, $0xb8;
	[tilespmem:$0x18200] =	vst v63  }
0x86: {  	s19 =	simm.s32 $0xFA00  }
0x87: {  	[tilespmem:s19], [sflag:$0x4] =	stream.indirect_vreg.gather [hbm4b:s7+s2], $0x80, v3, vm0, $0xb8;
	[tilespmem:$0x18200] =	vst v63  }
0x88: {  	v3 =	vld [tilespmem:$0x40];
	_ =	sdelay $0x4  }
0x89: {  	v36 =	vshll.u32 v3, $0x3  }
0x8a: {  	v3 =	vand.u32 $0x7, v3;
	v4 =	vand.u32 $0xFFFFFFC0, v36  }
0x8b: {  	v3 =	vor.u32 v3, v4  }
0x8c: {  	v4 =	vperm.xlane v3, v0;
	_ =	sdelay $0x1  }
0x8d: {  	v4 =	vadd.s32 v1, v4;
	_ =	sdelay $0x3  }
0x8e: {  	s0 =	simm.s32 $0x10200  }
0x8f: {  	[tilespmem:s0], [sflag:$0x5] =	stream.indirect_vreg.gather [hbm4b:s4+s2], $0x80, v4, vm0, $0xb8;
	[tilespmem:$0x18200] =	vst v63  }
0x90: {  	s3 =	simm.s32 $0x10A00;
	v3 =	vperm.xlane v3, v2  }
0x91: {  	[tilespmem:s3], [sflag:$0x5] =	stream.indirect_vreg.gather [hbm4b:s5+s2], $0x80, v4, vm0, $0xb8;
	[tilespmem:$0x18200] =	vst v63  }
0x92: {  	s19 =	simm.s32 $0x11200;
	v3 =	vadd.s32 v1, v3  }
0x93: {  	[tilespmem:s19], [sflag:$0x5] =	stream.indirect_vreg.gather [hbm4b:s6+s2], $0x80, v4, vm0, $0xb8;
	[tilespmem:$0x18200] =	vst v63  }
0x94: {  	s0 =	simm.s32 $0x11A00  }
0x95: {  	[tilespmem:s0], [sflag:$0x5] =	stream.indirect_vreg.gather [hbm4b:s7+s2], $0x80, v4, vm0, $0xb8;
	[tilespmem:$0x18200] =	vst v63  }
0x96: {  	s3 =	simm.s32 $0x12200  }
0x97: {  	[tilespmem:s3], [sflag:$0x5] =	stream.indirect_vreg.gather [hbm4b:s4+s2], $0x80, v3, vm0, $0xb8;
	[tilespmem:$0x18200] =	vst v63  }
0x98: {  	s19 =	simm.s32 $0x12A00  }
0x99: {  	[tilespmem:s19], [sflag:$0x5] =	stream.indirect_vreg.gather [hbm4b:s5+s2], $0x80, v3, vm0, $0xb8;
	[tilespmem:$0x18200] =	vst v63  }
0x9a: {  	s0 =	simm.s32 $0x13200  }
0x9b: {  	[tilespmem:s0], [sflag:$0x5] =	stream.indirect_vreg.gather [hbm4b:s6+s2], $0x80, v3, vm0, $0xb8;
	[tilespmem:$0x18200] =	vst v63  }
0x9c: {  	s3 =	simm.s32 $0x13A00  }
0x9d: {  	[tilespmem:s3], [sflag:$0x5] =	stream.indirect_vreg.gather [hbm4b:s7+s2], $0x80, v3, vm0, $0xb8;
	[tilespmem:$0x18200] =	vst v63  }
0x9e: {  	_ =	swait.ge [sflag:s30], $0x4000  }
0x9f: {  	s10 =	sld [smem:$0x7FC]  }
0xa0: {  	[sflag:s30] =	ssyncset.done $0x0  }
0xa1: {  	s3 =	simm.s32 $0x200;
	[sflag:s30] =	ssyncadd.s32 $0xFFFFC000  }
0xa2: {  	[hbm4b:s10+s2] =	stream.linear.scatter [tilespmem:s3], [sflag:$0x7], $0x4000, $0x38;
	[tilespmem:$0x18200] =	vst v63  }
0xa3: {  	v3 =	vld [tilespmem:$0x50];
	_ =	sdelay $0x4  }
0xa4: {  	v37 =	vshll.u32 v3, $0x3  }
0xa5: {  	v3 =	vand.u32 $0x7, v3;
	v4 =	vand.u32 $0xFFFFFFC0, v37  }
0xa6: {  	v3 =	vor.u32 v3, v4  }
0xa7: {  	v4 =	vperm.xlane v3, v0;
	_ =	sdelay $0x1  }
0xa8: {  	v4 =	vadd.s32 v1, v4;
	_ =	sdelay $0x3  }
0xa9: {  	s19 =	simm.s32 $0x14200  }
0xaa: {  	[tilespmem:s19], [sflag:$0x6] =	stream.indirect_vreg.gather [hbm4b:s4+s2], $0x80, v4, vm0, $0xb8;
	[tilespmem:$0x18200] =	vst v63  }
0xab: {  	s0 =	simm.s32 $0x14A00;
	v3 =	vperm.xlane v3, v2  }
0xac: {  	[tilespmem:s0], [sflag:$0x6] =	stream.indirect_vreg.gather [hbm4b:s5+s2], $0x80, v4, vm0, $0xb8;
	[tilespmem:$0x18200] =	vst v63  }
0xad: {  	s10 =	simm.s32 $0x15200;
	v3 =	vadd.s32 v1, v3  }
0xae: {  	[tilespmem:s10], [sflag:$0x6] =	stream.indirect_vreg.gather [hbm4b:s6+s2], $0x80, v4, vm0, $0xb8;
	[tilespmem:$0x18200] =	vst v63  }
0xaf: {  	s0 =	simm.s32 $0x15A00  }
0xb0: {  	[tilespmem:s0], [sflag:$0x6] =	stream.indirect_vreg.gather [hbm4b:s7+s2], $0x80, v4, vm0, $0xb8;
	[tilespmem:$0x18200] =	vst v63  }
0xb1: {  	s0 =	simm.s32 $0x16200  }
0xb2: {  	[tilespmem:s0], [sflag:$0x6] =	stream.indirect_vreg.gather [hbm4b:s4+s2], $0x80, v3, vm0, $0xb8;
	[tilespmem:$0x18200] =	vst v63  }
0xb3: {  	s0 =	simm.s32 $0x16A00  }
0xb4: {  	[tilespmem:s0], [sflag:$0x6] =	stream.indirect_vreg.gather [hbm4b:s5+s2], $0x80, v3, vm0, $0xb8;
	[tilespmem:$0x18200] =	vst v63  }
0xb5: {  	s0 =	simm.s32 $0x17200  }
0xb6: {  	[tilespmem:s0], [sflag:$0x6] =	stream.indirect_vreg.gather [hbm4b:s6+s2], $0x80, v3, vm0, $0xb8;
	[tilespmem:$0x18200] =	vst v63  }
0xb7: {  	s0 =	simm.s32 $0x17A00  }
0xb8: {  	[tilespmem:s0], [sflag:$0x6] =	stream.indirect_vreg.gather [hbm4b:s7+s2], $0x80, v3, vm0, $0xb8;
	[tilespmem:$0x18200] =	vst v63  }
0xb9: {  	_ =	swait.ge [sflag:s29], $0x4000  }
0xba: {  	[sflag:s29] =	ssyncset.done $0x0  }
0xbb: {  	s0 =	simm.s32 $0x4200;
	s19 =	rddreg [dreg:$0x4];
	[sflag:s29] =	ssyncadd.s32 $0xFFFFC000  }
0xbc: {  	[hbm4b:s19+s2] =	stream.linear.scatter [tilespmem:s0], [sflag:$0x8], $0x4000, $0x38;
	[tilespmem:$0x18200] =	vst v63  }
0xbd: {  	_ =	swait.ge [sflag:s1], $0x4000  }
0xbe: {  	[sflag:s1] =	ssyncset.done $0x0  }
0xbf: {  	[sflag:s1] =	ssyncadd.s32 $0xFFFFC000  }
0xc0: {  	v3 =	vld [tilespmem:$0x60];
	_ =	sdelay $0x4  }
0xc1: {  	v38 =	vshll.u32 v3, $0x3  }
0xc2: {  	v3 =	vand.u32 $0x7, v3;
	v4 =	vand.u32 $0xFFFFFFC0, v38  }
0xc3: {  	v3 =	vor.u32 v3, v4  }
0xc4: {  	v4 =	vperm.xlane v3, v0;
	_ =	sdelay $0x1  }
0xc5: {  	v4 =	vadd.s32 v1, v4;
	_ =	sdelay $0x4  }
0xc6: {  	[tilespmem:s3], [sflag:$0x1] =	stream.indirect_vreg.gather [hbm4b:s4+s2], $0x80, v4, vm0, $0xb8;
	[tilespmem:$0x18200] =	vst v63  }
0xc7: {  	s26 =	simm.s32 $0xA00;
	v3 =	vperm.xlane v3, v2  }
0xc8: {  	[tilespmem:s26], [sflag:$0x1] =	stream.indirect_vreg.gather [hbm4b:s5+s2], $0x80, v4, vm0, $0xb8;
	[tilespmem:$0x18200] =	vst v63  }
0xc9: {  	s25 =	simm.s32 $0x1200;
	v3 =	vadd.s32 v1, v3  }
0xca: {  	[tilespmem:s25], [sflag:$0x1] =	stream.indirect_vreg.gather [hbm4b:s6+s2], $0x80, v4, vm0, $0xb8;
	[tilespmem:$0x18200] =	vst v63  }
0xcb: {  	s19 =	simm.s32 $0x1A00  }
0xcc: {  	[tilespmem:s19], [sflag:$0x1] =	stream.indirect_vreg.gather [hbm4b:s7+s2], $0x80, v4, vm0, $0xb8;
	[tilespmem:$0x18200] =	vst v63  }
0xcd: {  	s8 =	simm.s32 $0x2200  }
0xce: {  	[tilespmem:s8], [sflag:$0x1] =	stream.indirect_vreg.gather [hbm4b:s4+s2], $0x80, v3, vm0, $0xb8;
	[tilespmem:$0x18200] =	vst v63  }
0xcf: {  	s22 =	simm.s32 $0x2A00  }
0xd0: {  	[tilespmem:s22], [sflag:$0x1] =	stream.indirect_vreg.gather [hbm4b:s5+s2], $0x80, v3, vm0, $0xb8;
	[tilespmem:$0x18200] =	vst v63  }
0xd1: {  	s24 =	simm.s32 $0x3200  }
0xd2: {  	[tilespmem:s24], [sflag:$0x1] =	stream.indirect_vreg.gather [hbm4b:s6+s2], $0x80, v3, vm0, $0xb8;
	[tilespmem:$0x18200] =	vst v63  }
0xd3: {  	s21 =	simm.s32 $0x3A00  }
0xd4: {  	[tilespmem:s21], [sflag:$0x1] =	stream.indirect_vreg.gather [hbm4b:s7+s2], $0x80, v3, vm0, $0xb8;
	[tilespmem:$0x18200] =	vst v63  }
0xd5: {  	_ =	swait.ge [sflag:s23], $0x4000  }
0xd6: {  	[sflag:s23] =	ssyncset.done $0x0  }
0xd7: {  	s21 =	simm.s32 $0x8200;
	s22 =	rddreg [dreg:$0x5];
	[sflag:s23] =	ssyncadd.s32 $0xFFFFC000  }
0xd8: {  	[hbm4b:s22+s2] =	stream.linear.scatter [tilespmem:s21], [sflag:$0x9], $0x4000, $0x38;
	[tilespmem:$0x18200] =	vst v63  }
0xd9: {  	_ =	swait.ge [sflag:s9], $0x4000  }
0xda: {  	[sflag:s9] =	ssyncset.done $0x0  }
0xdb: {  	[sflag:s9] =	ssyncadd.s32 $0xFFFFC000  }
0xdc: {  	v3 =	vld [tilespmem:$0x70];
	_ =	sdelay $0x4  }
0xdd: {  	v39 =	vshll.u32 v3, $0x3  }
0xde: {  	v3 =	vand.u32 $0x7, v3;
	v4 =	vand.u32 $0xFFFFFFC0, v39  }
0xdf: {  	v3 =	vor.u32 v3, v4  }
0xe0: {  	v4 =	vperm.xlane v3, v0;
	_ =	sdelay $0x1  }
0xe1: {  	v4 =	vadd.s32 v1, v4;
	_ =	sdelay $0x4  }
0xe2: {  	[tilespmem:s0], [sflag:$0x2] =	stream.indirect_vreg.gather [hbm4b:s4+s2], $0x80, v4, vm0, $0xb8;
	[tilespmem:$0x18200] =	vst v63  }
0xe3: {  	s24 =	simm.s32 $0x4A00;
	v3 =	vperm.xlane v3, v2  }
0xe4: {  	[tilespmem:s24], [sflag:$0x2] =	stream.indirect_vreg.gather [hbm4b:s5+s2], $0x80, v4, vm0, $0xb8;
	[tilespmem:$0x18200] =	vst v63  }
0xe5: {  	s25 =	simm.s32 $0x5200;
	v3 =	vadd.s32 v1, v3  }
0xe6: {  	[tilespmem:s25], [sflag:$0x2] =	stream.indirect_vreg.gather [hbm4b:s6+s2], $0x80, v4, vm0, $0xb8;
	[tilespmem:$0x18200] =	vst v63  }
0xe7: {  	s26 =	simm.s32 $0x5A00  }
0xe8: {  	[tilespmem:s26], [sflag:$0x2] =	stream.indirect_vreg.gather [hbm4b:s7+s2], $0x80, v4, vm0, $0xb8;
	[tilespmem:$0x18200] =	vst v63  }
0xe9: {  	s3 =	simm.s32 $0x6200  }
0xea: {  	[tilespmem:s3], [sflag:$0x2] =	stream.indirect_vreg.gather [hbm4b:s4+s2], $0x80, v3, vm0, $0xb8;
	[tilespmem:$0x18200] =	vst v63  }
0xeb: {  	s8 =	simm.s32 $0x6A00  }
0xec: {  	[tilespmem:s8], [sflag:$0x2] =	stream.indirect_vreg.gather [hbm4b:s5+s2], $0x80, v3, vm0, $0xb8;
	[tilespmem:$0x18200] =	vst v63  }
0xed: {  	s19 =	simm.s32 $0x7200  }
0xee: {  	[tilespmem:s19], [sflag:$0x2] =	stream.indirect_vreg.gather [hbm4b:s6+s2], $0x80, v3, vm0, $0xb8;
	[tilespmem:$0x18200] =	vst v63  }
0xef: {  	s22 =	simm.s32 $0x7A00  }
0xf0: {  	[tilespmem:s22], [sflag:$0x2] =	stream.indirect_vreg.gather [hbm4b:s7+s2], $0x80, v3, vm0, $0xb8;
	[tilespmem:$0x18200] =	vst v63  }
0xf1: {  	_ =	swait.ge [sflag:s11], $0x4000  }
0xf2: {  	[sflag:s11] =	ssyncset.done $0x0  }
0xf3: {  	s25 =	simm.s32 $0xC200;
	s24 =	rddreg [dreg:$0x6];
	[sflag:s11] =	ssyncadd.s32 $0xFFFFC000  }
0xf4: {  	[hbm4b:s24+s2] =	stream.linear.scatter [tilespmem:s25], [sflag:$0xA], $0x4000, $0x38;
	[tilespmem:$0x18200] =	vst v63  }
0xf5: {  	_ =	swait.ge [sflag:s12], $0x4000  }
0xf6: {  	[sflag:s12] =	ssyncset.done $0x0  }
0xf7: {  	[sflag:s12] =	ssyncadd.s32 $0xFFFFC000  }
0xf8: {  	v3 =	vld [tilespmem:$0x80];
	_ =	sdelay $0x4  }
0xf9: {  	v40 =	vshll.u32 v3, $0x3  }
0xfa: {  	v3 =	vand.u32 $0x7, v3;
	v4 =	vand.u32 $0xFFFFFFC0, v40  }
0xfb: {  	v3 =	vor.u32 v3, v4  }
0xfc: {  	v4 =	vperm.xlane v3, v0;
	_ =	sdelay $0x1  }
0xfd: {  	v4 =	vadd.s32 v1, v4;
	_ =	sdelay $0x4  }
0xfe: {  	[tilespmem:s21], [sflag:$0x3] =	stream.indirect_vreg.gather [hbm4b:s4+s2], $0x80, v4, vm0, $0xb8;
	[tilespmem:$0x18200] =	vst v63  }
0xff: {  	s18 =	simm.s32 $0x8A00;
	v3 =	vperm.xlane v3, v2  }
0x100: {  	[tilespmem:s18], [sflag:$0x3] =	stream.indirect_vreg.gather [hbm4b:s5+s2], $0x80, v4, vm0, $0xb8;
	[tilespmem:$0x18200] =	vst v63  }
0x101: {  	s26 =	simm.s32 $0x9200;
	v3 =	vadd.s32 v1, v3  }
0x102: {  	[tilespmem:s26], [sflag:$0x3] =	stream.indirect_vreg.gather [hbm4b:s6+s2], $0x80, v4, vm0, $0xb8;
	[tilespmem:$0x18200] =	vst v63  }
0x103: {  	s28 =	simm.s32 $0x9A00  }
0x104: {  	[tilespmem:s28], [sflag:$0x3] =	stream.indirect_vreg.gather [hbm4b:s7+s2], $0x80, v4, vm0, $0xb8;
	[tilespmem:$0x18200] =	vst v63  }
0x105: {  	s31 =	simm.s32 $0xA200  }
0x106: {  	[tilespmem:s31], [sflag:$0x3] =	stream.indirect_vreg.gather [hbm4b:s4+s2], $0x80, v3, vm0, $0xb8;
	[tilespmem:$0x18200] =	vst v63  }
0x107: {  	s31 =	simm.s32 $0xAA00  }
0x108: {  	[tilespmem:s31], [sflag:$0x3] =	stream.indirect_vreg.gather [hbm4b:s5+s2], $0x80, v3, vm0, $0xb8;
	[tilespmem:$0x18200] =	vst v63  }
0x109: {  	s3 =	simm.s32 $0xB200  }
0x10a: {  	[tilespmem:s3], [sflag:$0x3] =	stream.indirect_vreg.gather [hbm4b:s6+s2], $0x80, v3, vm0, $0xb8;
	[tilespmem:$0x18200] =	vst v63  }
0x10b: {  	s20 =	simm.s32 $0xBA00  }
0x10c: {  	[tilespmem:s20], [sflag:$0x3] =	stream.indirect_vreg.gather [hbm4b:s7+s2], $0x80, v3, vm0, $0xb8;
	[tilespmem:$0x18200] =	vst v63  }
0x10d: {  	_ =	swait.ge [sflag:s13], $0x4000  }
0x10e: {  	[sflag:s13] =	ssyncset.done $0x0  }
0x10f: {  	s21 =	simm.s32 $0x10200;
	s18 =	rddreg [dreg:$0x7];
	[sflag:s13] =	ssyncadd.s32 $0xFFFFC000  }
0x110: {  	[hbm4b:s18+s2] =	stream.linear.scatter [tilespmem:s21], [sflag:$0xB], $0x4000, $0x38;
	[tilespmem:$0x18200] =	vst v63  }
0x111: {  	_ =	swait.ge [sflag:s14], $0x4000  }
0x112: {  	[sflag:s14] =	ssyncset.done $0x0  }
0x113: {  	[sflag:s14] =	ssyncadd.s32 $0xFFFFC000  }
0x114: {  	v3 =	vld [tilespmem:$0x90];
	_ =	sdelay $0x4  }
0x115: {  	v41 =	vshll.u32 v3, $0x3  }
0x116: {  	v3 =	vand.u32 $0x7, v3;
	v4 =	vand.u32 $0xFFFFFFC0, v41  }
0x117: {  	v3 =	vor.u32 v3, v4  }
0x118: {  	v4 =	vperm.xlane v3, v0;
	_ =	sdelay $0x1  }
0x119: {  	v4 =	vadd.s32 v1, v4;
	_ =	sdelay $0x4  }
0x11a: {  	[tilespmem:s25], [sflag:$0x4] =	stream.indirect_vreg.gather [hbm4b:s4+s2], $0x80, v4, vm0, $0xb8;
	[tilespmem:$0x18200] =	vst v63  }
0x11b: {  	s19 =	simm.s32 $0xCA00;
	v3 =	vperm.xlane v3, v2  }
0x11c: {  	[tilespmem:s19], [sflag:$0x4] =	stream.indirect_vreg.gather [hbm4b:s5+s2], $0x80, v4, vm0, $0xb8;
	[tilespmem:$0x18200] =	vst v63  }
0x11d: {  	s20 =	simm.s32 $0xD200;
	v3 =	vadd.s32 v1, v3  }
0x11e: {  	[tilespmem:s20], [sflag:$0x4] =	stream.indirect_vreg.gather [hbm4b:s6+s2], $0x80, v4, vm0, $0xb8;
	[tilespmem:$0x18200] =	vst v63  }
0x11f: {  	s28 =	simm.s32 $0xDA00  }
0x120: {  	[tilespmem:s28], [sflag:$0x4] =	stream.indirect_vreg.gather [hbm4b:s7+s2], $0x80, v4, vm0, $0xb8;
	[tilespmem:$0x18200] =	vst v63  }
0x121: {  	s24 =	simm.s32 $0xE200  }
0x122: {  	[tilespmem:s24], [sflag:$0x4] =	stream.indirect_vreg.gather [hbm4b:s4+s2], $0x80, v3, vm0, $0xb8;
	[tilespmem:$0x18200] =	vst v63  }
0x123: {  	s31 =	simm.s32 $0xEA00  }
0x124: {  	[tilespmem:s31], [sflag:$0x4] =	stream.indirect_vreg.gather [hbm4b:s5+s2], $0x80, v3, vm0, $0xb8;
	[tilespmem:$0x18200] =	vst v63  }
0x125: {  	s25 =	simm.s32 $0xF200  }
0x126: {  	[tilespmem:s25], [sflag:$0x4] =	stream.indirect_vreg.gather [hbm4b:s6+s2], $0x80, v3, vm0, $0xb8;
	[tilespmem:$0x18200] =	vst v63  }
0x127: {  	s26 =	simm.s32 $0xFA00  }
0x128: {  	[tilespmem:s26], [sflag:$0x4] =	stream.indirect_vreg.gather [hbm4b:s7+s2], $0x80, v3, vm0, $0xb8;
	[tilespmem:$0x18200] =	vst v63  }
0x129: {  	_ =	swait.ge [sflag:s15], $0x4000  }
0x12a: {  	[sflag:s15] =	ssyncset.done $0x0  }
0x12b: {  	s18 =	simm.s32 $0x14200;
	s3 =	rddreg [dreg:$0x8];
	[sflag:s15] =	ssyncadd.s32 $0xFFFFC000  }
0x12c: {  	[hbm4b:s3+s2] =	stream.linear.scatter [tilespmem:s18], [sflag:$0xC], $0x4000, $0x38;
	[tilespmem:$0x18200] =	vst v63  }
0x12d: {  	_ =	swait.ge [sflag:s16], $0x4000  }
0x12e: {  	[sflag:s16] =	ssyncset.done $0x0  }
0x12f: {  	[sflag:s16] =	ssyncadd.s32 $0xFFFFC000  }
0x130: {  	v3 =	vld [tilespmem:$0xA0];
	_ =	sdelay $0x4  }
0x131: {  	v42 =	vshll.u32 v3, $0x3  }
0x132: {  	v3 =	vand.u32 $0x7, v3;
	v4 =	vand.u32 $0xFFFFFFC0, v42  }
0x133: {  	v3 =	vor.u32 v3, v4  }
0x134: {  	v4 =	vperm.xlane v3, v0;
	_ =	sdelay $0x1  }
0x135: {  	v4 =	vadd.s32 v1, v4;
	_ =	sdelay $0x4  }
0x136: {  	[tilespmem:s21], [sflag:$0x5] =	stream.indirect_vreg.gather [hbm4b:s4+s2], $0x80, v4, vm0, $0xb8;
	[tilespmem:$0x18200] =	vst v63  }
0x137: {  	v3 =	vperm.xlane v3, v2;
	s21 =	simm.s32 $0x10A00  }
0x138: {  	[tilespmem:s21], [sflag:$0x5] =	stream.indirect_vreg.gather [hbm4b:s5+s2], $0x80, v4, vm0, $0xb8;
	[tilespmem:$0x18200] =	vst v63  }
0x139: {  	s8 =	simm.s32 $0x11200;
	v3 =	vadd.s32 v1, v3  }
0x13a: {  	[tilespmem:s8], [sflag:$0x5] =	stream.indirect_vreg.gather [hbm4b:s6+s2], $0x80, v4, vm0, $0xb8;
	[tilespmem:$0x18200] =	vst v63  }
0x13b: {  	s19 =	simm.s32 $0x11A00  }
0x13c: {  	[tilespmem:s19], [sflag:$0x5] =	stream.indirect_vreg.gather [hbm4b:s7+s2], $0x80, v4, vm0, $0xb8;
	[tilespmem:$0x18200] =	vst v63  }
0x13d: {  	s24 =	simm.s32 $0x12200  }
0x13e: {  	[tilespmem:s24], [sflag:$0x5] =	stream.indirect_vreg.gather [hbm4b:s4+s2], $0x80, v3, vm0, $0xb8;
	[tilespmem:$0x18200] =	vst v63  }
0x13f: {  	s25 =	simm.s32 $0x12A00  }
0x140: {  	[tilespmem:s25], [sflag:$0x5] =	stream.indirect_vreg.gather [hbm4b:s5+s2], $0x80, v3, vm0, $0xb8;
	[tilespmem:$0x18200] =	vst v63  }
0x141: {  	s26 =	simm.s32 $0x13200  }
0x142: {  	[tilespmem:s26], [sflag:$0x5] =	stream.indirect_vreg.gather [hbm4b:s6+s2], $0x80, v3, vm0, $0xb8;
	[tilespmem:$0x18200] =	vst v63  }
0x143: {  	s20 =	simm.s32 $0x13A00  }
0x144: {  	[tilespmem:s20], [sflag:$0x5] =	stream.indirect_vreg.gather [hbm4b:s7+s2], $0x80, v3, vm0, $0xb8;
	[tilespmem:$0x18200] =	vst v63  }
0x145: {  	_ =	swait.ge [sflag:s30], $0x4000  }
0x146: {  	[sflag:s30] =	ssyncset.done $0x0  }
0x147: {  	s0 =	simm.s32 $0x200;
	s3 =	rddreg [dreg:$0x9];
	[sflag:s30] =	ssyncadd.s32 $0xFFFFC000  }
0x148: {  	[hbm4b:s3+s2] =	stream.linear.scatter [tilespmem:s0], [sflag:$0x7], $0x4000, $0x38;
	[tilespmem:$0x18200] =	vst v63  }
0x149: {  	_ =	swait.ge [sflag:s17], $0x4000  }
0x14a: {  	[sflag:s17] =	ssyncset.done $0x0  }
0x14b: {  	[sflag:s17] =	ssyncadd.s32 $0xFFFFC000  }
0x14c: {  	v3 =	vld [tilespmem:$0xB0];
	_ =	sdelay $0x4  }
0x14d: {  	v43 =	vshll.u32 v3, $0x3  }
0x14e: {  	v3 =	vand.u32 $0x7, v3;
	v4 =	vand.u32 $0xFFFFFFC0, v43  }
0x14f: {  	v3 =	vor.u32 v3, v4  }
0x150: {  	v4 =	vperm.xlane v3, v0;
	_ =	sdelay $0x1  }
0x151: {  	v4 =	vadd.s32 v1, v4;
	_ =	sdelay $0x4  }
0x152: {  	[tilespmem:s18], [sflag:$0x6] =	stream.indirect_vreg.gather [hbm4b:s4+s2], $0x80, v4, vm0, $0xb8;
	[tilespmem:$0x18200] =	vst v63  }
0x153: {  	s8 =	simm.s32 $0x14A00;
	v3 =	vperm.xlane v3, v2  }
0x154: {  	[tilespmem:s8], [sflag:$0x6] =	stream.indirect_vreg.gather [hbm4b:s5+s2], $0x80, v4, vm0, $0xb8;
	[tilespmem:$0x18200] =	vst v63  }
0x155: {  	s10 =	simm.s32 $0x15200;
	v3 =	vadd.s32 v1, v3  }
0x156: {  	[tilespmem:s10], [sflag:$0x6] =	stream.indirect_vreg.gather [hbm4b:s6+s2], $0x80, v4, vm0, $0xb8;
	[tilespmem:$0x18200] =	vst v63  }
0x157: {  	s10 =	simm.s32 $0x15A00  }
0x158: {  	[tilespmem:s10], [sflag:$0x6] =	stream.indirect_vreg.gather [hbm4b:s7+s2], $0x80, v4, vm0, $0xb8;
	[tilespmem:$0x18200] =	vst v63  }
0x159: {  	s18 =	simm.s32 $0x16200  }
0x15a: {  	[tilespmem:s18], [sflag:$0x6] =	stream.indirect_vreg.gather [hbm4b:s4+s2], $0x80, v3, vm0, $0xb8;
	[tilespmem:$0x18200] =	vst v63  }
0x15b: {  	s19 =	simm.s32 $0x16A00  }
0x15c: {  	[tilespmem:s19], [sflag:$0x6] =	stream.indirect_vreg.gather [hbm4b:s5+s2], $0x80, v3, vm0, $0xb8;
	[tilespmem:$0x18200] =	vst v63  }
0x15d: {  	s20 =	simm.s32 $0x17200  }
0x15e: {  	[tilespmem:s20], [sflag:$0x6] =	stream.indirect_vreg.gather [hbm4b:s6+s2], $0x80, v3, vm0, $0xb8;
	[tilespmem:$0x18200] =	vst v63  }
0x15f: {  	s8 =	simm.s32 $0x17A00  }
0x160: {  	[tilespmem:s8], [sflag:$0x6] =	stream.indirect_vreg.gather [hbm4b:s7+s2], $0x80, v3, vm0, $0xb8;
	[tilespmem:$0x18200] =	vst v63  }
0x161: {  	_ =	swait.ge [sflag:s29], $0x4000  }
0x162: {  	[sflag:s29] =	ssyncset.done $0x0  }
0x163: {  	s18 =	simm.s32 $0x4200;
	s10 =	rddreg [dreg:$0xa];
	[sflag:s29] =	ssyncadd.s32 $0xFFFFC000  }
0x164: {  	[hbm4b:s10+s2] =	stream.linear.scatter [tilespmem:s18], [sflag:$0x8], $0x4000, $0x38;
	[tilespmem:$0x18200] =	vst v63  }
0x165: {  	_ =	swait.ge [sflag:s1], $0x4000  }
0x166: {  	[sflag:s1] =	ssyncset.done $0x0  }
0x167: {  	[sflag:s1] =	ssyncadd.s32 $0xFFFFC000  }
0x168: {  	v3 =	vld [tilespmem:$0xC0];
	_ =	sdelay $0x4  }
0x169: {  	v44 =	vshll.u32 v3, $0x3  }
0x16a: {  	v3 =	vand.u32 $0x7, v3;
	v4 =	vand.u32 $0xFFFFFFC0, v44  }
0x16b: {  	v3 =	vor.u32 v3, v4  }
0x16c: {  	v4 =	vperm.xlane v3, v0;
	_ =	sdelay $0x1  }
0x16d: {  	v4 =	vadd.s32 v1, v4;
	_ =	sdelay $0x4  }
0x16e: {  	[tilespmem:s0], [sflag:$0x1] =	stream.indirect_vreg.gather [hbm4b:s4+s2], $0x80, v4, vm0, $0xb8;
	[tilespmem:$0x18200] =	vst v63  }
0x16f: {  	s19 =	simm.s32 $0xA00;
	v3 =	vperm.xlane v3, v2  }
0x170: {  	[tilespmem:s19], [sflag:$0x1] =	stream.indirect_vreg.gather [hbm4b:s5+s2], $0x80, v4, vm0, $0xb8;
	[tilespmem:$0x18200] =	vst v63  }
0x171: {  	s20 =	simm.s32 $0x1200;
	v3 =	vadd.s32 v1, v3  }
0x172: {  	[tilespmem:s20], [sflag:$0x1] =	stream.indirect_vreg.gather [hbm4b:s6+s2], $0x80, v4, vm0, $0xb8;
	[tilespmem:$0x18200] =	vst v63  }
0x173: {  	s3 =	simm.s32 $0x1A00  }
0x174: {  	[tilespmem:s3], [sflag:$0x1] =	stream.indirect_vreg.gather [hbm4b:s7+s2], $0x80, v4, vm0, $0xb8;
	[tilespmem:$0x18200] =	vst v63  }
0x175: {  	s8 =	simm.s32 $0x2200  }
0x176: {  	[tilespmem:s8], [sflag:$0x1] =	stream.indirect_vreg.gather [hbm4b:s4+s2], $0x80, v3, vm0, $0xb8;
	[tilespmem:$0x18200] =	vst v63  }
0x177: {  	s10 =	simm.s32 $0x2A00  }
0x178: {  	[tilespmem:s10], [sflag:$0x1] =	stream.indirect_vreg.gather [hbm4b:s5+s2], $0x80, v3, vm0, $0xb8;
	[tilespmem:$0x18200] =	vst v63  }
0x179: {  	s19 =	simm.s32 $0x3200  }
0x17a: {  	[tilespmem:s19], [sflag:$0x1] =	stream.indirect_vreg.gather [hbm4b:s6+s2], $0x80, v3, vm0, $0xb8;
	[tilespmem:$0x18200] =	vst v63  }
0x17b: {  	s20 =	simm.s32 $0x3A00  }
0x17c: {  	[tilespmem:s20], [sflag:$0x1] =	stream.indirect_vreg.gather [hbm4b:s7+s2], $0x80, v3, vm0, $0xb8;
	[tilespmem:$0x18200] =	vst v63  }
0x17d: {  	_ =	swait.ge [sflag:s23], $0x4000  }
0x17e: {  	[sflag:s23] =	ssyncset.done $0x0  }
0x17f: {  	s20 =	simm.s32 $0x8200;
	s3 =	rddreg [dreg:$0xb];
	[sflag:s23] =	ssyncadd.s32 $0xFFFFC000  }
0x180: {  	[hbm4b:s3+s2] =	stream.linear.scatter [tilespmem:s20], [sflag:$0x9], $0x4000, $0x38;
	[tilespmem:$0x18200] =	vst v63  }
0x181: {  	_ =	swait.ge [sflag:s9], $0x4000  }
0x182: {  	[sflag:s9] =	ssyncset.done $0x0  }
0x183: {  	[sflag:s9] =	ssyncadd.s32 $0xFFFFC000  }
0x184: {  	v3 =	vld [tilespmem:$0xD0];
	_ =	sdelay $0x4  }
0x185: {  	v45 =	vshll.u32 v3, $0x3  }
0x186: {  	v3 =	vand.u32 $0x7, v3;
	v4 =	vand.u32 $0xFFFFFFC0, v45  }
0x187: {  	v3 =	vor.u32 v3, v4  }
0x188: {  	v4 =	vperm.xlane v3, v0;
	_ =	sdelay $0x1  }
0x189: {  	v4 =	vadd.s32 v1, v4;
	_ =	sdelay $0x4  }
0x18a: {  	[tilespmem:s18], [sflag:$0x2] =	stream.indirect_vreg.gather [hbm4b:s4+s2], $0x80, v4, vm0, $0xb8;
	[tilespmem:$0x18200] =	vst v63  }
0x18b: {  	s8 =	simm.s32 $0x4A00;
	v3 =	vperm.xlane v3, v2  }
0x18c: {  	[tilespmem:s8], [sflag:$0x2] =	stream.indirect_vreg.gather [hbm4b:s5+s2], $0x80, v4, vm0, $0xb8;
	[tilespmem:$0x18200] =	vst v63  }
0x18d: {  	s10 =	simm.s32 $0x5200;
	v3 =	vadd.s32 v1, v3  }
0x18e: {  	[tilespmem:s10], [sflag:$0x2] =	stream.indirect_vreg.gather [hbm4b:s6+s2], $0x80, v4, vm0, $0xb8;
	[tilespmem:$0x18200] =	vst v63  }
0x18f: {  	s18 =	simm.s32 $0x5A00  }
0x190: {  	[tilespmem:s18], [sflag:$0x2] =	stream.indirect_vreg.gather [hbm4b:s7+s2], $0x80, v4, vm0, $0xb8;
	[tilespmem:$0x18200] =	vst v63  }
0x191: {  	s19 =	simm.s32 $0x6200  }
0x192: {  	[tilespmem:s19], [sflag:$0x2] =	stream.indirect_vreg.gather [hbm4b:s4+s2], $0x80, v3, vm0, $0xb8;
	[tilespmem:$0x18200] =	vst v63  }
0x193: {  	s3 =	simm.s32 $0x6A00  }
0x194: {  	[tilespmem:s3], [sflag:$0x2] =	stream.indirect_vreg.gather [hbm4b:s5+s2], $0x80, v3, vm0, $0xb8;
	[tilespmem:$0x18200] =	vst v63  }
0x195: {  	s8 =	simm.s32 $0x7200  }
0x196: {  	[tilespmem:s8], [sflag:$0x2] =	stream.indirect_vreg.gather [hbm4b:s6+s2], $0x80, v3, vm0, $0xb8;
	[tilespmem:$0x18200] =	vst v63  }
0x197: {  	s10 =	simm.s32 $0x7A00  }
0x198: {  	[tilespmem:s10], [sflag:$0x2] =	stream.indirect_vreg.gather [hbm4b:s7+s2], $0x80, v3, vm0, $0xb8;
	[tilespmem:$0x18200] =	vst v63  }
0x199: {  	_ =	swait.ge [sflag:s11], $0x4000  }
0x19a: {  	[sflag:s11] =	ssyncset.done $0x0  }
0x19b: {  	s0 =	simm.s32 $0xC200;
	s18 =	rddreg [dreg:$0xc];
	[sflag:s11] =	ssyncadd.s32 $0xFFFFC000  }
0x19c: {  	[hbm4b:s18+s2] =	stream.linear.scatter [tilespmem:s0], [sflag:$0xA], $0x4000, $0x38;
	[tilespmem:$0x18200] =	vst v63  }
0x19d: {  	_ =	swait.ge [sflag:s12], $0x4000  }
0x19e: {  	[sflag:s12] =	ssyncset.done $0x0  }
0x19f: {  	[sflag:s12] =	ssyncadd.s32 $0xFFFFC000  }
0x1a0: {  	v3 =	vld [tilespmem:$0xE0];
	_ =	sdelay $0x4  }
0x1a1: {  	v46 =	vshll.u32 v3, $0x3  }
0x1a2: {  	v3 =	vand.u32 $0x7, v3;
	v4 =	vand.u32 $0xFFFFFFC0, v46  }
0x1a3: {  	v3 =	vor.u32 v3, v4  }
0x1a4: {  	v4 =	vperm.xlane v3, v0;
	_ =	sdelay $0x1  }
0x1a5: {  	v4 =	vadd.s32 v1, v4;
	_ =	sdelay $0x4  }
0x1a6: {  	[tilespmem:s20], [sflag:$0x3] =	stream.indirect_vreg.gather [hbm4b:s4+s2], $0x80, v4, vm0, $0xb8;
	[tilespmem:$0x18200] =	vst v63  }
0x1a7: {  	v3 =	vperm.xlane v3, v2;
	s20 =	simm.s32 $0x8A00  }
0x1a8: {  	[tilespmem:s20], [sflag:$0x3] =	stream.indirect_vreg.gather [hbm4b:s5+s2], $0x80, v4, vm0, $0xb8;
	[tilespmem:$0x18200] =	vst v63  }
0x1a9: {  	s22 =	simm.s32 $0x9200;
	v3 =	vadd.s32 v1, v3  }
0x1aa: {  	[tilespmem:s22], [sflag:$0x3] =	stream.indirect_vreg.gather [hbm4b:s6+s2], $0x80, v4, vm0, $0xb8;
	[tilespmem:$0x18200] =	vst v63  }
0x1ab: {  	s10 =	simm.s32 $0x9A00  }
0x1ac: {  	[tilespmem:s10], [sflag:$0x3] =	stream.indirect_vreg.gather [hbm4b:s7+s2], $0x80, v4, vm0, $0xb8;
	[tilespmem:$0x18200] =	vst v63  }
0x1ad: {  	s3 =	simm.s32 $0xA200  }
0x1ae: {  	[tilespmem:s3], [sflag:$0x3] =	stream.indirect_vreg.gather [hbm4b:s4+s2], $0x80, v3, vm0, $0xb8;
	[tilespmem:$0x18200] =	vst v63  }
0x1af: {  	s19 =	simm.s32 $0xAA00  }
0x1b0: {  	[tilespmem:s19], [sflag:$0x3] =	stream.indirect_vreg.gather [hbm4b:s5+s2], $0x80, v3, vm0, $0xb8;
	[tilespmem:$0x18200] =	vst v63  }
0x1b1: {  	s20 =	simm.s32 $0xB200  }
0x1b2: {  	[tilespmem:s20], [sflag:$0x3] =	stream.indirect_vreg.gather [hbm4b:s6+s2], $0x80, v3, vm0, $0xb8;
	[tilespmem:$0x18200] =	vst v63  }
0x1b3: {  	s22 =	simm.s32 $0xBA00  }
0x1b4: {  	[tilespmem:s22], [sflag:$0x3] =	stream.indirect_vreg.gather [hbm4b:s7+s2], $0x80, v3, vm0, $0xb8;
	[tilespmem:$0x18200] =	vst v63  }
0x1b5: {  	_ =	swait.ge [sflag:s13], $0x4000  }
0x1b6: {  	[sflag:s13] =	ssyncset.done $0x0  }
0x1b7: {  	s22 =	simm.s32 $0x10200;
	s18 =	rddreg [dreg:$0xd];
	[sflag:s13] =	ssyncadd.s32 $0xFFFFC000  }
0x1b8: {  	[hbm4b:s18+s2] =	stream.linear.scatter [tilespmem:s22], [sflag:$0xB], $0x4000, $0x38;
	[tilespmem:$0x18200] =	vst v63  }
0x1b9: {  	_ =	swait.ge [sflag:s14], $0x4000  }
0x1ba: {  	[sflag:s14] =	ssyncset.done $0x0  }
0x1bb: {  	[sflag:s14] =	ssyncadd.s32 $0xFFFFC000  }
0x1bc: {  	v3 =	vld [tilespmem:$0xF0];
	_ =	sdelay $0x4  }
0x1bd: {  	v47 =	vshll.u32 v3, $0x3  }
0x1be: {  	v3 =	vand.u32 $0x7, v3;
	v4 =	vand.u32 $0xFFFFFFC0, v47  }
0x1bf: {  	v3 =	vor.u32 v3, v4  }
0x1c0: {  	v4 =	vperm.xlane v3, v0;
	_ =	sdelay $0x1  }
0x1c1: {  	v4 =	vadd.s32 v1, v4;
	_ =	sdelay $0x4  }
0x1c2: {  	[tilespmem:s0], [sflag:$0x4] =	stream.indirect_vreg.gather [hbm4b:s4+s2], $0x80, v4, vm0, $0xb8;
	[tilespmem:$0x18200] =	vst v63  }
0x1c3: {  	s19 =	simm.s32 $0xCA00;
	v3 =	vperm.xlane v3, v2  }
0x1c4: {  	[tilespmem:s19], [sflag:$0x4] =	stream.indirect_vreg.gather [hbm4b:s5+s2], $0x80, v4, vm0, $0xb8;
	[tilespmem:$0x18200] =	vst v63  }
0x1c5: {  	s20 =	simm.s32 $0xD200;
	v3 =	vadd.s32 v1, v3  }
0x1c6: {  	[tilespmem:s20], [sflag:$0x4] =	stream.indirect_vreg.gather [hbm4b:s6+s2], $0x80, v4, vm0, $0xb8;
	[tilespmem:$0x18200] =	vst v63  }
0x1c7: {  	_ = 	snop  }
0x1c8: {  	[tilespmem:s28], [sflag:$0x4] =	stream.indirect_vreg.gather [hbm4b:s7+s2], $0x80, v4, vm0, $0xb8;
	[tilespmem:$0x18200] =	vst v63  }
0x1c9: {  	s18 =	simm.s32 $0xE200  }
0x1ca: {  	[tilespmem:s18], [sflag:$0x4] =	stream.indirect_vreg.gather [hbm4b:s4+s2], $0x80, v3, vm0, $0xb8;
	[tilespmem:$0x18200] =	vst v63  }
0x1cb: {  	_ = 	snop  }
0x1cc: {  	[tilespmem:s31], [sflag:$0x4] =	stream.indirect_vreg.gather [hbm4b:s5+s2], $0x80, v3, vm0, $0xb8;
	[tilespmem:$0x18200] =	vst v63  }
0x1cd: {  	s19 =	simm.s32 $0xF200  }
0x1ce: {  	[tilespmem:s19], [sflag:$0x4] =	stream.indirect_vreg.gather [hbm4b:s6+s2], $0x80, v3, vm0, $0xb8;
	[tilespmem:$0x18200] =	vst v63  }
0x1cf: {  	s18 =	simm.s32 $0xFA00  }
0x1d0: {  	[tilespmem:s18], [sflag:$0x4] =	stream.indirect_vreg.gather [hbm4b:s7+s2], $0x80, v3, vm0, $0xb8;
	[tilespmem:$0x18200] =	vst v63  }
0x1d1: {  	_ =	swait.ge [sflag:s15], $0x4000  }
0x1d2: {  	[sflag:s15] =	ssyncset.done $0x0  }
0x1d3: {  	s0 =	simm.s32 $0x14200;
	s20 =	rddreg [dreg:$0xe];
	[sflag:s15] =	ssyncadd.s32 $0xFFFFC000  }
0x1d4: {  	[hbm4b:s20+s2] =	stream.linear.scatter [tilespmem:s0], [sflag:$0xC], $0x4000, $0x38;
	[tilespmem:$0x18200] =	vst v63  }
0x1d5: {  	_ =	swait.ge [sflag:s16], $0x4000  }
0x1d6: {  	[sflag:s16] =	ssyncset.done $0x0  }
0x1d7: {  	[sflag:s16] =	ssyncadd.s32 $0xFFFFC000  }
0x1d8: {  	v3 =	vld [tilespmem:$0x100];
	_ =	sdelay $0x4  }
0x1d9: {  	v48 =	vshll.u32 v3, $0x3  }
0x1da: {  	v3 =	vand.u32 $0x7, v3;
	v4 =	vand.u32 $0xFFFFFFC0, v48  }
0x1db: {  	v3 =	vor.u32 v3, v4  }
0x1dc: {  	v4 =	vperm.xlane v3, v0;
	_ =	sdelay $0x1  }
0x1dd: {  	v4 =	vadd.s32 v1, v4;
	_ =	sdelay $0x4  }
0x1de: {  	[tilespmem:s22], [sflag:$0x5] =	stream.indirect_vreg.gather [hbm4b:s4+s2], $0x80, v4, vm0, $0xb8;
	[tilespmem:$0x18200] =	vst v63  }
0x1df: {  	v3 =	vperm.xlane v3, v2  }
0x1e0: {  	[tilespmem:s21], [sflag:$0x5] =	stream.indirect_vreg.gather [hbm4b:s5+s2], $0x80, v4, vm0, $0xb8;
	[tilespmem:$0x18200] =	vst v63  }
0x1e1: {  	v3 =	vadd.s32 v1, v3;
	s22 =	simm.s32 $0x11200  }
0x1e2: {  	[tilespmem:s22], [sflag:$0x5] =	stream.indirect_vreg.gather [hbm4b:s6+s2], $0x80, v4, vm0, $0xb8;
	[tilespmem:$0x18200] =	vst v63  }
0x1e3: {  	s28 =	simm.s32 $0x11A00  }
0x1e4: {  	[tilespmem:s28], [sflag:$0x5] =	stream.indirect_vreg.gather [hbm4b:s7+s2], $0x80, v4, vm0, $0xb8;
	[tilespmem:$0x18200] =	vst v63  }
0x1e5: {  	_ = 	snop  }
0x1e6: {  	[tilespmem:s24], [sflag:$0x5] =	stream.indirect_vreg.gather [hbm4b:s4+s2], $0x80, v3, vm0, $0xb8;
	[tilespmem:$0x18200] =	vst v63  }
0x1e7: {  	_ = 	snop  }
0x1e8: {  	[tilespmem:s25], [sflag:$0x5] =	stream.indirect_vreg.gather [hbm4b:s5+s2], $0x80, v3, vm0, $0xb8;
	[tilespmem:$0x18200] =	vst v63  }
0x1e9: {  	_ = 	snop  }
0x1ea: {  	[tilespmem:s26], [sflag:$0x5] =	stream.indirect_vreg.gather [hbm4b:s6+s2], $0x80, v3, vm0, $0xb8;
	[tilespmem:$0x18200] =	vst v63  }
0x1eb: {  	s21 =	simm.s32 $0x13A00  }
0x1ec: {  	[tilespmem:s21], [sflag:$0x5] =	stream.indirect_vreg.gather [hbm4b:s7+s2], $0x80, v3, vm0, $0xb8;
	[tilespmem:$0x18200] =	vst v63  }
0x1ed: {  	_ =	swait.ge [sflag:s30], $0x4000  }
0x1ee: {  	[sflag:s30] =	ssyncset.done $0x0  }
0x1ef: {  	s20 =	simm.s32 $0x200;
	s31 =	rddreg [dreg:$0xf];
	[sflag:s30] =	ssyncadd.s32 $0xFFFFC000  }
0x1f0: {  	[hbm4b:s31+s2] =	stream.linear.scatter [tilespmem:s20], [sflag:$0x7], $0x4000, $0x38;
	[tilespmem:$0x18200] =	vst v63  }
0x1f1: {  	_ =	swait.ge [sflag:s17], $0x4000  }
0x1f2: {  	[sflag:s17] =	ssyncset.done $0x0  }
0x1f3: {  	[sflag:s17] =	ssyncadd.s32 $0xFFFFC000  }
0x1f4: {  	v3 =	vld [tilespmem:$0x110];
	_ =	sdelay $0x4  }
0x1f5: {  	v49 =	vshll.u32 v3, $0x3  }
0x1f6: {  	v3 =	vand.u32 $0x7, v3;
	v4 =	vand.u32 $0xFFFFFFC0, v49  }
0x1f7: {  	v3 =	vor.u32 v3, v4  }
0x1f8: {  	v4 =	vperm.xlane v3, v0;
	_ =	sdelay $0x1  }
0x1f9: {  	v4 =	vadd.s32 v1, v4;
	_ =	sdelay $0x4  }
0x1fa: {  	[tilespmem:s0], [sflag:$0x6] =	stream.indirect_vreg.gather [hbm4b:s4+s2], $0x80, v4, vm0, $0xb8;
	[tilespmem:$0x18200] =	vst v63  }
0x1fb: {  	s22 =	simm.s32 $0x14A00;
	v3 =	vperm.xlane v3, v2  }
0x1fc: {  	[tilespmem:s22], [sflag:$0x6] =	stream.indirect_vreg.gather [hbm4b:s5+s2], $0x80, v4, vm0, $0xb8;
	[tilespmem:$0x18200] =	vst v63  }
0x1fd: {  	s24 =	simm.s32 $0x15200;
	v3 =	vadd.s32 v1, v3  }
0x1fe: {  	[tilespmem:s24], [sflag:$0x6] =	stream.indirect_vreg.gather [hbm4b:s6+s2], $0x80, v4, vm0, $0xb8;
	[tilespmem:$0x18200] =	vst v63  }
0x1ff: {  	s25 =	simm.s32 $0x15A00  }
0x200: {  	[tilespmem:s25], [sflag:$0x6] =	stream.indirect_vreg.gather [hbm4b:s7+s2], $0x80, v4, vm0, $0xb8;
	[tilespmem:$0x18200] =	vst v63  }
0x201: {  	s26 =	simm.s32 $0x16200  }
0x202: {  	[tilespmem:s26], [sflag:$0x6] =	stream.indirect_vreg.gather [hbm4b:s4+s2], $0x80, v3, vm0, $0xb8;
	[tilespmem:$0x18200] =	vst v63  }
0x203: {  	s22 =	simm.s32 $0x16A00  }
0x204: {  	[tilespmem:s22], [sflag:$0x6] =	stream.indirect_vreg.gather [hbm4b:s5+s2], $0x80, v3, vm0, $0xb8;
	[tilespmem:$0x18200] =	vst v63  }
0x205: {  	s24 =	simm.s32 $0x17200  }
0x206: {  	[tilespmem:s24], [sflag:$0x6] =	stream.indirect_vreg.gather [hbm4b:s6+s2], $0x80, v3, vm0, $0xb8;
	[tilespmem:$0x18200] =	vst v63  }
0x207: {  	s28 =	simm.s32 $0x17A00  }
0x208: {  	[tilespmem:s28], [sflag:$0x6] =	stream.indirect_vreg.gather [hbm4b:s7+s2], $0x80, v3, vm0, $0xb8;
	[tilespmem:$0x18200] =	vst v63  }
0x209: {  	_ =	swait.ge [sflag:s29], $0x4000  }
0x20a: {  	[sflag:s29] =	ssyncset.done $0x0  }
0x20b: {  	s0 =	simm.s32 $0x4200;
	s31 =	rddreg [dreg:$0x10];
	[sflag:s29] =	ssyncadd.s32 $0xFFFFC000  }
0x20c: {  	[hbm4b:s31+s2] =	stream.linear.scatter [tilespmem:s0], [sflag:$0x8], $0x4000, $0x38;
	[tilespmem:$0x18200] =	vst v63  }
0x20d: {  	_ =	swait.ge [sflag:s1], $0x4000  }
0x20e: {  	[sflag:s1] =	ssyncset.done $0x0  }
0x20f: {  	[sflag:s1] =	ssyncadd.s32 $0xFFFFC000  }
0x210: {  	v3 =	vld [tilespmem:$0x120];
	_ =	sdelay $0x4  }
0x211: {  	v50 =	vshll.u32 v3, $0x3  }
0x212: {  	v3 =	vand.u32 $0x7, v3;
	v4 =	vand.u32 $0xFFFFFFC0, v50  }
0x213: {  	v3 =	vor.u32 v3, v4  }
0x214: {  	v4 =	vperm.xlane v3, v0;
	_ =	sdelay $0x1  }
0x215: {  	v4 =	vadd.s32 v1, v4;
	_ =	sdelay $0x4  }
0x216: {  	[tilespmem:s20], [sflag:$0x1] =	stream.indirect_vreg.gather [hbm4b:s4+s2], $0x80, v4, vm0, $0xb8;
	[tilespmem:$0x18200] =	vst v63  }
0x217: {  	v3 =	vperm.xlane v3, v2;
	s20 =	simm.s32 $0xA00  }
0x218: {  	[tilespmem:s20], [sflag:$0x1] =	stream.indirect_vreg.gather [hbm4b:s5+s2], $0x80, v4, vm0, $0xb8;
	[tilespmem:$0x18200] =	vst v63  }
0x219: {  	s25 =	simm.s32 $0x1200;
	v3 =	vadd.s32 v1, v3  }
0x21a: {  	[tilespmem:s25], [sflag:$0x1] =	stream.indirect_vreg.gather [hbm4b:s6+s2], $0x80, v4, vm0, $0xb8;
	[tilespmem:$0x18200] =	vst v63  }
0x21b: {  	s26 =	simm.s32 $0x1A00  }
0x21c: {  	[tilespmem:s26], [sflag:$0x1] =	stream.indirect_vreg.gather [hbm4b:s7+s2], $0x80, v4, vm0, $0xb8;
	[tilespmem:$0x18200] =	vst v63  }
0x21d: {  	s28 =	simm.s32 $0x2200  }
0x21e: {  	[tilespmem:s28], [sflag:$0x1] =	stream.indirect_vreg.gather [hbm4b:s4+s2], $0x80, v3, vm0, $0xb8;
	[tilespmem:$0x18200] =	vst v63  }
0x21f: {  	s31 =	simm.s32 $0x2A00  }
0x220: {  	[tilespmem:s31], [sflag:$0x1] =	stream.indirect_vreg.gather [hbm4b:s5+s2], $0x80, v3, vm0, $0xb8;
	[tilespmem:$0x18200] =	vst v63  }
0x221: {  	s20 =	simm.s32 $0x3200  }
0x222: {  	[tilespmem:s20], [sflag:$0x1] =	stream.indirect_vreg.gather [hbm4b:s6+s2], $0x80, v3, vm0, $0xb8;
	[tilespmem:$0x18200] =	vst v63  }
0x223: {  	s25 =	simm.s32 $0x3A00  }
0x224: {  	[tilespmem:s25], [sflag:$0x1] =	stream.indirect_vreg.gather [hbm4b:s7+s2], $0x80, v3, vm0, $0xb8;
	[tilespmem:$0x18200] =	vst v63  }
0x225: {  	_ =	swait.ge [sflag:s23], $0x4000  }
0x226: {  	[sflag:s23] =	ssyncset.done $0x0  }
0x227: {  	s8 =	simm.s32 $0x8200;
	s26 =	rddreg [dreg:$0x11];
	[sflag:s23] =	ssyncadd.s32 $0xFFFFC000  }
0x228: {  	[hbm4b:s26+s2] =	stream.linear.scatter [tilespmem:s8], [sflag:$0x9], $0x4000, $0x38;
	[tilespmem:$0x18200] =	vst v63  }
0x229: {  	_ =	swait.ge [sflag:s9], $0x4000  }
0x22a: {  	[sflag:s9] =	ssyncset.done $0x0  }
0x22b: {  	[sflag:s9] =	ssyncadd.s32 $0xFFFFC000  }
0x22c: {  	v3 =	vld [tilespmem:$0x130];
	_ =	sdelay $0x4  }
0x22d: {  	v51 =	vshll.u32 v3, $0x3  }
0x22e: {  	v3 =	vand.u32 $0x7, v3;
	v4 =	vand.u32 $0xFFFFFFC0, v51  }
0x22f: {  	v3 =	vor.u32 v3, v4  }
0x230: {  	v4 =	vperm.xlane v3, v0;
	_ =	sdelay $0x1  }
0x231: {  	v4 =	vadd.s32 v1, v4;
	_ =	sdelay $0x4  }
0x232: {  	[tilespmem:s0], [sflag:$0x2] =	stream.indirect_vreg.gather [hbm4b:s4+s2], $0x80, v4, vm0, $0xb8;
	[tilespmem:$0x18200] =	vst v63  }
0x233: {  	s31 =	simm.s32 $0x4A00;
	v3 =	vperm.xlane v3, v2  }
0x234: {  	[tilespmem:s31], [sflag:$0x2] =	stream.indirect_vreg.gather [hbm4b:s5+s2], $0x80, v4, vm0, $0xb8;
	[tilespmem:$0x18200] =	vst v63  }
0x235: {  	s28 =	simm.s32 $0x5200;
	v3 =	vadd.s32 v1, v3  }
0x236: {  	[tilespmem:s28], [sflag:$0x2] =	stream.indirect_vreg.gather [hbm4b:s6+s2], $0x80, v4, vm0, $0xb8;
	[tilespmem:$0x18200] =	vst v63  }
0x237: {  	s20 =	simm.s32 $0x5A00  }
0x238: {  	[tilespmem:s20], [sflag:$0x2] =	stream.indirect_vreg.gather [hbm4b:s7+s2], $0x80, v4, vm0, $0xb8;
	[tilespmem:$0x18200] =	vst v63  }
0x239: {  	s25 =	simm.s32 $0x6200  }
0x23a: {  	[tilespmem:s25], [sflag:$0x2] =	stream.indirect_vreg.gather [hbm4b:s4+s2], $0x80, v3, vm0, $0xb8;
	[tilespmem:$0x18200] =	vst v63  }
0x23b: {  	s26 =	simm.s32 $0x6A00  }
0x23c: {  	[tilespmem:s26], [sflag:$0x2] =	stream.indirect_vreg.gather [hbm4b:s5+s2], $0x80, v3, vm0, $0xb8;
	[tilespmem:$0x18200] =	vst v63  }
0x23d: {  	s28 =	simm.s32 $0x7200  }
0x23e: {  	[tilespmem:s28], [sflag:$0x2] =	stream.indirect_vreg.gather [hbm4b:s6+s2], $0x80, v3, vm0, $0xb8;
	[tilespmem:$0x18200] =	vst v63  }
0x23f: {  	s0 =	simm.s32 $0x7A00  }
0x240: {  	[tilespmem:s0], [sflag:$0x2] =	stream.indirect_vreg.gather [hbm4b:s7+s2], $0x80, v3, vm0, $0xb8;
	[tilespmem:$0x18200] =	vst v63  }
0x241: {  	_ =	swait.ge [sflag:s11], $0x4000  }
0x242: {  	[sflag:s11] =	ssyncset.done $0x0  }
0x243: {  	s3 =	simm.s32 $0xC200;
	s0 =	rddreg [dreg:$0x12];
	[sflag:s11] =	ssyncadd.s32 $0xFFFFC000  }
0x244: {  	[hbm4b:s0+s2] =	stream.linear.scatter [tilespmem:s3], [sflag:$0xA], $0x4000, $0x38;
	[tilespmem:$0x18200] =	vst v63  }
0x245: {  	_ =	swait.ge [sflag:s12], $0x4000  }
0x246: {  	[sflag:s12] =	ssyncset.done $0x0  }
0x247: {  	[sflag:s12] =	ssyncadd.s32 $0xFFFFC000  }
0x248: {  	v3 =	vld [tilespmem:$0x140];
	_ =	sdelay $0x4  }
0x249: {  	v52 =	vshll.u32 v3, $0x3  }
0x24a: {  	v3 =	vand.u32 $0x7, v3;
	v4 =	vand.u32 $0xFFFFFFC0, v52  }
0x24b: {  	v3 =	vor.u32 v3, v4  }
0x24c: {  	v4 =	vperm.xlane v3, v0;
	_ =	sdelay $0x1  }
0x24d: {  	v4 =	vadd.s32 v1, v4;
	_ =	sdelay $0x4  }
0x24e: {  	[tilespmem:s8], [sflag:$0x3] =	stream.indirect_vreg.gather [hbm4b:s4+s2], $0x80, v4, vm0, $0xb8;
	[tilespmem:$0x18200] =	vst v63  }
0x24f: {  	v3 =	vperm.xlane v3, v2;
	s8 =	simm.s32 $0x8A00  }
0x250: {  	[tilespmem:s8], [sflag:$0x3] =	stream.indirect_vreg.gather [hbm4b:s5+s2], $0x80, v4, vm0, $0xb8;
	[tilespmem:$0x18200] =	vst v63  }
0x251: {  	s19 =	simm.s32 $0x9200;
	v3 =	vadd.s32 v1, v3  }
0x252: {  	[tilespmem:s19], [sflag:$0x3] =	stream.indirect_vreg.gather [hbm4b:s6+s2], $0x80, v4, vm0, $0xb8;
	[tilespmem:$0x18200] =	vst v63  }
0x253: {  	_ = 	snop  }
0x254: {  	[tilespmem:s10], [sflag:$0x3] =	stream.indirect_vreg.gather [hbm4b:s7+s2], $0x80, v4, vm0, $0xb8;
	[tilespmem:$0x18200] =	vst v63  }
0x255: {  	s0 =	simm.s32 $0xA200  }
0x256: {  	[tilespmem:s0], [sflag:$0x3] =	stream.indirect_vreg.gather [hbm4b:s4+s2], $0x80, v3, vm0, $0xb8;
	[tilespmem:$0x18200] =	vst v63  }
0x257: {  	s8 =	simm.s32 $0xAA00  }
0x258: {  	[tilespmem:s8], [sflag:$0x3] =	stream.indirect_vreg.gather [hbm4b:s5+s2], $0x80, v3, vm0, $0xb8;
	[tilespmem:$0x18200] =	vst v63  }
0x259: {  	s10 =	simm.s32 $0xB200  }
0x25a: {  	[tilespmem:s10], [sflag:$0x3] =	stream.indirect_vreg.gather [hbm4b:s6+s2], $0x80, v3, vm0, $0xb8;
	[tilespmem:$0x18200] =	vst v63  }
0x25b: {  	s19 =	simm.s32 $0xBA00  }
0x25c: {  	[tilespmem:s19], [sflag:$0x3] =	stream.indirect_vreg.gather [hbm4b:s7+s2], $0x80, v3, vm0, $0xb8;
	[tilespmem:$0x18200] =	vst v63  }
0x25d: {  	_ =	swait.ge [sflag:s13], $0x4000  }
0x25e: {  	[sflag:s13] =	ssyncset.done $0x0  }
0x25f: {  	s0 =	simm.s32 $0x10200;
	s8 =	rddreg [dreg:$0x13];
	[sflag:s13] =	ssyncadd.s32 $0xFFFFC000  }
0x260: {  	[hbm4b:s8+s2] =	stream.linear.scatter [tilespmem:s0], [sflag:$0xB], $0x4000, $0x38;
	[tilespmem:$0x18200] =	vst v63  }
0x261: {  	_ =	swait.ge [sflag:s14], $0x4000  }
0x262: {  	[sflag:s14] =	ssyncset.done $0x0  }
0x263: {  	[sflag:s14] =	ssyncadd.s32 $0xFFFFC000  }
0x264: {  	v3 =	vld [tilespmem:$0x150];
	_ =	sdelay $0x4  }
0x265: {  	v53 =	vshll.u32 v3, $0x3  }
0x266: {  	v3 =	vand.u32 $0x7, v3;
	v4 =	vand.u32 $0xFFFFFFC0, v53  }
0x267: {  	v3 =	vor.u32 v3, v4  }
0x268: {  	v4 =	vperm.xlane v3, v0;
	_ =	sdelay $0x1  }
0x269: {  	v4 =	vadd.s32 v1, v4;
	_ =	sdelay $0x4  }
0x26a: {  	[tilespmem:s3], [sflag:$0x4] =	stream.indirect_vreg.gather [hbm4b:s4+s2], $0x80, v4, vm0, $0xb8;
	[tilespmem:$0x18200] =	vst v63  }
0x26b: {  	s10 =	simm.s32 $0xCA00;
	v3 =	vperm.xlane v3, v2  }
0x26c: {  	[tilespmem:s10], [sflag:$0x4] =	stream.indirect_vreg.gather [hbm4b:s5+s2], $0x80, v4, vm0, $0xb8;
	[tilespmem:$0x18200] =	vst v63  }
0x26d: {  	s19 =	simm.s32 $0xD200;
	v3 =	vadd.s32 v1, v3  }
0x26e: {  	[tilespmem:s19], [sflag:$0x4] =	stream.indirect_vreg.gather [hbm4b:s6+s2], $0x80, v4, vm0, $0xb8;
	[tilespmem:$0x18200] =	vst v63  }
0x26f: {  	s8 =	simm.s32 $0xDA00  }
0x270: {  	[tilespmem:s8], [sflag:$0x4] =	stream.indirect_vreg.gather [hbm4b:s7+s2], $0x80, v4, vm0, $0xb8;
	[tilespmem:$0x18200] =	vst v63  }
0x271: {  	s10 =	simm.s32 $0xE200  }
0x272: {  	[tilespmem:s10], [sflag:$0x4] =	stream.indirect_vreg.gather [hbm4b:s4+s2], $0x80, v3, vm0, $0xb8;
	[tilespmem:$0x18200] =	vst v63  }
0x273: {  	s19 =	simm.s32 $0xEA00  }
0x274: {  	[tilespmem:s19], [sflag:$0x4] =	stream.indirect_vreg.gather [hbm4b:s5+s2], $0x80, v3, vm0, $0xb8;
	[tilespmem:$0x18200] =	vst v63  }
0x275: {  	s8 =	simm.s32 $0xF200  }
0x276: {  	[tilespmem:s8], [sflag:$0x4] =	stream.indirect_vreg.gather [hbm4b:s6+s2], $0x80, v3, vm0, $0xb8;
	[tilespmem:$0x18200] =	vst v63  }
0x277: {  	_ = 	snop  }
0x278: {  	[tilespmem:s18], [sflag:$0x4] =	stream.indirect_vreg.gather [hbm4b:s7+s2], $0x80, v3, vm0, $0xb8;
	[tilespmem:$0x18200] =	vst v63  }
0x279: {  	_ =	swait.ge [sflag:s15], $0x4000  }
0x27a: {  	[sflag:s15] =	ssyncset.done $0x0  }
0x27b: {  	s3 =	simm.s32 $0x14200;
	s10 =	rddreg [dreg:$0x14];
	[sflag:s15] =	ssyncadd.s32 $0xFFFFC000  }
0x27c: {  	[hbm4b:s10+s2] =	stream.linear.scatter [tilespmem:s3], [sflag:$0xC], $0x4000, $0x38;
	[tilespmem:$0x18200] =	vst v63  }
0x27d: {  	_ =	swait.ge [sflag:s16], $0x4000  }
0x27e: {  	[sflag:s16] =	ssyncset.done $0x0  }
0x27f: {  	[sflag:s16] =	ssyncadd.s32 $0xFFFFC000  }
0x280: {  	v3 =	vld [tilespmem:$0x160];
	_ =	sdelay $0x4  }
0x281: {  	v54 =	vshll.u32 v3, $0x3  }
0x282: {  	v3 =	vand.u32 $0x7, v3;
	v4 =	vand.u32 $0xFFFFFFC0, v54  }
0x283: {  	v3 =	vor.u32 v3, v4  }
0x284: {  	v4 =	vperm.xlane v3, v0;
	_ =	sdelay $0x1  }
0x285: {  	v4 =	vadd.s32 v1, v4;
	_ =	sdelay $0x4  }
0x286: {  	[tilespmem:s0], [sflag:$0x5] =	stream.indirect_vreg.gather [hbm4b:s4+s2], $0x80, v4, vm0, $0xb8;
	[tilespmem:$0x18200] =	vst v63  }
0x287: {  	s18 =	simm.s32 $0x10A00;
	v3 =	vperm.xlane v3, v2  }
0x288: {  	[tilespmem:s18], [sflag:$0x5] =	stream.indirect_vreg.gather [hbm4b:s5+s2], $0x80, v4, vm0, $0xb8;
	[tilespmem:$0x18200] =	vst v63  }
0x289: {  	s19 =	simm.s32 $0x11200;
	v3 =	vadd.s32 v1, v3  }
0x28a: {  	[tilespmem:s19], [sflag:$0x5] =	stream.indirect_vreg.gather [hbm4b:s6+s2], $0x80, v4, vm0, $0xb8;
	[tilespmem:$0x18200] =	vst v63  }
0x28b: {  	s8 =	simm.s32 $0x11A00  }
0x28c: {  	[tilespmem:s8], [sflag:$0x5] =	stream.indirect_vreg.gather [hbm4b:s7+s2], $0x80, v4, vm0, $0xb8;
	[tilespmem:$0x18200] =	vst v63  }
0x28d: {  	s10 =	simm.s32 $0x12200  }
0x28e: {  	[tilespmem:s10], [sflag:$0x5] =	stream.indirect_vreg.gather [hbm4b:s4+s2], $0x80, v3, vm0, $0xb8;
	[tilespmem:$0x18200] =	vst v63  }
0x28f: {  	s18 =	simm.s32 $0x12A00  }
0x290: {  	[tilespmem:s18], [sflag:$0x5] =	stream.indirect_vreg.gather [hbm4b:s5+s2], $0x80, v3, vm0, $0xb8;
	[tilespmem:$0x18200] =	vst v63  }
0x291: {  	s19 =	simm.s32 $0x13200  }
0x292: {  	[tilespmem:s19], [sflag:$0x5] =	stream.indirect_vreg.gather [hbm4b:s6+s2], $0x80, v3, vm0, $0xb8;
	[tilespmem:$0x18200] =	vst v63  }
0x293: {  	_ = 	snop  }
0x294: {  	[tilespmem:s21], [sflag:$0x5] =	stream.indirect_vreg.gather [hbm4b:s7+s2], $0x80, v3, vm0, $0xb8;
	[tilespmem:$0x18200] =	vst v63  }
0x295: {  	_ =	swait.ge [sflag:s30], $0x4000  }
0x296: {  	[sflag:s30] =	ssyncset.done $0x0  }
0x297: {  	s0 =	simm.s32 $0x200;
	s21 =	rddreg [dreg:$0x15];
	[sflag:s30] =	ssyncadd.s32 $0xFFFFC000  }
0x298: {  	[hbm4b:s21+s2] =	stream.linear.scatter [tilespmem:s0], [sflag:$0x7], $0x4000, $0x38;
	[tilespmem:$0x18200] =	vst v63  }
0x299: {  	_ =	swait.ge [sflag:s17], $0x4000  }
0x29a: {  	[sflag:s17] =	ssyncset.done $0x0  }
0x29b: {  	[sflag:s17] =	ssyncadd.s32 $0xFFFFC000  }
0x29c: {  	v3 =	vld [tilespmem:$0x170];
	_ =	sdelay $0x4  }
0x29d: {  	v55 =	vshll.u32 v3, $0x3  }
0x29e: {  	v3 =	vand.u32 $0x7, v3;
	v4 =	vand.u32 $0xFFFFFFC0, v55  }
0x29f: {  	v3 =	vor.u32 v3, v4  }
0x2a0: {  	v4 =	vperm.xlane v3, v0;
	_ =	sdelay $0x1  }
0x2a1: {  	v4 =	vadd.s32 v1, v4;
	_ =	sdelay $0x4  }
0x2a2: {  	[tilespmem:s3], [sflag:$0x6] =	stream.indirect_vreg.gather [hbm4b:s4+s2], $0x80, v4, vm0, $0xb8;
	[tilespmem:$0x18200] =	vst v63  }
0x2a3: {  	s8 =	simm.s32 $0x14A00;
	v3 =	vperm.xlane v3, v2  }
0x2a4: {  	[tilespmem:s8], [sflag:$0x6] =	stream.indirect_vreg.gather [hbm4b:s5+s2], $0x80, v4, vm0, $0xb8;
	[tilespmem:$0x18200] =	vst v63  }
0x2a5: {  	s10 =	simm.s32 $0x15200;
	v3 =	vadd.s32 v1, v3  }
0x2a6: {  	[tilespmem:s10], [sflag:$0x6] =	stream.indirect_vreg.gather [hbm4b:s6+s2], $0x80, v4, vm0, $0xb8;
	[tilespmem:$0x18200] =	vst v63  }
0x2a7: {  	s18 =	simm.s32 $0x15A00  }
0x2a8: {  	[tilespmem:s18], [sflag:$0x6] =	stream.indirect_vreg.gather [hbm4b:s7+s2], $0x80, v4, vm0, $0xb8;
	[tilespmem:$0x18200] =	vst v63  }
0x2a9: {  	s19 =	simm.s32 $0x16200  }
0x2aa: {  	[tilespmem:s19], [sflag:$0x6] =	stream.indirect_vreg.gather [hbm4b:s4+s2], $0x80, v3, vm0, $0xb8;
	[tilespmem:$0x18200] =	vst v63  }
0x2ab: {  	_ = 	snop  }
0x2ac: {  	[tilespmem:s22], [sflag:$0x6] =	stream.indirect_vreg.gather [hbm4b:s5+s2], $0x80, v3, vm0, $0xb8;
	[tilespmem:$0x18200] =	vst v63  }
0x2ad: {  	_ = 	snop  }
0x2ae: {  	[tilespmem:s24], [sflag:$0x6] =	stream.indirect_vreg.gather [hbm4b:s6+s2], $0x80, v3, vm0, $0xb8;
	[tilespmem:$0x18200] =	vst v63  }
0x2af: {  	s3 =	simm.s32 $0x17A00  }
0x2b0: {  	[tilespmem:s3], [sflag:$0x6] =	stream.indirect_vreg.gather [hbm4b:s7+s2], $0x80, v3, vm0, $0xb8;
	[tilespmem:$0x18200] =	vst v63  }
0x2b1: {  	_ =	swait.ge [sflag:s29], $0x4000  }
0x2b2: {  	[sflag:s29] =	ssyncset.done $0x0  }
0x2b3: {  	s3 =	simm.s32 $0x4200;
	s8 =	rddreg [dreg:$0x16];
	[sflag:s29] =	ssyncadd.s32 $0xFFFFC000  }
0x2b4: {  	[hbm4b:s8+s2] =	stream.linear.scatter [tilespmem:s3], [sflag:$0x8], $0x4000, $0x38;
	[tilespmem:$0x18200] =	vst v63  }
0x2b5: {  	_ =	swait.ge [sflag:s1], $0x4000  }
0x2b6: {  	[sflag:s1] =	ssyncset.done $0x0  }
0x2b7: {  	[sflag:s1] =	ssyncadd.s32 $0xFFFFC000  }
0x2b8: {  	v3 =	vld [tilespmem:$0x180];
	_ =	sdelay $0x4  }
0x2b9: {  	v56 =	vshll.u32 v3, $0x3  }
0x2ba: {  	v3 =	vand.u32 $0x7, v3;
	v4 =	vand.u32 $0xFFFFFFC0, v56  }
0x2bb: {  	v3 =	vor.u32 v3, v4  }
0x2bc: {  	v4 =	vperm.xlane v3, v0;
	_ =	sdelay $0x1  }
0x2bd: {  	v4 =	vadd.s32 v1, v4;
	_ =	sdelay $0x4  }
0x2be: {  	[tilespmem:s0], [sflag:$0x1] =	stream.indirect_vreg.gather [hbm4b:s4+s2], $0x80, v4, vm0, $0xb8;
	[tilespmem:$0x18200] =	vst v63  }
0x2bf: {  	s10 =	simm.s32 $0xA00;
	v3 =	vperm.xlane v3, v2  }
0x2c0: {  	[tilespmem:s10], [sflag:$0x1] =	stream.indirect_vreg.gather [hbm4b:s5+s2], $0x80, v4, vm0, $0xb8;
	[tilespmem:$0x18200] =	vst v63  }
0x2c1: {  	s18 =	simm.s32 $0x1200;
	v3 =	vadd.s32 v1, v3  }
0x2c2: {  	[tilespmem:s18], [sflag:$0x1] =	stream.indirect_vreg.gather [hbm4b:s6+s2], $0x80, v4, vm0, $0xb8;
	[tilespmem:$0x18200] =	vst v63  }
0x2c3: {  	s0 =	simm.s32 $0x1A00  }
0x2c4: {  	[tilespmem:s0], [sflag:$0x1] =	stream.indirect_vreg.gather [hbm4b:s7+s2], $0x80, v4, vm0, $0xb8;
	[tilespmem:$0x18200] =	vst v63  }
0x2c5: {  	s10 =	simm.s32 $0x2200  }
0x2c6: {  	[tilespmem:s10], [sflag:$0x1] =	stream.indirect_vreg.gather [hbm4b:s4+s2], $0x80, v3, vm0, $0xb8;
	[tilespmem:$0x18200] =	vst v63  }
0x2c7: {  	s18 =	simm.s32 $0x2A00  }
0x2c8: {  	[tilespmem:s18], [sflag:$0x1] =	stream.indirect_vreg.gather [hbm4b:s5+s2], $0x80, v3, vm0, $0xb8;
	[tilespmem:$0x18200] =	vst v63  }
0x2c9: {  	s0 =	simm.s32 $0x3200  }
0x2ca: {  	[tilespmem:s0], [sflag:$0x1] =	stream.indirect_vreg.gather [hbm4b:s6+s2], $0x80, v3, vm0, $0xb8;
	[tilespmem:$0x18200] =	vst v63  }
0x2cb: {  	s10 =	simm.s32 $0x3A00  }
0x2cc: {  	[tilespmem:s10], [sflag:$0x1] =	stream.indirect_vreg.gather [hbm4b:s7+s2], $0x80, v3, vm0, $0xb8;
	[tilespmem:$0x18200] =	vst v63  }
0x2cd: {  	_ =	swait.ge [sflag:s23], $0x4000  }
0x2ce: {  	[sflag:s23] =	ssyncset.done $0x0  }
0x2cf: {  	s0 =	simm.s32 $0x8200;
	s18 =	rddreg [dreg:$0x17];
	[sflag:s23] =	ssyncadd.s32 $0xFFFFC000  }
0x2d0: {  	[hbm4b:s18+s2] =	stream.linear.scatter [tilespmem:s0], [sflag:$0x9], $0x4000, $0x38;
	[tilespmem:$0x18200] =	vst v63  }
0x2d1: {  	_ =	swait.ge [sflag:s9], $0x4000  }
0x2d2: {  	[sflag:s9] =	ssyncset.done $0x0  }
0x2d3: {  	[sflag:s9] =	ssyncadd.s32 $0xFFFFC000  }
0x2d4: {  	v3 =	vld [tilespmem:$0x190];
	_ =	sdelay $0x4  }
0x2d5: {  	v57 =	vshll.u32 v3, $0x3  }
0x2d6: {  	v3 =	vand.u32 $0x7, v3;
	v4 =	vand.u32 $0xFFFFFFC0, v57  }
0x2d7: {  	v3 =	vor.u32 v3, v4  }
0x2d8: {  	v4 =	vperm.xlane v3, v0;
	_ =	sdelay $0x1  }
0x2d9: {  	v4 =	vadd.s32 v1, v4;
	_ =	sdelay $0x4  }
0x2da: {  	[tilespmem:s3], [sflag:$0x2] =	stream.indirect_vreg.gather [hbm4b:s4+s2], $0x80, v4, vm0, $0xb8;
	[tilespmem:$0x18200] =	vst v63  }
0x2db: {  	v3 =	vperm.xlane v3, v2  }
0x2dc: {  	[tilespmem:s31], [sflag:$0x2] =	stream.indirect_vreg.gather [hbm4b:s5+s2], $0x80, v4, vm0, $0xb8;
	[tilespmem:$0x18200] =	vst v63  }
0x2dd: {  	s10 =	simm.s32 $0x5200;
	v3 =	vadd.s32 v1, v3  }
0x2de: {  	[tilespmem:s10], [sflag:$0x2] =	stream.indirect_vreg.gather [hbm4b:s6+s2], $0x80, v4, vm0, $0xb8;
	[tilespmem:$0x18200] =	vst v63  }
0x2df: {  	_ = 	snop  }
0x2e0: {  	[tilespmem:s20], [sflag:$0x2] =	stream.indirect_vreg.gather [hbm4b:s7+s2], $0x80, v4, vm0, $0xb8;
	[tilespmem:$0x18200] =	vst v63  }
0x2e1: {  	_ = 	snop  }
0x2e2: {  	[tilespmem:s25], [sflag:$0x2] =	stream.indirect_vreg.gather [hbm4b:s4+s2], $0x80, v3, vm0, $0xb8;
	[tilespmem:$0x18200] =	vst v63  }
0x2e3: {  	_ = 	snop  }
0x2e4: {  	[tilespmem:s26], [sflag:$0x2] =	stream.indirect_vreg.gather [hbm4b:s5+s2], $0x80, v3, vm0, $0xb8;
	[tilespmem:$0x18200] =	vst v63  }
0x2e5: {  	_ = 	snop  }
0x2e6: {  	[tilespmem:s28], [sflag:$0x2] =	stream.indirect_vreg.gather [hbm4b:s6+s2], $0x80, v3, vm0, $0xb8;
	[tilespmem:$0x18200] =	vst v63  }
0x2e7: {  	s18 =	simm.s32 $0x7A00  }
0x2e8: {  	[tilespmem:s18], [sflag:$0x2] =	stream.indirect_vreg.gather [hbm4b:s7+s2], $0x80, v3, vm0, $0xb8;
	[tilespmem:$0x18200] =	vst v63  }
0x2e9: {  	_ =	swait.ge [sflag:s11], $0x4000  }
0x2ea: {  	[sflag:s11] =	ssyncset.done $0x0  }
0x2eb: {  	s18 =	simm.s32 $0xC200;
	s10 =	rddreg [dreg:$0x18];
	[sflag:s11] =	ssyncadd.s32 $0xFFFFC000  }
0x2ec: {  	[hbm4b:s10+s2] =	stream.linear.scatter [tilespmem:s18], [sflag:$0xA], $0x4000, $0x38;
	[tilespmem:$0x18200] =	vst v63  }
0x2ed: {  	_ =	swait.ge [sflag:s12], $0x4000  }
0x2ee: {  	[sflag:s12] =	ssyncset.done $0x0  }
0x2ef: {  	[sflag:s12] =	ssyncadd.s32 $0xFFFFC000  }
0x2f0: {  	v3 =	vld [tilespmem:$0x1A0];
	_ =	sdelay $0x4  }
0x2f1: {  	v58 =	vshll.u32 v3, $0x3  }
0x2f2: {  	v3 =	vand.u32 $0x7, v3;
	v4 =	vand.u32 $0xFFFFFFC0, v58  }
0x2f3: {  	v3 =	vor.u32 v3, v4  }
0x2f4: {  	v4 =	vperm.xlane v3, v0;
	_ =	sdelay $0x1  }
0x2f5: {  	v4 =	vadd.s32 v1, v4;
	_ =	sdelay $0x4  }
0x2f6: {  	[tilespmem:s0], [sflag:$0x3] =	stream.indirect_vreg.gather [hbm4b:s4+s2], $0x80, v4, vm0, $0xb8;
	[tilespmem:$0x18200] =	vst v63  }
0x2f7: {  	s19 =	simm.s32 $0x8A00;
	v3 =	vperm.xlane v3, v2  }
0x2f8: {  	[tilespmem:s19], [sflag:$0x3] =	stream.indirect_vreg.gather [hbm4b:s5+s2], $0x80, v4, vm0, $0xb8;
	[tilespmem:$0x18200] =	vst v63  }
0x2f9: {  	v3 =	vadd.s32 v1, v3;
	s19 =	simm.s32 $0x9200  }
0x2fa: {  	[tilespmem:s19], [sflag:$0x3] =	stream.indirect_vreg.gather [hbm4b:s6+s2], $0x80, v4, vm0, $0xb8;
	[tilespmem:$0x18200] =	vst v63  }
0x2fb: {  	s19 =	simm.s32 $0x9A00  }
0x2fc: {  	[tilespmem:s19], [sflag:$0x3] =	stream.indirect_vreg.gather [hbm4b:s7+s2], $0x80, v4, vm0, $0xb8;
	[tilespmem:$0x18200] =	vst v63  }
0x2fd: {  	s19 =	simm.s32 $0xA200  }
0x2fe: {  	[tilespmem:s19], [sflag:$0x3] =	stream.indirect_vreg.gather [hbm4b:s4+s2], $0x80, v3, vm0, $0xb8;
	[tilespmem:$0x18200] =	vst v63  }
0x2ff: {  	s19 =	simm.s32 $0xAA00  }
0x300: {  	[tilespmem:s19], [sflag:$0x3] =	stream.indirect_vreg.gather [hbm4b:s5+s2], $0x80, v3, vm0, $0xb8;
	[tilespmem:$0x18200] =	vst v63  }
0x301: {  	s19 =	simm.s32 $0xB200  }
0x302: {  	[tilespmem:s19], [sflag:$0x3] =	stream.indirect_vreg.gather [hbm4b:s6+s2], $0x80, v3, vm0, $0xb8;
	[tilespmem:$0x18200] =	vst v63  }
0x303: {  	s19 =	simm.s32 $0xBA00  }
0x304: {  	[tilespmem:s19], [sflag:$0x3] =	stream.indirect_vreg.gather [hbm4b:s7+s2], $0x80, v3, vm0, $0xb8;
	[tilespmem:$0x18200] =	vst v63  }
0x305: {  	_ =	swait.ge [sflag:s13], $0x4000  }
0x306: {  	[sflag:s13] =	ssyncset.done $0x0  }
0x307: {  	s0 =	simm.s32 $0x10200;
	s19 =	rddreg [dreg:$0x19];
	[sflag:s13] =	ssyncadd.s32 $0xFFFFC000  }
0x308: {  	[hbm4b:s19+s2] =	stream.linear.scatter [tilespmem:s0], [sflag:$0xB], $0x4000, $0x38;
	[tilespmem:$0x18200] =	vst v63  }
0x309: {  	_ =	swait.ge [sflag:s14], $0x4000  }
0x30a: {  	[sflag:s14] =	ssyncset.done $0x0  }
0x30b: {  	[sflag:s14] =	ssyncadd.s32 $0xFFFFC000  }
0x30c: {  	v3 =	vld [tilespmem:$0x1B0];
	_ =	sdelay $0x4  }
0x30d: {  	v59 =	vshll.u32 v3, $0x3  }
0x30e: {  	v3 =	vand.u32 $0x7, v3;
	v4 =	vand.u32 $0xFFFFFFC0, v59  }
0x30f: {  	v3 =	vor.u32 v3, v4  }
0x310: {  	v4 =	vperm.xlane v3, v0;
	_ =	sdelay $0x1  }
0x311: {  	v4 =	vadd.s32 v1, v4;
	_ =	sdelay $0x4  }
0x312: {  	[tilespmem:s18], [sflag:$0x4] =	stream.indirect_vreg.gather [hbm4b:s4+s2], $0x80, v4, vm0, $0xb8;
	[tilespmem:$0x18200] =	vst v63  }
0x313: {  	s19 =	simm.s32 $0xCA00;
	v3 =	vperm.xlane v3, v2  }
0x314: {  	[tilespmem:s19], [sflag:$0x4] =	stream.indirect_vreg.gather [hbm4b:s5+s2], $0x80, v4, vm0, $0xb8;
	[tilespmem:$0x18200] =	vst v63  }
0x315: {  	v3 =	vadd.s32 v1, v3;
	s19 =	simm.s32 $0xD200  }
0x316: {  	[tilespmem:s19], [sflag:$0x4] =	stream.indirect_vreg.gather [hbm4b:s6+s2], $0x80, v4, vm0, $0xb8;
	[tilespmem:$0x18200] =	vst v63  }
0x317: {  	s19 =	simm.s32 $0xDA00  }
0x318: {  	[tilespmem:s19], [sflag:$0x4] =	stream.indirect_vreg.gather [hbm4b:s7+s2], $0x80, v4, vm0, $0xb8;
	[tilespmem:$0x18200] =	vst v63  }
0x319: {  	s19 =	simm.s32 $0xE200  }
0x31a: {  	[tilespmem:s19], [sflag:$0x4] =	stream.indirect_vreg.gather [hbm4b:s4+s2], $0x80, v3, vm0, $0xb8;
	[tilespmem:$0x18200] =	vst v63  }
0x31b: {  	s19 =	simm.s32 $0xEA00  }
0x31c: {  	[tilespmem:s19], [sflag:$0x4] =	stream.indirect_vreg.gather [hbm4b:s5+s2], $0x80, v3, vm0, $0xb8;
	[tilespmem:$0x18200] =	vst v63  }
0x31d: {  	s19 =	simm.s32 $0xF200  }
0x31e: {  	[tilespmem:s19], [sflag:$0x4] =	stream.indirect_vreg.gather [hbm4b:s6+s2], $0x80, v3, vm0, $0xb8;
	[tilespmem:$0x18200] =	vst v63  }
0x31f: {  	s19 =	simm.s32 $0xFA00  }
0x320: {  	[tilespmem:s19], [sflag:$0x4] =	stream.indirect_vreg.gather [hbm4b:s7+s2], $0x80, v3, vm0, $0xb8;
	[tilespmem:$0x18200] =	vst v63  }
0x321: {  	_ =	swait.ge [sflag:s15], $0x4000  }
0x322: {  	[sflag:s15] =	ssyncset.done $0x0  }
0x323: {  	s21 =	simm.s32 $0x14200;
	s19 =	rddreg [dreg:$0x1a];
	[sflag:s15] =	ssyncadd.s32 $0xFFFFC000  }
0x324: {  	[hbm4b:s19+s2] =	stream.linear.scatter [tilespmem:s21], [sflag:$0xC], $0x4000, $0x38;
	[tilespmem:$0x18200] =	vst v63  }
0x325: {  	_ =	swait.ge [sflag:s16], $0x4000  }
0x326: {  	[sflag:s16] =	ssyncset.done $0x0  }
0x327: {  	[sflag:s16] =	ssyncadd.s32 $0xFFFFC000  }
0x328: {  	v3 =	vld [tilespmem:$0x1C0];
	_ =	sdelay $0x4  }
0x329: {  	v60 =	vshll.u32 v3, $0x3  }
0x32a: {  	v3 =	vand.u32 $0x7, v3;
	v4 =	vand.u32 $0xFFFFFFC0, v60  }
0x32b: {  	v3 =	vor.u32 v3, v4  }
0x32c: {  	v4 =	vperm.xlane v3, v0;
	_ =	sdelay $0x1  }
0x32d: {  	v4 =	vadd.s32 v1, v4;
	_ =	sdelay $0x4  }
0x32e: {  	[tilespmem:s0], [sflag:$0x5] =	stream.indirect_vreg.gather [hbm4b:s4+s2], $0x80, v4, vm0, $0xb8;
	[tilespmem:$0x18200] =	vst v63  }
0x32f: {  	s19 =	simm.s32 $0x10A00;
	v3 =	vperm.xlane v3, v2  }
0x330: {  	[tilespmem:s19], [sflag:$0x5] =	stream.indirect_vreg.gather [hbm4b:s5+s2], $0x80, v4, vm0, $0xb8;
	[tilespmem:$0x18200] =	vst v63  }
0x331: {  	v3 =	vadd.s32 v1, v3;
	s19 =	simm.s32 $0x11200  }
0x332: {  	[tilespmem:s19], [sflag:$0x5] =	stream.indirect_vreg.gather [hbm4b:s6+s2], $0x80, v4, vm0, $0xb8;
	[tilespmem:$0x18200] =	vst v63  }
0x333: {  	s19 =	simm.s32 $0x11A00  }
0x334: {  	[tilespmem:s19], [sflag:$0x5] =	stream.indirect_vreg.gather [hbm4b:s7+s2], $0x80, v4, vm0, $0xb8;
	[tilespmem:$0x18200] =	vst v63  }
0x335: {  	s19 =	simm.s32 $0x12200  }
0x336: {  	[tilespmem:s19], [sflag:$0x5] =	stream.indirect_vreg.gather [hbm4b:s4+s2], $0x80, v3, vm0, $0xb8;
	[tilespmem:$0x18200] =	vst v63  }
0x337: {  	s19 =	simm.s32 $0x12A00  }
0x338: {  	[tilespmem:s19], [sflag:$0x5] =	stream.indirect_vreg.gather [hbm4b:s5+s2], $0x80, v3, vm0, $0xb8;
	[tilespmem:$0x18200] =	vst v63  }
0x339: {  	s19 =	simm.s32 $0x13200  }
0x33a: {  	[tilespmem:s19], [sflag:$0x5] =	stream.indirect_vreg.gather [hbm4b:s6+s2], $0x80, v3, vm0, $0xb8;
	[tilespmem:$0x18200] =	vst v63  }
0x33b: {  	s19 =	simm.s32 $0x13A00  }
0x33c: {  	[tilespmem:s19], [sflag:$0x5] =	stream.indirect_vreg.gather [hbm4b:s7+s2], $0x80, v3, vm0, $0xb8;
	[tilespmem:$0x18200] =	vst v63  }
0x33d: {  	_ =	swait.ge [sflag:s30], $0x4000  }
0x33e: {  	[sflag:s30] =	ssyncset.done $0x0  }
0x33f: {  	s8 =	simm.s32 $0x200;
	s19 =	rddreg [dreg:$0x1b];
	[sflag:s30] =	ssyncadd.s32 $0xFFFFC000  }
0x340: {  	[hbm4b:s19+s2] =	stream.linear.scatter [tilespmem:s8], [sflag:$0x7], $0x4000, $0x38;
	[tilespmem:$0x18200] =	vst v63  }
0x341: {  	_ =	swait.ge [sflag:s17], $0x4000  }
0x342: {  	[sflag:s17] =	ssyncset.done $0x0  }
0x343: {  	[sflag:s17] =	ssyncadd.s32 $0xFFFFC000  }
0x344: {  	v3 =	vld [tilespmem:$0x1D0];
	_ =	sdelay $0x4  }
0x345: {  	v61 =	vshll.u32 v3, $0x3  }
0x346: {  	v3 =	vand.u32 $0x7, v3;
	v4 =	vand.u32 $0xFFFFFFC0, v61  }
0x347: {  	v3 =	vor.u32 v3, v4  }
0x348: {  	v4 =	vperm.xlane v3, v0;
	_ =	sdelay $0x1  }
0x349: {  	v4 =	vadd.s32 v1, v4;
	_ =	sdelay $0x4  }
0x34a: {  	[tilespmem:s21], [sflag:$0x6] =	stream.indirect_vreg.gather [hbm4b:s4+s2], $0x80, v4, vm0, $0xb8;
	[tilespmem:$0x18200] =	vst v63  }
0x34b: {  	s19 =	simm.s32 $0x14A00;
	v3 =	vperm.xlane v3, v2  }
0x34c: {  	[tilespmem:s19], [sflag:$0x6] =	stream.indirect_vreg.gather [hbm4b:s5+s2], $0x80, v4, vm0, $0xb8;
	[tilespmem:$0x18200] =	vst v63  }
0x34d: {  	v3 =	vadd.s32 v1, v3;
	s19 =	simm.s32 $0x15200  }
0x34e: {  	[tilespmem:s19], [sflag:$0x6] =	stream.indirect_vreg.gather [hbm4b:s6+s2], $0x80, v4, vm0, $0xb8;
	[tilespmem:$0x18200] =	vst v63  }
0x34f: {  	s19 =	simm.s32 $0x15A00  }
0x350: {  	[tilespmem:s19], [sflag:$0x6] =	stream.indirect_vreg.gather [hbm4b:s7+s2], $0x80, v4, vm0, $0xb8;
	[tilespmem:$0x18200] =	vst v63  }
0x351: {  	s19 =	simm.s32 $0x16200  }
0x352: {  	[tilespmem:s19], [sflag:$0x6] =	stream.indirect_vreg.gather [hbm4b:s4+s2], $0x80, v3, vm0, $0xb8;
	[tilespmem:$0x18200] =	vst v63  }
0x353: {  	s22 =	simm.s32 $0x16A00  }
0x354: {  	[tilespmem:s22], [sflag:$0x6] =	stream.indirect_vreg.gather [hbm4b:s5+s2], $0x80, v3, vm0, $0xb8;
	[tilespmem:$0x18200] =	vst v63  }
0x355: {  	s24 =	simm.s32 $0x17200  }
0x356: {  	[tilespmem:s24], [sflag:$0x6] =	stream.indirect_vreg.gather [hbm4b:s6+s2], $0x80, v3, vm0, $0xb8;
	[tilespmem:$0x18200] =	vst v63  }
0x357: {  	s22 =	simm.s32 $0x17A00  }
0x358: {  	[tilespmem:s22], [sflag:$0x6] =	stream.indirect_vreg.gather [hbm4b:s7+s2], $0x80, v3, vm0, $0xb8;
	[tilespmem:$0x18200] =	vst v63  }
0x359: {  	_ =	swait.ge [sflag:s29], $0x4000  }
0x35a: {  	[sflag:s29] =	ssyncset.done $0x0  }
0x35b: {  	s3 =	simm.s32 $0x4200;
	s24 =	rddreg [dreg:$0x1c];
	[sflag:s29] =	ssyncadd.s32 $0xFFFFC000  }
0x35c: {  	[hbm4b:s24+s2] =	stream.linear.scatter [tilespmem:s3], [sflag:$0x8], $0x4000, $0x38;
	[tilespmem:$0x18200] =	vst v63  }
0x35d: {  	_ =	swait.ge [sflag:s1], $0x4000  }
0x35e: {  	[sflag:s1] =	ssyncset.done $0x0  }
0x35f: {  	[sflag:s1] =	ssyncadd.s32 $0xFFFFC000  }
0x360: {  	v3 =	vld [tilespmem:$0x1E0];
	_ =	sdelay $0x4  }
0x361: {  	v62 =	vshll.u32 v3, $0x3  }
0x362: {  	v3 =	vand.u32 $0x7, v3;
	v4 =	vand.u32 $0xFFFFFFC0, v62  }
0x363: {  	v3 =	vor.u32 v3, v4  }
0x364: {  	v4 =	vperm.xlane v3, v0;
	_ =	sdelay $0x1  }
0x365: {  	v4 =	vadd.s32 v1, v4;
	_ =	sdelay $0x4  }
0x366: {  	[tilespmem:s8], [sflag:$0x1] =	stream.indirect_vreg.gather [hbm4b:s4+s2], $0x80, v4, vm0, $0xb8;
	[tilespmem:$0x18200] =	vst v63  }
0x367: {  	s22 =	simm.s32 $0xA00;
	v3 =	vperm.xlane v3, v2  }
0x368: {  	[tilespmem:s22], [sflag:$0x1] =	stream.indirect_vreg.gather [hbm4b:s5+s2], $0x80, v4, vm0, $0xb8;
	[tilespmem:$0x18200] =	vst v63  }
0x369: {  	s24 =	simm.s32 $0x1200;
	v3 =	vadd.s32 v1, v3  }
0x36a: {  	[tilespmem:s24], [sflag:$0x1] =	stream.indirect_vreg.gather [hbm4b:s6+s2], $0x80, v4, vm0, $0xb8;
	[tilespmem:$0x18200] =	vst v63  }
0x36b: {  	s22 =	simm.s32 $0x1A00  }
0x36c: {  	[tilespmem:s22], [sflag:$0x1] =	stream.indirect_vreg.gather [hbm4b:s7+s2], $0x80, v4, vm0, $0xb8;
	[tilespmem:$0x18200] =	vst v63  }
0x36d: {  	s24 =	simm.s32 $0x2200  }
0x36e: {  	[tilespmem:s24], [sflag:$0x1] =	stream.indirect_vreg.gather [hbm4b:s4+s2], $0x80, v3, vm0, $0xb8;
	[tilespmem:$0x18200] =	vst v63  }
0x36f: {  	s22 =	simm.s32 $0x2A00  }
0x370: {  	[tilespmem:s22], [sflag:$0x1] =	stream.indirect_vreg.gather [hbm4b:s5+s2], $0x80, v3, vm0, $0xb8;
	[tilespmem:$0x18200] =	vst v63  }
0x371: {  	s24 =	simm.s32 $0x3200  }
0x372: {  	[tilespmem:s24], [sflag:$0x1] =	stream.indirect_vreg.gather [hbm4b:s6+s2], $0x80, v3, vm0, $0xb8;
	[tilespmem:$0x18200] =	vst v63  }
0x373: {  	s22 =	simm.s32 $0x3A00  }
0x374: {  	[tilespmem:s22], [sflag:$0x1] =	stream.indirect_vreg.gather [hbm4b:s7+s2], $0x80, v3, vm0, $0xb8;
	[tilespmem:$0x18200] =	vst v63  }
0x375: {  	_ =	swait.ge [sflag:s23], $0x4000  }
0x376: {  	[sflag:s23] =	ssyncset.done $0x0  }
0x377: {  	s10 =	simm.s32 $0x8200;
	s24 =	rddreg [dreg:$0x1d];
	[sflag:s23] =	ssyncadd.s32 $0xFFFFC000  }
0x378: {  	[hbm4b:s24+s2] =	stream.linear.scatter [tilespmem:s10], [sflag:$0x9], $0x4000, $0x38;
	[tilespmem:$0x18200] =	vst v63  }
0x379: {  	_ =	swait.ge [sflag:s9], $0x4000  }
0x37a: {  	[sflag:s9] =	ssyncset.done $0x0  }
0x37b: {  	[sflag:s9] =	ssyncadd.s32 $0xFFFFC000  }
0x37c: {  	v3 =	vld [tilespmem:$0x1F0];
	_ =	sdelay $0x4  }
0x37d: {  	v63 =	vshll.u32 v3, $0x3  }
0x37e: {  	v3 =	vand.u32 $0x7, v3;
	v4 =	vand.u32 $0xFFFFFFC0, v63  }
0x37f: {  	v3 =	vor.u32 v3, v4  }
0x380: {  	v4 =	vperm.xlane v3, v0;
	_ =	sdelay $0x1  }
0x381: {  	v4 =	vadd.s32 v1, v4;
	_ =	sdelay $0x4  }
0x382: {  	[tilespmem:s3], [sflag:$0x2] =	stream.indirect_vreg.gather [hbm4b:s4+s2], $0x80, v4, vm0, $0xb8;
	[tilespmem:$0x18200] =	vst v63  }
0x383: {  	s31 =	simm.s32 $0x4A00;
	v3 =	vperm.xlane v3, v2  }
0x384: {  	[tilespmem:s31], [sflag:$0x2] =	stream.indirect_vreg.gather [hbm4b:s5+s2], $0x80, v4, vm0, $0xb8;
	[tilespmem:$0x18200] =	vst v63  }
0x385: {  	s19 =	simm.s32 $0x5200;
	v3 =	vadd.s32 v1, v3  }
0x386: {  	[tilespmem:s19], [sflag:$0x2] =	stream.indirect_vreg.gather [hbm4b:s6+s2], $0x80, v4, vm0, $0xb8;
	[tilespmem:$0x18200] =	vst v63  }
0x387: {  	s20 =	simm.s32 $0x5A00  }
0x388: {  	[tilespmem:s20], [sflag:$0x2] =	stream.indirect_vreg.gather [hbm4b:s7+s2], $0x80, v4, vm0, $0xb8;
	[tilespmem:$0x18200] =	vst v63  }
0x389: {  	s25 =	simm.s32 $0x6200  }
0x38a: {  	[tilespmem:s25], [sflag:$0x2] =	stream.indirect_vreg.gather [hbm4b:s4+s2], $0x80, v3, vm0, $0xb8;
	[tilespmem:$0x18200] =	vst v63  }
0x38b: {  	s26 =	simm.s32 $0x6A00  }
0x38c: {  	[tilespmem:s26], [sflag:$0x2] =	stream.indirect_vreg.gather [hbm4b:s5+s2], $0x80, v3, vm0, $0xb8;
	[tilespmem:$0x18200] =	vst v63  }
0x38d: {  	s28 =	simm.s32 $0x7200  }
0x38e: {  	[tilespmem:s28], [sflag:$0x2] =	stream.indirect_vreg.gather [hbm4b:s6+s2], $0x80, v3, vm0, $0xb8;
	[tilespmem:$0x18200] =	vst v63  }
0x38f: {  	s20 =	simm.s32 $0x7A00  }
0x390: {  	[tilespmem:s20], [sflag:$0x2] =	stream.indirect_vreg.gather [hbm4b:s7+s2], $0x80, v3, vm0, $0xb8;
	[tilespmem:$0x18200] =	vst v63  }
0x391: {  	_ =	swait.ge [sflag:s11], $0x4000  }
0x392: {  	[sflag:s11] =	ssyncset.done $0x0  }
0x393: {  	s18 =	simm.s32 $0xC200;
	s22 =	rddreg [dreg:$0x1e];
	[sflag:s11] =	ssyncadd.s32 $0xFFFFC000  }
0x394: {  	[hbm4b:s22+s2] =	stream.linear.scatter [tilespmem:s18], [sflag:$0xA], $0x4000, $0x38;
	[tilespmem:$0x18200] =	vst v63  }
0x395: {  	_ =	swait.ge [sflag:s13], $0x4000  }
0x396: {  	[sflag:s13] =	ssyncset.done $0x0  }
0x397: {  	s0 =	simm.s32 $0x10200;
	s24 =	rddreg [dreg:$0x1f];
	[sflag:s13] =	ssyncadd.s32 $0xFFFFC000  }
0x398: {  	[hbm4b:s24+s2] =	stream.linear.scatter [tilespmem:s0], [sflag:$0xB], $0x4000, $0x38;
	[tilespmem:$0x18200] =	vst v63  }
0x399: {  	_ =	swait.ge [sflag:s15], $0x4000  }
0x39a: {  	s25 =	sld [smem:$0x7FA]  }
0x39b: {  	[sflag:s15] =	ssyncset.done $0x0  }
0x39c: {  	[sflag:s15] =	ssyncadd.s32 $0xFFFFC000  }
0x39d: {  	[hbm4b:s25+s2] =	stream.linear.scatter [tilespmem:s21], [sflag:$0xC], $0x4000, $0x38;
	[tilespmem:$0x18200] =	vst v63  }
0x39e: {  	_ =	swait.ge [sflag:s30], $0x4000  }
0x39f: {  	s26 =	sld [smem:$0x7FB]  }
0x3a0: {  	[sflag:s30] =	ssyncset.done $0x0  }
0x3a1: {  	[sflag:s30] =	ssyncadd.s32 $0xFFFFC000  }
0x3a2: {  	[hbm4b:s26+s2] =	stream.linear.scatter [tilespmem:s8], [sflag:$0x7], $0x4000, $0x38;
	[tilespmem:$0x18200] =	vst v63  }
0x3a3: {  	_ =	swait.ge [sflag:s29], $0x4000  }
0x3a4: {  	s28 =	sld [smem:$0x7FD]  }
0x3a5: {  	[sflag:s29] =	ssyncset.done $0x0  }
0x3a6: {  	[sflag:s29] =	ssyncadd.s32 $0xFFFFC000  }
0x3a7: {  	[hbm4b:s28+s2] =	stream.linear.scatter [tilespmem:s3], [sflag:$0x8], $0x4000, $0x38;
	[tilespmem:$0x18200] =	vst v63  }
0x3a8: {  	s31 =	sld [smem:$0x7F9];
	_ =	swait.ge [sflag:s1], $0x4000  }
0x3a9: {  	[sflag:s1] =	ssyncset.done $0x0  }
0x3aa: {  	[sflag:s1] =	ssyncadd.s32 $0xFFFFC000  }
0x3ab: {  	_ =	swait.ge [sflag:s9], $0x4000  }
0x3ac: {  	[sflag:s9] =	ssyncset.done $0x0  }
0x3ad: {  	[sflag:s9] =	ssyncadd.s32 $0xFFFFC000  }
0x3ae: {  	_ =	swait.ge [sflag:s12], $0x4000  }
0x3af: {  	[sflag:s12] =	ssyncset.done $0x0  }
0x3b0: {  	[sflag:s12] =	ssyncadd.s32 $0xFFFFC000  }
0x3b1: {  	_ =	swait.ge [sflag:s14], $0x4000  }
0x3b2: {  	[sflag:s14] =	ssyncset.done $0x0  }
0x3b3: {  	[sflag:s14] =	ssyncadd.s32 $0xFFFFC000  }
0x3b4: {  	p0 =	sne.s32 s31, $0x1;
	_ =	swait.ge [sflag:s16], $0x4000  }
.Ltmp0:
0x3b5: {  	[sflag:s16] =	ssyncset.done $0x0;
	(pc) =	sbr.rel @p0 .LBB2_1-.Ltmp0, $4  }
0x3b6: {  	[sflag:s16] =	ssyncadd.s32 $0xFFFFC000  }
0x3b7: {  	_ =	swait.ge [sflag:s17], $0x4000  }
0x3b8: {  	[sflag:s17] =	ssyncset.done $0x0  }
0x3b9: {  	s3 =	sadd.s32 $0xFFFFFFFF, s31;
	[sflag:s17] =	ssyncadd.s32 $0xFFFFC000  }
0x3ba: {  	_ =	sfence.sel $0x180000  }
0x3bb: {  	[bflag:$0x0] =	sbarrier.arrive $0xFFFF  }
0x3bc: {  	_ =	strace $0x90000047  }
0x3bd: {  	s0 =	stileid.u32;
	[bflag:$0x2] =	sbarrier.arrive $0xFFFF  }
0x3be: {  	p0 =	sne.s32 s0, $0x0;
	s0 =	rddreg [dreg:$0x2]  }
0x3bf: {  	s0 =	sadd.s32 @!p0 $0x100000, s0  }
0x3c0: {  	[sflag:s0] =	ssyncadd.tile.s32 @!p0 $0x1;
	_ =	shalt  }
.Lfunc_end2:
_tile_overlayer_lowered:
.L_overlay_start_2:
0x3c1: {  	(tag) =	ssettag $0x2  }
0x3c2: {  	s0 =	rddreg [dreg:$0x0];
	s2 =	stileid.u32  }
0x3c3: {  	s1 =	rddreg [dreg:$0x1];
	p0 =	sne.s32 s2, $0x0  }
0x3c4: {  	s3 =	rddreg [dreg:$0x2];
	[bflag:$0x3] =	sbarrier.arrive $0xFFFF;
	s2 =	simm.s32 @!p0 $0x1C0D  }
0x3c5: {  	[timem:s3], [sflag:s2] =	dma.local @!p0 [hbm:s0], s1  }
0x3c6: {  	s0 =	simm.s32 @!p0 $0xD  }
0x3c7: {  	_ =	swait.ge @!p0 [sflag:s0], s1  }
0x3c8: {  	s1 =	ssub.s32 @!p0 $0x0, s1;
	[sflag:s0] =	ssyncset.done @!p0 $0x0  }
0x3c9: {  	[sflag:s0] =	ssyncadd.s32 @!p0 s1  }
0x3ca: {  	[bflag:$0x3] =	sbarrier.arrive $0xFFFF  }
0x3cb: {  	_ =	shalt  }

</sc_bundles>
